<compile_context>
chip_gen: v7x
topology: tpu7x:2x2x1
jax: 0.10.2.dev20260603
libtpu: 0.0.44.dev20260713+nightly
codegen_flags: <defaults>
</compile_context>

<pallas_src>
import functools

import jax
import jax.numpy as jnp
from jax import lax
from jax.experimental import pallas as pl
from jax.experimental.pallas import tpu as pltpu
from jax.experimental.pallas import tpu_sc as plsc

N = 5000
NMS_THRESH = 0.3
TOPK = 300
B = 512
NB = 10
NP = B * NB
OUT_R = 304
F32 = jnp.float32

_NC, _NS = 2, 16
_NW = _NC * _NS
_RPW = NP // _NW
_CH = 80


def _rank_body(s_col_ref, s_row_ref, rank_ref):
    k_col = lax.bitcast_convert_type(s_col_ref[:, :], jnp.int32)
    k_row = lax.bitcast_convert_type(s_row_ref[:, :], jnp.int32)
    idx_col = lax.broadcasted_iota(jnp.int32, (NP, 1), 0)
    idx_row = lax.broadcasted_iota(jnp.int32, (1, NP), 1)

    rank_row_parts = []
    for t in range(NB):
        sl = slice(t * B, (t + 1) * B)
        kb_row = k_row[:, sl]
        cnt = jnp.zeros((1, B), jnp.int32)
        if t > 0:
            d_above = k_col[:t * B, :] - kb_row
            cnt = cnt + jnp.sum((d_above >= 0).astype(jnp.int32),
                                axis=0, keepdims=True)
        dd = k_col[sl, :] - kb_row
        diag = (dd > 0) | ((dd == 0) & (idx_col[sl, :] < idx_row[:, sl]))
        cnt = cnt + jnp.sum(diag.astype(jnp.int32), axis=0, keepdims=True)
        if t < NB - 1:
            d_below = k_col[(t + 1) * B:, :] - kb_row
            cnt = cnt + jnp.sum((d_below > 0).astype(jnp.int32),
                                axis=0, keepdims=True)
        rank_row_parts.append(cnt)
    rank_ref[:, :] = jnp.concatenate(rank_row_parts, axis=1)


def _sc_scatter(data, rank):
    mesh = plsc.VectorSubcoreMesh(core_axis_name="c", subcore_axis_name="s")

    @functools.partial(
        pl.kernel, mesh=mesh,
        out_type=jax.ShapeDtypeStruct((NP, 128), F32),
        scratch_types=[
            pltpu.VMEM((_CH,), jnp.int32),
            pltpu.VMEM((_CH,), jnp.int32),
            pltpu.VMEM((_CH, 128), F32),
            pltpu.VMEM((_CH, 128), F32),
            pltpu.SemaphoreType.DMA,
            pltpu.SemaphoreType.DMA,
        ],
    )
    def scatter_k(data_hbm, rank_hbm, out_hbm, idx0, idx1, rows0, rows1,
                  sem_in, sem_out):
        wid = lax.axis_index("s") * _NC + lax.axis_index("c")
        base = wid * _RPW
        c0 = pltpu.async_copy(rank_hbm.at[pl.ds(base, _CH)], idx0, sem_in)
        c1 = pltpu.async_copy(rank_hbm.at[pl.ds(base + _CH, _CH)], idx1,
                              sem_in)
        c2 = pltpu.async_copy(data_hbm.at[pl.ds(base, _CH)], rows0, sem_in)
        c3 = pltpu.async_copy(data_hbm.at[pl.ds(base + _CH, _CH)], rows1,
                              sem_in)
        c0.wait()
        c1.wait()
        c2.wait()
        c3.wait()
        s0 = pltpu.async_copy(rows0, out_hbm.at[idx0], sem_out)
        s1 = pltpu.async_copy(rows1, out_hbm.at[idx1], sem_out)
        s0.wait()
        s1.wait()

    return scatter_k(data, rank)


def _nms_sel_body(sdata_ref, out_ref):
    sdata = sdata_ref[:, 0:8]
    sdataT = jnp.transpose(sdata)
    idx_row = lax.broadcasted_iota(jnp.int32, (1, NP), 1)

    x1r = sdataT[0:1, :]
    y1r = sdataT[1:2, :]
    x2r = sdataT[2:3, :]
    y2r = sdataT[3:4, :]
    area_row = (x2r - x1r) * (y2r - y1r)

    BN = 512
    NBN = NP // BN
    bi_col = lax.broadcasted_iota(jnp.int32, (BN, 1), 0)
    bj_row = lax.broadcasted_iota(jnp.int32, (1, BN), 1)
    tri_strict = (bi_col < bj_row)

    keep_blocks = [jnp.ones((1, BN), F32) for _ in range(NBN)]
    for t in range(NBN):
        sl = slice(t * BN, (t + 1) * BN)
        x1c = sdata[sl, 0:1]
        y1c = sdata[sl, 1:2]
        x2c = sdata[sl, 2:3]
        y2c = sdata[sl, 3:4]
        area_col = (x2c - x1c) * (y2c - y1c)

        def _iou_vs(slc):
            ix1 = jnp.maximum(x1c, x1r[:, slc])
            iy1 = jnp.maximum(y1c, y1r[:, slc])
            ix2 = jnp.minimum(x2c, x2r[:, slc])
            iy2 = jnp.minimum(y2c, y2r[:, slc])
            iw = jnp.maximum(ix2 - ix1, 0.0)
            ih = jnp.maximum(iy2 - iy1, 0.0)
            inter = iw * ih
            union = area_col + area_row[:, slc] - inter
            return inter / jnp.maximum(union, 1e-8)

        cf = ((_iou_vs(sl) > NMS_THRESH) & tri_strict).astype(F32)
        keep_in = keep_blocks[t]

        def _step(k):
            supcnt = jnp.dot(k, cf, preferred_element_type=F32)
            return keep_in * (supcnt == 0.0).astype(F32)

        def _cond(st):
            return st[1]

        def _body(st):
            k1 = _step(st[0])
            k2 = _step(k1)
            return (k2, jnp.any(k2 != k1))

        keep_blk, _ = lax.while_loop(_cond, _body,
                                     (keep_in, jnp.bool_(True)))
        keep_blocks[t] = keep_blk

        if t < NBN - 1:
            sl_rest = slice((t + 1) * BN, NP)
            mf = (_iou_vs(sl_rest) > NMS_THRESH).astype(F32)
            supcnt = jnp.dot(keep_blk, mf, preferred_element_type=F32)
            alive = (supcnt == 0.0).astype(F32)
            for u in range(t + 1, NBN):
                lo = (u - t - 1) * BN
                keep_blocks[u] = keep_blocks[u] * alive[:, lo:lo + BN]

    keep = jnp.concatenate(keep_blocks, axis=1)

    pos_row = idx_row.astype(F32)
    valid = (pos_row < float(N)).astype(F32)
    kv = keep * valid
    tri_b = (lax.broadcasted_iota(jnp.int32, (B, 1), 0) <
             lax.broadcasted_iota(jnp.int32, (1, B), 1)).astype(F32)
    prefk_parts = []
    offset = jnp.zeros((1, 1), F32)
    for t in range(NB):
        sl = slice(t * B, (t + 1) * B)
        kvb = kv[:, sl]
        within = jnp.dot(kvb, tri_b, preferred_element_type=F32)
        prefk_parts.append(within + offset)
        offset = offset + jnp.sum(kvb, keepdims=True)
    prefk = jnp.concatenate(prefk_parts, axis=1)
    ktot = offset
    prefs = jnp.minimum(pos_row, float(N)) - prefk
    dest = jnp.where(kv > 0.0, prefk, ktot + prefs)
    dest = jnp.where(valid > 0.0, dest, 2.0 * NP)

    sh = sdata.astype(jnp.bfloat16)
    t1 = sdata - sh.astype(F32)
    sm = t1.astype(jnp.bfloat16)
    sl3 = (t1 - sm.astype(F32)).astype(jnp.bfloat16)
    sdata3 = jnp.concatenate([sh, sm, sl3], axis=1)
    r_col = lax.broadcasted_iota(jnp.int32, (OUT_R, 1), 0).astype(F32)
    oh_out = (dest == r_col).astype(jnp.bfloat16)
    q3 = jnp.dot(oh_out, sdata3, preferred_element_type=F32)
    out_ref[:, :] = q3[:, 0:8] + q3[:, 8:16] + q3[:, 16:24]


def _rank_call(s_col, s_row, interpret=False):
    return pl.pallas_call(
        _rank_body,
        out_shape=jax.ShapeDtypeStruct((1, NP), jnp.int32),
        interpret=interpret,
    )(s_col, s_row)


def _nms_sel_call(sdata, interpret=False):
    return pl.pallas_call(
        _nms_sel_body,
        out_shape=jax.ShapeDtypeStruct((OUT_R, 8), F32),
        interpret=interpret,
    )(sdata)


@jax.jit
def kernel(boxes, scores):
    boxes_p = jnp.concatenate(
        [boxes.astype(F32), jnp.zeros((NP - N, 4), F32)], axis=0)
    scores_p = jnp.concatenate(
        [scores.astype(F32), jnp.zeros((NP - N,), F32)], axis=0)
    data = jnp.concatenate(
        [boxes_p, scores_p[:, None], jnp.zeros((NP, 123), F32)], axis=1)
    rank = _rank_call(scores_p[:, None], scores_p[None, :]).reshape(NP)
    sdata = _sc_scatter(data, rank)
    out = _nms_sel_call(sdata)
    return out[:TOPK, :5]

# --- scband reference (transcript-rebuilt; emitter-appended) ---
"""Pipeline reference for scband-object-detector-15642270892526 (READ-ONLY COPY).

The authoritative reference and input builder live on the scoring server;
editing this copy changes nothing except your own understanding.
"""

import jax, jax.numpy as jnp
import numpy as np

N = 5000
NMS_THRESH = 0.3
POST_NMS_TOPN = 300


def setup_inputs(seed: int = 0) -> dict:
    key = jax.random.key(seed)
    k1, k2, k3 = jax.random.split(key, 3)
    xy = jax.random.uniform(k1, (N, 2), dtype=jnp.float32) * 800.0
    wh = jax.random.uniform(k2, (N, 2), dtype=jnp.float32) * 120.0 + 4.0
    boxes = jnp.concatenate([xy, xy + wh], axis=1)
    scores = jax.random.uniform(k3, (N,), dtype=jnp.float32)
    return {"boxes": boxes, "scores": scores}


def _pairwise_iou(b):
    x1, y1, x2, y2 = b[:, 0], b[:, 1], b[:, 2], b[:, 3]
    area = (x2 - x1) * (y2 - y1)
    ix1 = jnp.maximum(x1[:, None], x1[None, :])
    iy1 = jnp.maximum(y1[:, None], y1[None, :])
    ix2 = jnp.minimum(x2[:, None], x2[None, :])
    iy2 = jnp.minimum(y2[:, None], y2[None, :])
    iw = jnp.clip(ix2 - ix1, 0.0, None)
    ih = jnp.clip(iy2 - iy1, 0.0, None)
    inter = iw * ih
    union = area[:, None] + area[None, :] - inter
    return inter / jnp.maximum(union, 1e-8)


def _nms_keep(b_sorted, n):
    # greedy NMS over score-sorted boxes; indices are non-differentiable
    iou = _pairwise_iou(jax.lax.stop_gradient(b_sorted))
    idxs = jnp.arange(n)

    def step(keep, inp):
        row, i = inp
        sup = (row > NMS_THRESH) & (idxs > i) & keep[i]
        keep = keep & jnp.logical_not(sup)
        return keep, None

    keep, _ = jax.lax.scan(step, jnp.ones((n,), dtype=bool), (iou, idxs))
    return keep


def reference(boxes, scores):
    n = scores.shape[0]
    order = jnp.argsort(-scores)                      # sort (descending)
    b = jnp.take(boxes, order, axis=0)                # gather
    s = jnp.take(scores, order, axis=0)               # gather
    keep = _nms_keep(b, n)                            # greedy NMS mask
    masked = jnp.where(keep, s, -jnp.inf)
    _, top_idx = jax.lax.top_k(masked, POST_NMS_TOPN) # post-NMS top-k
    sel_boxes = jnp.take(b, top_idx, axis=0)
    sel_scores = jnp.take(s, top_idx, axis=0)
    return jnp.concatenate([sel_boxes, sel_scores[:, None]], axis=1)

if __name__ == "__main__":
    import jax
    _d = setup_inputs()
    print(jax.jit(kernel)(*tuple(_d.values())))

</pallas_src>

<mosaic_0001>
#map = affine_map<(d0, d1) -> (0, 0)>
#map1 = affine_map<(d0, d1) -> (0)>
module attributes {stable_mosaic.version = 14 : i64} {
  func.func @scatter_k(%arg0: i32, %arg1: i32, %arg2: memref<5120x128xf32, #tpu.memory_space<hbm>>, %arg3: memref<5120xi32, #tpu.memory_space<hbm>>, %arg4: memref<5120x128xf32, #tpu.memory_space<hbm>>, %arg5: memref<80xi32, #tpu.memory_space<vmem>>, %arg6: memref<80xi32, #tpu.memory_space<vmem>>, %arg7: memref<80x128xf32, #tpu.memory_space<vmem>>, %arg8: memref<80x128xf32, #tpu.memory_space<vmem>>, %arg9: memref<!tpu.dma_semaphore, #tpu.memory_space<semaphore_mem>>, %arg10: memref<!tpu.dma_semaphore, #tpu.memory_space<semaphore_mem>>) attributes {dimension_semantics = [#tpu.dimension_semantics<core_parallel>, #tpu.dimension_semantics<subcore_parallel>], iteration_bounds = array<i64: 2, 16>, scalar_prefetch = 0 : i64, scratch_operands = 6 : i64, tpu.core_type = #tpu.core_type<sc_vector_subcore>, window_params = [{transform_indices = #map}, {transform_indices = #map1}, {transform_indices = #map}]} {
    %mul3A = arith.constant 2 : i32
    %mul3A_0 = arith.muli %arg1, %mul3A : i32
    %add3A = arith.addi %mul3A_0, %arg0 : i32
    %mul3A_1 = arith.constant 160 : i32
    %mul3A_2 = arith.muli %add3A, %mul3A_1 : i32
    %dma_start3A = tpu.memref_slice %arg3[%mul3A_2] : memref<5120xi32, #tpu.memory_space<hbm>> -> memref<80xi32, #tpu.memory_space<hbm>>
    %dma_start3A_3 = tpu.memref_slice %arg3[%mul3A_2] : memref<5120xi32, #tpu.memory_space<hbm>> -> memref<80xi32, #tpu.memory_space<hbm>>
    tpu.enqueue_dma source(%dma_start3A_3 : memref<80xi32, #tpu.memory_space<hbm>>) target(%arg5 : memref<80xi32, #tpu.memory_space<vmem>>) target_semaphore(%arg9 : memref<!tpu.dma_semaphore, #tpu.memory_space<semaphore_mem>>)
    %add3A_4 = arith.constant 80 : i32
    %add3A_5 = arith.addi %mul3A_2, %add3A_4 : i32
    %dma_start3A_6 = tpu.memref_slice %arg3[%add3A_5] : memref<5120xi32, #tpu.memory_space<hbm>> -> memref<80xi32, #tpu.memory_space<hbm>>
    %dma_start3A_7 = tpu.memref_slice %arg3[%add3A_5] : memref<5120xi32, #tpu.memory_space<hbm>> -> memref<80xi32, #tpu.memory_space<hbm>>
    tpu.enqueue_dma source(%dma_start3A_7 : memref<80xi32, #tpu.memory_space<hbm>>) target(%arg6 : memref<80xi32, #tpu.memory_space<vmem>>) target_semaphore(%arg9 : memref<!tpu.dma_semaphore, #tpu.memory_space<semaphore_mem>>)
    %dma_start3A_8 = arith.constant 0 : i32
    %dma_start3A_9 = tpu.memref_slice %arg2[%mul3A_2, %dma_start3A_8] : memref<5120x128xf32, #tpu.memory_space<hbm>> -> memref<80x128xf32, #tpu.memory_space<hbm>>
    %dma_start3A_10 = arith.constant 0 : i32
    %dma_start3A_11 = tpu.memref_slice %arg2[%mul3A_2, %dma_start3A_10] : memref<5120x128xf32, #tpu.memory_space<hbm>> -> memref<80x128xf32, #tpu.memory_space<hbm>>
    tpu.enqueue_dma source(%dma_start3A_11 : memref<80x128xf32, #tpu.memory_space<hbm>>) target(%arg7 : memref<80x128xf32, #tpu.memory_space<vmem>>) target_semaphore(%arg9 : memref<!tpu.dma_semaphore, #tpu.memory_space<semaphore_mem>>)
    %add3A_12 = arith.constant 80 : i32
    %add3A_13 = arith.addi %mul3A_2, %add3A_12 : i32
    %dma_start3A_14 = arith.constant 0 : i32
    %dma_start3A_15 = tpu.memref_slice %arg2[%add3A_13, %dma_start3A_14] : memref<5120x128xf32, #tpu.memory_space<hbm>> -> memref<80x128xf32, #tpu.memory_space<hbm>>
    %dma_start3A_16 = arith.constant 0 : i32
    %dma_start3A_17 = tpu.memref_slice %arg2[%add3A_13, %dma_start3A_16] : memref<5120x128xf32, #tpu.memory_space<hbm>> -> memref<80x128xf32, #tpu.memory_space<hbm>>
    tpu.enqueue_dma source(%dma_start3A_17 : memref<80x128xf32, #tpu.memory_space<hbm>>) target(%arg8 : memref<80x128xf32, #tpu.memory_space<vmem>>) target_semaphore(%arg9 : memref<!tpu.dma_semaphore, #tpu.memory_space<semaphore_mem>>)
    %dma_wait3A = tpu.memref_slice %arg3[%mul3A_2] : memref<5120xi32, #tpu.memory_space<hbm>> -> memref<80xi32, #tpu.memory_space<hbm>>
    %dma_wait3A_18 = tpu.memref_slice %arg3[%mul3A_2] : memref<5120xi32, #tpu.memory_space<hbm>> -> memref<80xi32, #tpu.memory_space<hbm>>
    tpu.wait_dma2 semaphore(%arg9 : memref<!tpu.dma_semaphore, #tpu.memory_space<semaphore_mem>>) src(%dma_wait3A_18 : memref<80xi32, #tpu.memory_space<hbm>>) dst(%arg5 : memref<80xi32, #tpu.memory_space<vmem>>)
    %dma_wait3A_19 = tpu.memref_slice %arg3[%add3A_5] : memref<5120xi32, #tpu.memory_space<hbm>> -> memref<80xi32, #tpu.memory_space<hbm>>
    %dma_wait3A_20 = tpu.memref_slice %arg3[%add3A_5] : memref<5120xi32, #tpu.memory_space<hbm>> -> memref<80xi32, #tpu.memory_space<hbm>>
    tpu.wait_dma2 semaphore(%arg9 : memref<!tpu.dma_semaphore, #tpu.memory_space<semaphore_mem>>) src(%dma_wait3A_20 : memref<80xi32, #tpu.memory_space<hbm>>) dst(%arg6 : memref<80xi32, #tpu.memory_space<vmem>>)
    %dma_wait3A_21 = arith.constant 0 : i32
    %dma_wait3A_22 = tpu.memref_slice %arg2[%mul3A_2, %dma_wait3A_21] : memref<5120x128xf32, #tpu.memory_space<hbm>> -> memref<80x128xf32, #tpu.memory_space<hbm>>
    %dma_wait3A_23 = arith.constant 0 : i32
    %dma_wait3A_24 = tpu.memref_slice %arg2[%mul3A_2, %dma_wait3A_23] : memref<5120x128xf32, #tpu.memory_space<hbm>> -> memref<80x128xf32, #tpu.memory_space<hbm>>
    tpu.wait_dma2 semaphore(%arg9 : memref<!tpu.dma_semaphore, #tpu.memory_space<semaphore_mem>>) src(%dma_wait3A_24 : memref<80x128xf32, #tpu.memory_space<hbm>>) dst(%arg7 : memref<80x128xf32, #tpu.memory_space<vmem>>)
    %dma_wait3A_25 = arith.constant 0 : i32
    %dma_wait3A_26 = tpu.memref_slice %arg2[%add3A_13, %dma_wait3A_25] : memref<5120x128xf32, #tpu.memory_space<hbm>> -> memref<80x128xf32, #tpu.memory_space<hbm>>
    %dma_wait3A_27 = arith.constant 0 : i32
    %dma_wait3A_28 = tpu.memref_slice %arg2[%add3A_13, %dma_wait3A_27] : memref<5120x128xf32, #tpu.memory_space<hbm>> -> memref<80x128xf32, #tpu.memory_space<hbm>>
    tpu.wait_dma2 semaphore(%arg9 : memref<!tpu.dma_semaphore, #tpu.memory_space<semaphore_mem>>) src(%dma_wait3A_28 : memref<80x128xf32, #tpu.memory_space<hbm>>) dst(%arg8 : memref<80x128xf32, #tpu.memory_space<vmem>>)
    %dma_start3A_29 = arith.constant 0 : i32
    %dma_start3A_30 = arith.constant 0 : i32
    %dma_start3A_31 = tpu.memref_slice %arg4[%dma_start3A_29, %dma_start3A_30] : memref<5120x128xf32, #tpu.memory_space<hbm>> -> memref<5120x128xf32, #tpu.memory_space<hbm>>
    tpu.enqueue_indirect_dma source(%arg7 : memref<80x128xf32, #tpu.memory_space<vmem>>) target(%dma_start3A_31 : memref<5120x128xf32, #tpu.memory_space<hbm>>) offsets(%arg5 : memref<80xi32, #tpu.memory_space<vmem>>) semaphore(%arg10 : memref<!tpu.dma_semaphore, #tpu.memory_space<semaphore_mem>>)
    %dma_start3A_32 = arith.constant 0 : i32
    %dma_start3A_33 = arith.constant 0 : i32
    %dma_start3A_34 = tpu.memref_slice %arg4[%dma_start3A_32, %dma_start3A_33] : memref<5120x128xf32, #tpu.memory_space<hbm>> -> memref<5120x128xf32, #tpu.memory_space<hbm>>
    tpu.enqueue_indirect_dma source(%arg8 : memref<80x128xf32, #tpu.memory_space<vmem>>) target(%dma_start3A_34 : memref<5120x128xf32, #tpu.memory_space<hbm>>) offsets(%arg6 : memref<80xi32, #tpu.memory_space<vmem>>) semaphore(%arg10 : memref<!tpu.dma_semaphore, #tpu.memory_space<semaphore_mem>>)
    %dma_wait3A_35 = arith.constant 0 : i32
    %dma_wait3A_36 = arith.constant 0 : i32
    %dma_wait3A_37 = tpu.memref_slice %arg4[%dma_wait3A_35, %dma_wait3A_36] : memref<5120x128xf32, #tpu.memory_space<hbm>> -> memref<5120x128xf32, #tpu.memory_space<hbm>>
    tpu.wait_indirect_dma semaphore(%arg10 : memref<!tpu.dma_semaphore, #tpu.memory_space<semaphore_mem>>) src(%arg7 : memref<80x128xf32, #tpu.memory_space<vmem>>) dst(%dma_wait3A_37 : memref<5120x128xf32, #tpu.memory_space<hbm>>)
    %dma_wait3A_38 = arith.constant 0 : i32
    %dma_wait3A_39 = arith.constant 0 : i32
    %dma_wait3A_40 = tpu.memref_slice %arg4[%dma_wait3A_38, %dma_wait3A_39] : memref<5120x128xf32, #tpu.memory_space<hbm>> -> memref<5120x128xf32, #tpu.memory_space<hbm>>
    tpu.wait_indirect_dma semaphore(%arg10 : memref<!tpu.dma_semaphore, #tpu.memory_space<semaphore_mem>>) src(%arg8 : memref<80x128xf32, #tpu.memory_space<vmem>>) dst(%dma_wait3A_40 : memref<5120x128xf32, #tpu.memory_space<hbm>>)
    return
  }
}

module attributes {stable_mosaic.version = 14 : i64} {
  func.func @_rank_body(%arg0: memref<5120x1xf32, #tpu.memory_space<vmem>>, %arg1: memref<1x5120xf32, #tpu.memory_space<vmem>>, %arg2: memref<1x5120xi32, #tpu.memory_space<vmem>>) attributes {dimension_semantics = [], scalar_prefetch = 0 : i64, scratch_operands = 0 : i64, tpu.core_type = #tpu.core_type<tc>} {
    %get3A = arith.constant 0 : index
    %get3A_0 = arith.constant 0 : index
    %get3A_1 = vector.load %arg0[%get3A, %get3A_0] : memref<5120x1xf32, #tpu.memory_space<vmem>>, vector<5120x1xf32>
    %bitcast_convert_type3A = tpu.bitcast %get3A_1 : vector<5120x1xf32> -> vector<5120x1xi32>
    %get3A_2 = arith.constant 0 : index
    %get3A_3 = arith.constant 0 : index
    %get3A_4 = vector.load %arg1[%get3A_2, %get3A_3] : memref<1x5120xf32, #tpu.memory_space<vmem>>, vector<1x5120xf32>
    %bitcast_convert_type3A_5 = tpu.bitcast %get3A_4 : vector<1x5120xf32> -> vector<1x5120xi32>
    %iota3A = tpu.iota {dimensions = array<i32: 0>} : vector<5120x1xi32>
    %iota3A_6 = tpu.iota {dimensions = array<i32: 1>} : vector<1x5120xi32>
    %slice3A = vector.extract_strided_slice %bitcast_convert_type3A_5 {offsets = [0, 0], sizes = [1, 512], strides = [1, 1]} : vector<1x5120xi32> to vector<1x512xi32>
    %broadcast_in_dim3A = arith.constant 0 : i32
    %broadcast_in_dim3A_7 = vector.broadcast %broadcast_in_dim3A : i32 to vector<1x512xi32>
    %slice3A_8 = vector.extract_strided_slice %bitcast_convert_type3A {offsets = [0, 0], sizes = [512, 1], strides = [1, 1]} : vector<5120x1xi32> to vector<512x1xi32>
    %sub3A = vector.broadcast %slice3A_8 : vector<512x1xi32> to vector<512x512xi32>
    %sub3A_9 = vector.broadcast %slice3A : vector<1x512xi32> to vector<512x512xi32>
    %sub3A_10 = arith.subi %sub3A, %sub3A_9 : vector<512x512xi32>
    %gt3A = arith.constant 0 : i32
    %gt3A_11 = vector.broadcast %gt3A : i32 to vector<512x512xi32>
    %gt3A_12 = arith.cmpi sgt, %sub3A_10, %gt3A_11 : vector<512x512xi32>
    %eq3A = arith.constant 0 : i32
    %eq3A_13 = vector.broadcast %eq3A : i32 to vector<512x512xi32>
    %eq3A_14 = arith.cmpi eq, %sub3A_10, %eq3A_13 : vector<512x512xi32>
    %slice3A_15 = vector.extract_strided_slice %iota3A {offsets = [0, 0], sizes = [512, 1], strides = [1, 1]} : vector<5120x1xi32> to vector<512x1xi32>
    %slice3A_16 = vector.extract_strided_slice %iota3A_6 {offsets = [0, 0], sizes = [1, 512], strides = [1, 1]} : vector<1x5120xi32> to vector<1x512xi32>
    %lt3A = vector.broadcast %slice3A_15 : vector<512x1xi32> to vector<512x512xi32>
    %lt3A_17 = vector.broadcast %slice3A_16 : vector<1x512xi32> to vector<512x512xi32>
    %lt3A_18 = arith.cmpi slt, %lt3A, %lt3A_17 : vector<512x512xi32>
    %and3A = arith.andi %eq3A_14, %lt3A_18 : vector<512x512xi1>
    %or3A = arith.ori %gt3A_12, %and3A : vector<512x512xi1>
    %convert_element_type3A = arith.extui %or3A : vector<512x512xi1> to vector<512x512xi32>
    %reduce_sum3A = arith.constant dense<0> : vector<512xi32>
    %reduce_sum3A_19 = vector.multi_reduction <add>, %convert_element_type3A, %reduce_sum3A [0] : vector<512x512xi32> to vector<512xi32>
    %broadcast_in_dim3A_20 = vector.shape_cast %reduce_sum3A_19 : vector<512xi32> to vector<1x512xi32>
    %add3A = arith.addi %broadcast_in_dim3A_7, %broadcast_in_dim3A_20 : vector<1x512xi32>
    %slice3A_21 = vector.extract_strided_slice %bitcast_convert_type3A {offsets = [512, 0], sizes = [4608, 1], strides = [1, 1]} : vector<5120x1xi32> to vector<4608x1xi32>
    %sub3A_22 = vector.broadcast %slice3A_21 : vector<4608x1xi32> to vector<4608x512xi32>
    %sub3A_23 = vector.broadcast %slice3A : vector<1x512xi32> to vector<4608x512xi32>
    %sub3A_24 = arith.subi %sub3A_22, %sub3A_23 : vector<4608x512xi32>
    %gt3A_25 = arith.constant 0 : i32
    %gt3A_26 = vector.broadcast %gt3A_25 : i32 to vector<4608x512xi32>
    %gt3A_27 = arith.cmpi sgt, %sub3A_24, %gt3A_26 : vector<4608x512xi32>
    %convert_element_type3A_28 = arith.extui %gt3A_27 : vector<4608x512xi1> to vector<4608x512xi32>
    %reduce_sum3A_29 = arith.constant dense<0> : vector<512xi32>
    %reduce_sum3A_30 = vector.multi_reduction <add>, %convert_element_type3A_28, %reduce_sum3A_29 [0] : vector<4608x512xi32> to vector<512xi32>
    %broadcast_in_dim3A_31 = vector.shape_cast %reduce_sum3A_30 : vector<512xi32> to vector<1x512xi32>
    %add3A_32 = arith.addi %add3A, %broadcast_in_dim3A_31 : vector<1x512xi32>
    %slice3A_33 = vector.extract_strided_slice %bitcast_convert_type3A_5 {offsets = [0, 512], sizes = [1, 512], strides = [1, 1]} : vector<1x5120xi32> to vector<1x512xi32>
    %broadcast_in_dim3A_34 = arith.constant 0 : i32
    %broadcast_in_dim3A_35 = vector.broadcast %broadcast_in_dim3A_34 : i32 to vector<1x512xi32>
    %slice3A_36 = vector.extract_strided_slice %bitcast_convert_type3A {offsets = [0, 0], sizes = [512, 1], strides = [1, 1]} : vector<5120x1xi32> to vector<512x1xi32>
    %sub3A_37 = vector.broadcast %slice3A_36 : vector<512x1xi32> to vector<512x512xi32>
    %sub3A_38 = vector.broadcast %slice3A_33 : vector<1x512xi32> to vector<512x512xi32>
    %sub3A_39 = arith.subi %sub3A_37, %sub3A_38 : vector<512x512xi32>
    %ge3A = arith.constant 0 : i32
    %ge3A_40 = vector.broadcast %ge3A : i32 to vector<512x512xi32>
    %ge3A_41 = arith.cmpi sge, %sub3A_39, %ge3A_40 : vector<512x512xi32>
    %convert_element_type3A_42 = arith.extui %ge3A_41 : vector<512x512xi1> to vector<512x512xi32>
    %reduce_sum3A_43 = arith.constant dense<0> : vector<512xi32>
    %reduce_sum3A_44 = vector.multi_reduction <add>, %convert_element_type3A_42, %reduce_sum3A_43 [0] : vector<512x512xi32> to vector<512xi32>
    %broadcast_in_dim3A_45 = vector.shape_cast %reduce_sum3A_44 : vector<512xi32> to vector<1x512xi32>
    %add3A_46 = arith.addi %broadcast_in_dim3A_35, %broadcast_in_dim3A_45 : vector<1x512xi32>
    %slice3A_47 = vector.extract_strided_slice %bitcast_convert_type3A {offsets = [512, 0], sizes = [512, 1], strides = [1, 1]} : vector<5120x1xi32> to vector<512x1xi32>
    %sub3A_48 = vector.broadcast %slice3A_47 : vector<512x1xi32> to vector<512x512xi32>
    %sub3A_49 = vector.broadcast %slice3A_33 : vector<1x512xi32> to vector<512x512xi32>
    %sub3A_50 = arith.subi %sub3A_48, %sub3A_49 : vector<512x512xi32>
    %gt3A_51 = arith.constant 0 : i32
    %gt3A_52 = vector.broadcast %gt3A_51 : i32 to vector<512x512xi32>
    %gt3A_53 = arith.cmpi sgt, %sub3A_50, %gt3A_52 : vector<512x512xi32>
    %eq3A_54 = arith.constant 0 : i32
    %eq3A_55 = vector.broadcast %eq3A_54 : i32 to vector<512x512xi32>
    %eq3A_56 = arith.cmpi eq, %sub3A_50, %eq3A_55 : vector<512x512xi32>
    %slice3A_57 = vector.extract_strided_slice %iota3A {offsets = [512, 0], sizes = [512, 1], strides = [1, 1]} : vector<5120x1xi32> to vector<512x1xi32>
    %slice3A_58 = vector.extract_strided_slice %iota3A_6 {offsets = [0, 512], sizes = [1, 512], strides = [1, 1]} : vector<1x5120xi32> to vector<1x512xi32>
    %lt3A_59 = vector.broadcast %slice3A_57 : vector<512x1xi32> to vector<512x512xi32>
    %lt3A_60 = vector.broadcast %slice3A_58 : vector<1x512xi32> to vector<512x512xi32>
    %lt3A_61 = arith.cmpi slt, %lt3A_59, %lt3A_60 : vector<512x512xi32>
    %and3A_62 = arith.andi %eq3A_56, %lt3A_61 : vector<512x512xi1>
    %or3A_63 = arith.ori %gt3A_53, %and3A_62 : vector<512x512xi1>
    %convert_element_type3A_64 = arith.extui %or3A_63 : vector<512x512xi1> to vector<512x512xi32>
    %reduce_sum3A_65 = arith.constant dense<0> : vector<512xi32>
    %reduce_sum3A_66 = vector.multi_reduction <add>, %convert_element_type3A_64, %reduce_sum3A_65 [0] : vector<512x512xi32> to vector<512xi32>
    %broadcast_in_dim3A_67 = vector.shape_cast %reduce_sum3A_66 : vector<512xi32> to vector<1x512xi32>
    %add3A_68 = arith.addi %add3A_46, %broadcast_in_dim3A_67 : vector<1x512xi32>
    %slice3A_69 = vector.extract_strided_slice %bitcast_convert_type3A {offsets = [1024, 0], sizes = [4096, 1], strides = [1, 1]} : vector<5120x1xi32> to vector<4096x1xi32>
    %sub3A_70 = vector.broadcast %slice3A_69 : vector<4096x1xi32> to vector<4096x512xi32>
    %sub3A_71 = vector.broadcast %slice3A_33 : vector<1x512xi32> to vector<4096x512xi32>
    %sub3A_72 = arith.subi %sub3A_70, %sub3A_71 : vector<4096x512xi32>
    %gt3A_73 = arith.constant 0 : i32
    %gt3A_74 = vector.broadcast %gt3A_73 : i32 to vector<4096x512xi32>
    %gt3A_75 = arith.cmpi sgt, %sub3A_72, %gt3A_74 : vector<4096x512xi32>
    %convert_element_type3A_76 = arith.extui %gt3A_75 : vector<4096x512xi1> to vector<4096x512xi32>
    %reduce_sum3A_77 = arith.constant dense<0> : vector<512xi32>
    %reduce_sum3A_78 = vector.multi_reduction <add>, %convert_element_type3A_76, %reduce_sum3A_77 [0] : vector<4096x512xi32> to vector<512xi32>
    %broadcast_in_dim3A_79 = vector.shape_cast %reduce_sum3A_78 : vector<512xi32> to vector<1x512xi32>
    %add3A_80 = arith.addi %add3A_68, %broadcast_in_dim3A_79 : vector<1x512xi32>
    %slice3A_81 = vector.extract_strided_slice %bitcast_convert_type3A_5 {offsets = [0, 1024], sizes = [1, 512], strides = [1, 1]} : vector<1x5120xi32> to vector<1x512xi32>
    %broadcast_in_dim3A_82 = arith.constant 0 : i32
    %broadcast_in_dim3A_83 = vector.broadcast %broadcast_in_dim3A_82 : i32 to vector<1x512xi32>
    %slice3A_84 = vector.extract_strided_slice %bitcast_convert_type3A {offsets = [0, 0], sizes = [1024, 1], strides = [1, 1]} : vector<5120x1xi32> to vector<1024x1xi32>
    %sub3A_85 = vector.broadcast %slice3A_84 : vector<1024x1xi32> to vector<1024x512xi32>
    %sub3A_86 = vector.broadcast %slice3A_81 : vector<1x512xi32> to vector<1024x512xi32>
    %sub3A_87 = arith.subi %sub3A_85, %sub3A_86 : vector<1024x512xi32>
    %ge3A_88 = arith.constant 0 : i32
    %ge3A_89 = vector.broadcast %ge3A_88 : i32 to vector<1024x512xi32>
    %ge3A_90 = arith.cmpi sge, %sub3A_87, %ge3A_89 : vector<1024x512xi32>
    %convert_element_type3A_91 = arith.extui %ge3A_90 : vector<1024x512xi1> to vector<1024x512xi32>
    %reduce_sum3A_92 = arith.constant dense<0> : vector<512xi32>
    %reduce_sum3A_93 = vector.multi_reduction <add>, %convert_element_type3A_91, %reduce_sum3A_92 [0] : vector<1024x512xi32> to vector<512xi32>
    %broadcast_in_dim3A_94 = vector.shape_cast %reduce_sum3A_93 : vector<512xi32> to vector<1x512xi32>
    %add3A_95 = arith.addi %broadcast_in_dim3A_83, %broadcast_in_dim3A_94 : vector<1x512xi32>
    %slice3A_96 = vector.extract_strided_slice %bitcast_convert_type3A {offsets = [1024, 0], sizes = [512, 1], strides = [1, 1]} : vector<5120x1xi32> to vector<512x1xi32>
    %sub3A_97 = vector.broadcast %slice3A_96 : vector<512x1xi32> to vector<512x512xi32>
    %sub3A_98 = vector.broadcast %slice3A_81 : vector<1x512xi32> to vector<512x512xi32>
    %sub3A_99 = arith.subi %sub3A_97, %sub3A_98 : vector<512x512xi32>
    %gt3A_100 = arith.constant 0 : i32
    %gt3A_101 = vector.broadcast %gt3A_100 : i32 to vector<512x512xi32>
    %gt3A_102 = arith.cmpi sgt, %sub3A_99, %gt3A_101 : vector<512x512xi32>
    %eq3A_103 = arith.constant 0 : i32
    %eq3A_104 = vector.broadcast %eq3A_103 : i32 to vector<512x512xi32>
    %eq3A_105 = arith.cmpi eq, %sub3A_99, %eq3A_104 : vector<512x512xi32>
    %slice3A_106 = vector.extract_strided_slice %iota3A {offsets = [1024, 0], sizes = [512, 1], strides = [1, 1]} : vector<5120x1xi32> to vector<512x1xi32>
    %slice3A_107 = vector.extract_strided_slice %iota3A_6 {offsets = [0, 1024], sizes = [1, 512], strides = [1, 1]} : vector<1x5120xi32> to vector<1x512xi32>
    %lt3A_108 = vector.broadcast %slice3A_106 : vector<512x1xi32> to vector<512x512xi32>
    %lt3A_109 = vector.broadcast %slice3A_107 : vector<1x512xi32> to vector<512x512xi32>
    %lt3A_110 = arith.cmpi slt, %lt3A_108, %lt3A_109 : vector<512x512xi32>
    %and3A_111 = arith.andi %eq3A_105, %lt3A_110 : vector<512x512xi1>
    %or3A_112 = arith.ori %gt3A_102, %and3A_111 : vector<512x512xi1>
    %convert_element_type3A_113 = arith.extui %or3A_112 : vector<512x512xi1> to vector<512x512xi32>
    %reduce_sum3A_114 = arith.constant dense<0> : vector<512xi32>
    %reduce_sum3A_115 = vector.multi_reduction <add>, %convert_element_type3A_113, %reduce_sum3A_114 [0] : vector<512x512xi32> to vector<512xi32>
    %broadcast_in_dim3A_116 = vector.shape_cast %reduce_sum3A_115 : vector<512xi32> to vector<1x512xi32>
    %add3A_117 = arith.addi %add3A_95, %broadcast_in_dim3A_116 : vector<1x512xi32>
    %slice3A_118 = vector.extract_strided_slice %bitcast_convert_type3A {offsets = [1536, 0], sizes = [3584, 1], strides = [1, 1]} : vector<5120x1xi32> to vector<3584x1xi32>
    %sub3A_119 = vector.broadcast %slice3A_118 : vector<3584x1xi32> to vector<3584x512xi32>
    %sub3A_120 = vector.broadcast %slice3A_81 : vector<1x512xi32> to vector<3584x512xi32>
    %sub3A_121 = arith.subi %sub3A_119, %sub3A_120 : vector<3584x512xi32>
    %gt3A_122 = arith.constant 0 : i32
    %gt3A_123 = vector.broadcast %gt3A_122 : i32 to vector<3584x512xi32>
    %gt3A_124 = arith.cmpi sgt, %sub3A_121, %gt3A_123 : vector<3584x512xi32>
    %convert_element_type3A_125 = arith.extui %gt3A_124 : vector<3584x512xi1> to vector<3584x512xi32>
    %reduce_sum3A_126 = arith.constant dense<0> : vector<512xi32>
    %reduce_sum3A_127 = vector.multi_reduction <add>, %convert_element_type3A_125, %reduce_sum3A_126 [0] : vector<3584x512xi32> to vector<512xi32>
    %broadcast_in_dim3A_128 = vector.shape_cast %reduce_sum3A_127 : vector<512xi32> to vector<1x512xi32>
    %add3A_129 = arith.addi %add3A_117, %broadcast_in_dim3A_128 : vector<1x512xi32>
    %slice3A_130 = vector.extract_strided_slice %bitcast_convert_type3A_5 {offsets = [0, 1536], sizes = [1, 512], strides = [1, 1]} : vector<1x5120xi32> to vector<1x512xi32>
    %broadcast_in_dim3A_131 = arith.constant 0 : i32
    %broadcast_in_dim3A_132 = vector.broadcast %broadcast_in_dim3A_131 : i32 to vector<1x512xi32>
    %slice3A_133 = vector.extract_strided_slice %bitcast_convert_type3A {offsets = [0, 0], sizes = [1536, 1], strides = [1, 1]} : vector<5120x1xi32> to vector<1536x1xi32>
    %sub3A_134 = vector.broadcast %slice3A_133 : vector<1536x1xi32> to vector<1536x512xi32>
    %sub3A_135 = vector.broadcast %slice3A_130 : vector<1x512xi32> to vector<1536x512xi32>
    %sub3A_136 = arith.subi %sub3A_134, %sub3A_135 : vector<1536x512xi32>
    %ge3A_137 = arith.constant 0 : i32
    %ge3A_138 = vector.broadcast %ge3A_137 : i32 to vector<1536x512xi32>
    %ge3A_139 = arith.cmpi sge, %sub3A_136, %ge3A_138 : vector<1536x512xi32>
    %convert_element_type3A_140 = arith.extui %ge3A_139 : vector<1536x512xi1> to vector<1536x512xi32>
    %reduce_sum3A_141 = arith.constant dense<0> : vector<512xi32>
    %reduce_sum3A_142 = vector.multi_reduction <add>, %convert_element_type3A_140, %reduce_sum3A_141 [0] : vector<1536x512xi32> to vector<512xi32>
    %broadcast_in_dim3A_143 = vector.shape_cast %reduce_sum3A_142 : vector<512xi32> to vector<1x512xi32>
    %add3A_144 = arith.addi %broadcast_in_dim3A_132, %broadcast_in_dim3A_143 : vector<1x512xi32>
    %slice3A_145 = vector.extract_strided_slice %bitcast_convert_type3A {offsets = [1536, 0], sizes = [512, 1], strides = [1, 1]} : vector<5120x1xi32> to vector<512x1xi32>
    %sub3A_146 = vector.broadcast %slice3A_145 : vector<512x1xi32> to vector<512x512xi32>
    %sub3A_147 = vector.broadcast %slice3A_130 : vector<1x512xi32> to vector<512x512xi32>
    %sub3A_148 = arith.subi %sub3A_146, %sub3A_147 : vector<512x512xi32>
    %gt3A_149 = arith.constant 0 : i32
    %gt3A_150 = vector.broadcast %gt3A_149 : i32 to vector<512x512xi32>
    %gt3A_151 = arith.cmpi sgt, %sub3A_148, %gt3A_150 : vector<512x512xi32>
    %eq3A_152 = arith.constant 0 : i32
    %eq3A_153 = vector.broadcast %eq3A_152 : i32 to vector<512x512xi32>
    %eq3A_154 = arith.cmpi eq, %sub3A_148, %eq3A_153 : vector<512x512xi32>
    %slice3A_155 = vector.extract_strided_slice %iota3A {offsets = [1536, 0], sizes = [512, 1], strides = [1, 1]} : vector<5120x1xi32> to vector<512x1xi32>
    %slice3A_156 = vector.extract_strided_slice %iota3A_6 {offsets = [0, 1536], sizes = [1, 512], strides = [1, 1]} : vector<1x5120xi32> to vector<1x512xi32>
    %lt3A_157 = vector.broadcast %slice3A_155 : vector<512x1xi32> to vector<512x512xi32>
    %lt3A_158 = vector.broadcast %slice3A_156 : vector<1x512xi32> to vector<512x512xi32>
    %lt3A_159 = arith.cmpi slt, %lt3A_157, %lt3A_158 : vector<512x512xi32>
    %and3A_160 = arith.andi %eq3A_154, %lt3A_159 : vector<512x512xi1>
    %or3A_161 = arith.ori %gt3A_151, %and3A_160 : vector<512x512xi1>
    %convert_element_type3A_162 = arith.extui %or3A_161 : vector<512x512xi1> to vector<512x512xi32>
    %reduce_sum3A_163 = arith.constant dense<0> : vector<512xi32>
    %reduce_sum3A_164 = vector.multi_reduction <add>, %convert_element_type3A_162, %reduce_sum3A_163 [0] : vector<512x512xi32> to vector<512xi32>
    %broadcast_in_dim3A_165 = vector.shape_cast %reduce_sum3A_164 : vector<512xi32> to vector<1x512xi32>
    %add3A_166 = arith.addi %add3A_144, %broadcast_in_dim3A_165 : vector<1x512xi32>
    %slice3A_167 = vector.extract_strided_slice %bitcast_convert_type3A {offsets = [2048, 0], sizes = [3072, 1], strides = [1, 1]} : vector<5120x1xi32> to vector<3072x1xi32>
    %sub3A_168 = vector.broadcast %slice3A_167 : vector<3072x1xi32> to vector<3072x512xi32>
    %sub3A_169 = vector.broadcast %slice3A_130 : vector<1x512xi32> to vector<3072x512xi32>
    %sub3A_170 = arith.subi %sub3A_168, %sub3A_169 : vector<3072x512xi32>
    %gt3A_171 = arith.constant 0 : i32
    %gt3A_172 = vector.broadcast %gt3A_171 : i32 to vector<3072x512xi32>
    %gt3A_173 = arith.cmpi sgt, %sub3A_170, %gt3A_172 : vector<3072x512xi32>
    %convert_element_type3A_174 = arith.extui %gt3A_173 : vector<3072x512xi1> to vector<3072x512xi32>
    %reduce_sum3A_175 = arith.constant dense<0> : vector<512xi32>
    %reduce_sum3A_176 = vector.multi_reduction <add>, %convert_element_type3A_174, %reduce_sum3A_175 [0] : vector<3072x512xi32> to vector<512xi32>
    %broadcast_in_dim3A_177 = vector.shape_cast %reduce_sum3A_176 : vector<512xi32> to vector<1x512xi32>
    %add3A_178 = arith.addi %add3A_166, %broadcast_in_dim3A_177 : vector<1x512xi32>
    %slice3A_179 = vector.extract_strided_slice %bitcast_convert_type3A_5 {offsets = [0, 2048], sizes = [1, 512], strides = [1, 1]} : vector<1x5120xi32> to vector<1x512xi32>
    %broadcast_in_dim3A_180 = arith.constant 0 : i32
    %broadcast_in_dim3A_181 = vector.broadcast %broadcast_in_dim3A_180 : i32 to vector<1x512xi32>
    %slice3A_182 = vector.extract_strided_slice %bitcast_convert_type3A {offsets = [0, 0], sizes = [2048, 1], strides = [1, 1]} : vector<5120x1xi32> to vector<2048x1xi32>
    %sub3A_183 = vector.broadcast %slice3A_182 : vector<2048x1xi32> to vector<2048x512xi32>
    %sub3A_184 = vector.broadcast %slice3A_179 : vector<1x512xi32> to vector<2048x512xi32>
    %sub3A_185 = arith.subi %sub3A_183, %sub3A_184 : vector<2048x512xi32>
    %ge3A_186 = arith.constant 0 : i32
    %ge3A_187 = vector.broadcast %ge3A_186 : i32 to vector<2048x512xi32>
    %ge3A_188 = arith.cmpi sge, %sub3A_185, %ge3A_187 : vector<2048x512xi32>
    %convert_element_type3A_189 = arith.extui %ge3A_188 : vector<2048x512xi1> to vector<2048x512xi32>
    %reduce_sum3A_190 = arith.constant dense<0> : vector<512xi32>
    %reduce_sum3A_191 = vector.multi_reduction <add>, %convert_element_type3A_189, %reduce_sum3A_190 [0] : vector<2048x512xi32> to vector<512xi32>
    %broadcast_in_dim3A_192 = vector.shape_cast %reduce_sum3A_191 : vector<512xi32> to vector<1x512xi32>
    %add3A_193 = arith.addi %broadcast_in_dim3A_181, %broadcast_in_dim3A_192 : vector<1x512xi32>
    %slice3A_194 = vector.extract_strided_slice %bitcast_convert_type3A {offsets = [2048, 0], sizes = [512, 1], strides = [1, 1]} : vector<5120x1xi32> to vector<512x1xi32>
    %sub3A_195 = vector.broadcast %slice3A_194 : vector<512x1xi32> to vector<512x512xi32>
    %sub3A_196 = vector.broadcast %slice3A_179 : vector<1x512xi32> to vector<512x512xi32>
    %sub3A_197 = arith.subi %sub3A_195, %sub3A_196 : vector<512x512xi32>
    %gt3A_198 = arith.constant 0 : i32
    %gt3A_199 = vector.broadcast %gt3A_198 : i32 to vector<512x512xi32>
    %gt3A_200 = arith.cmpi sgt, %sub3A_197, %gt3A_199 : vector<512x512xi32>
    %eq3A_201 = arith.constant 0 : i32
    %eq3A_202 = vector.broadcast %eq3A_201 : i32 to vector<512x512xi32>
    %eq3A_203 = arith.cmpi eq, %sub3A_197, %eq3A_202 : vector<512x512xi32>
    %slice3A_204 = vector.extract_strided_slice %iota3A {offsets = [2048, 0], sizes = [512, 1], strides = [1, 1]} : vector<5120x1xi32> to vector<512x1xi32>
    %slice3A_205 = vector.extract_strided_slice %iota3A_6 {offsets = [0, 2048], sizes = [1, 512], strides = [1, 1]} : vector<1x5120xi32> to vector<1x512xi32>
    %lt3A_206 = vector.broadcast %slice3A_204 : vector<512x1xi32> to vector<512x512xi32>
    %lt3A_207 = vector.broadcast %slice3A_205 : vector<1x512xi32> to vector<512x512xi32>
    %lt3A_208 = arith.cmpi slt, %lt3A_206, %lt3A_207 : vector<512x512xi32>
    %and3A_209 = arith.andi %eq3A_203, %lt3A_208 : vector<512x512xi1>
    %or3A_210 = arith.ori %gt3A_200, %and3A_209 : vector<512x512xi1>
    %convert_element_type3A_211 = arith.extui %or3A_210 : vector<512x512xi1> to vector<512x512xi32>
    %reduce_sum3A_212 = arith.constant dense<0> : vector<512xi32>
    %reduce_sum3A_213 = vector.multi_reduction <add>, %convert_element_type3A_211, %reduce_sum3A_212 [0] : vector<512x512xi32> to vector<512xi32>
    %broadcast_in_dim3A_214 = vector.shape_cast %reduce_sum3A_213 : vector<512xi32> to vector<1x512xi32>
    %add3A_215 = arith.addi %add3A_193, %broadcast_in_dim3A_214 : vector<1x512xi32>
    %slice3A_216 = vector.extract_strided_slice %bitcast_convert_type3A {offsets = [2560, 0], sizes = [2560, 1], strides = [1, 1]} : vector<5120x1xi32> to vector<2560x1xi32>
    %sub3A_217 = vector.broadcast %slice3A_216 : vector<2560x1xi32> to vector<2560x512xi32>
    %sub3A_218 = vector.broadcast %slice3A_179 : vector<1x512xi32> to vector<2560x512xi32>
    %sub3A_219 = arith.subi %sub3A_217, %sub3A_218 : vector<2560x512xi32>
    %gt3A_220 = arith.constant 0 : i32
    %gt3A_221 = vector.broadcast %gt3A_220 : i32 to vector<2560x512xi32>
    %gt3A_222 = arith.cmpi sgt, %sub3A_219, %gt3A_221 : vector<2560x512xi32>
    %convert_element_type3A_223 = arith.extui %gt3A_222 : vector<2560x512xi1> to vector<2560x512xi32>
    %reduce_sum3A_224 = arith.constant dense<0> : vector<512xi32>
    %reduce_sum3A_225 = vector.multi_reduction <add>, %convert_element_type3A_223, %reduce_sum3A_224 [0] : vector<2560x512xi32> to vector<512xi32>
    %broadcast_in_dim3A_226 = vector.shape_cast %reduce_sum3A_225 : vector<512xi32> to vector<1x512xi32>
    %add3A_227 = arith.addi %add3A_215, %broadcast_in_dim3A_226 : vector<1x512xi32>
    %slice3A_228 = vector.extract_strided_slice %bitcast_convert_type3A_5 {offsets = [0, 2560], sizes = [1, 512], strides = [1, 1]} : vector<1x5120xi32> to vector<1x512xi32>
    %broadcast_in_dim3A_229 = arith.constant 0 : i32
    %broadcast_in_dim3A_230 = vector.broadcast %broadcast_in_dim3A_229 : i32 to vector<1x512xi32>
    %slice3A_231 = vector.extract_strided_slice %bitcast_convert_type3A {offsets = [0, 0], sizes = [2560, 1], strides = [1, 1]} : vector<5120x1xi32> to vector<2560x1xi32>
    %sub3A_232 = vector.broadcast %slice3A_231 : vector<2560x1xi32> to vector<2560x512xi32>
    %sub3A_233 = vector.broadcast %slice3A_228 : vector<1x512xi32> to vector<2560x512xi32>
    %sub3A_234 = arith.subi %sub3A_232, %sub3A_233 : vector<2560x512xi32>
    %ge3A_235 = arith.constant 0 : i32
    %ge3A_236 = vector.broadcast %ge3A_235 : i32 to vector<2560x512xi32>
    %ge3A_237 = arith.cmpi sge, %sub3A_234, %ge3A_236 : vector<2560x512xi32>
    %convert_element_type3A_238 = arith.extui %ge3A_237 : vector<2560x512xi1> to vector<2560x512xi32>
    %reduce_sum3A_239 = arith.constant dense<0> : vector<512xi32>
    %reduce_sum3A_240 = vector.multi_reduction <add>, %convert_element_type3A_238, %reduce_sum3A_239 [0] : vector<2560x512xi32> to vector<512xi32>
    %broadcast_in_dim3A_241 = vector.shape_cast %reduce_sum3A_240 : vector<512xi32> to vector<1x512xi32>
    %add3A_242 = arith.addi %broadcast_in_dim3A_230, %broadcast_in_dim3A_241 : vector<1x512xi32>
    %slice3A_243 = vector.extract_strided_slice %bitcast_convert_type3A {offsets = [2560, 0], sizes = [512, 1], strides = [1, 1]} : vector<5120x1xi32> to vector<512x1xi32>
    %sub3A_244 = vector.broadcast %slice3A_243 : vector<512x1xi32> to vector<512x512xi32>
    %sub3A_245 = vector.broadcast %slice3A_228 : vector<1x512xi32> to vector<512x512xi32>
    %sub3A_246 = arith.subi %sub3A_244, %sub3A_245 : vector<512x512xi32>
    %gt3A_247 = arith.constant 0 : i32
    %gt3A_248 = vector.broadcast %gt3A_247 : i32 to vector<512x512xi32>
    %gt3A_249 = arith.cmpi sgt, %sub3A_246, %gt3A_248 : vector<512x512xi32>
    %eq3A_250 = arith.constant 0 : i32
    %eq3A_251 = vector.broadcast %eq3A_250 : i32 to vector<512x512xi32>
    %eq3A_252 = arith.cmpi eq, %sub3A_246, %eq3A_251 : vector<512x512xi32>
    %slice3A_253 = vector.extract_strided_slice %iota3A {offsets = [2560, 0], sizes = [512, 1], strides = [1, 1]} : vector<5120x1xi32> to vector<512x1xi32>
    %slice3A_254 = vector.extract_strided_slice %iota3A_6 {offsets = [0, 2560], sizes = [1, 512], strides = [1, 1]} : vector<1x5120xi32> to vector<1x512xi32>
    %lt3A_255 = vector.broadcast %slice3A_253 : vector<512x1xi32> to vector<512x512xi32>
    %lt3A_256 = vector.broadcast %slice3A_254 : vector<1x512xi32> to vector<512x512xi32>
    %lt3A_257 = arith.cmpi slt, %lt3A_255, %lt3A_256 : vector<512x512xi32>
    %and3A_258 = arith.andi %eq3A_252, %lt3A_257 : vector<512x512xi1>
    %or3A_259 = arith.ori %gt3A_249, %and3A_258 : vector<512x512xi1>
    %convert_element_type3A_260 = arith.extui %or3A_259 : vector<512x512xi1> to vector<512x512xi32>
    %reduce_sum3A_261 = arith.constant dense<0> : vector<512xi32>
    %reduce_sum3A_262 = vector.multi_reduction <add>, %convert_element_type3A_260, %reduce_sum3A_261 [0] : vector<512x512xi32> to vector<512xi32>
    %broadcast_in_dim3A_263 = vector.shape_cast %reduce_sum3A_262 : vector<512xi32> to vector<1x512xi32>
    %add3A_264 = arith.addi %add3A_242, %broadcast_in_dim3A_263 : vector<1x512xi32>
    %slice3A_265 = vector.extract_strided_slice %bitcast_convert_type3A {offsets = [3072, 0], sizes = [2048, 1], strides = [1, 1]} : vector<5120x1xi32> to vector<2048x1xi32>
    %sub3A_266 = vector.broadcast %slice3A_265 : vector<2048x1xi32> to vector<2048x512xi32>
    %sub3A_267 = vector.broadcast %slice3A_228 : vector<1x512xi32> to vector<2048x512xi32>
    %sub3A_268 = arith.subi %sub3A_266, %sub3A_267 : vector<2048x512xi32>
    %gt3A_269 = arith.constant 0 : i32
    %gt3A_270 = vector.broadcast %gt3A_269 : i32 to vector<2048x512xi32>
    %gt3A_271 = arith.cmpi sgt, %sub3A_268, %gt3A_270 : vector<2048x512xi32>
    %convert_element_type3A_272 = arith.extui %gt3A_271 : vector<2048x512xi1> to vector<2048x512xi32>
    %reduce_sum3A_273 = arith.constant dense<0> : vector<512xi32>
    %reduce_sum3A_274 = vector.multi_reduction <add>, %convert_element_type3A_272, %reduce_sum3A_273 [0] : vector<2048x512xi32> to vector<512xi32>
    %broadcast_in_dim3A_275 = vector.shape_cast %reduce_sum3A_274 : vector<512xi32> to vector<1x512xi32>
    %add3A_276 = arith.addi %add3A_264, %broadcast_in_dim3A_275 : vector<1x512xi32>
    %slice3A_277 = vector.extract_strided_slice %bitcast_convert_type3A_5 {offsets = [0, 3072], sizes = [1, 512], strides = [1, 1]} : vector<1x5120xi32> to vector<1x512xi32>
    %broadcast_in_dim3A_278 = arith.constant 0 : i32
    %broadcast_in_dim3A_279 = vector.broadcast %broadcast_in_dim3A_278 : i32 to vector<1x512xi32>
    %slice3A_280 = vector.extract_strided_slice %bitcast_convert_type3A {offsets = [0, 0], sizes = [3072, 1], strides = [1, 1]} : vector<5120x1xi32> to vector<3072x1xi32>
    %sub3A_281 = vector.broadcast %slice3A_280 : vector<3072x1xi32> to vector<3072x512xi32>
    %sub3A_282 = vector.broadcast %slice3A_277 : vector<1x512xi32> to vector<3072x512xi32>
    %sub3A_283 = arith.subi %sub3A_281, %sub3A_282 : vector<3072x512xi32>
    %ge3A_284 = arith.constant 0 : i32
    %ge3A_285 = vector.broadcast %ge3A_284 : i32 to vector<3072x512xi32>
    %ge3A_286 = arith.cmpi sge, %sub3A_283, %ge3A_285 : vector<3072x512xi32>
    %convert_element_type3A_287 = arith.extui %ge3A_286 : vector<3072x512xi1> to vector<3072x512xi32>
    %reduce_sum3A_288 = arith.constant dense<0> : vector<512xi32>
    %reduce_sum3A_289 = vector.multi_reduction <add>, %convert_element_type3A_287, %reduce_sum3A_288 [0] : vector<3072x512xi32> to vector<512xi32>
    %broadcast_in_dim3A_290 = vector.shape_cast %reduce_sum3A_289 : vector<512xi32> to vector<1x512xi32>
    %add3A_291 = arith.addi %broadcast_in_dim3A_279, %broadcast_in_dim3A_290 : vector<1x512xi32>
    %slice3A_292 = vector.extract_strided_slice %bitcast_convert_type3A {offsets = [3072, 0], sizes = [512, 1], strides = [1, 1]} : vector<5120x1xi32> to vector<512x1xi32>
    %sub3A_293 = vector.broadcast %slice3A_292 : vector<512x1xi32> to vector<512x512xi32>
    %sub3A_294 = vector.broadcast %slice3A_277 : vector<1x512xi32> to vector<512x512xi32>
    %sub3A_295 = arith.subi %sub3A_293, %sub3A_294 : vector<512x512xi32>
    %gt3A_296 = arith.constant 0 : i32
    %gt3A_297 = vector.broadcast %gt3A_296 : i32 to vector<512x512xi32>
    %gt3A_298 = arith.cmpi sgt, %sub3A_295, %gt3A_297 : vector<512x512xi32>
    %eq3A_299 = arith.constant 0 : i32
    %eq3A_300 = vector.broadcast %eq3A_299 : i32 to vector<512x512xi32>
    %eq3A_301 = arith.cmpi eq, %sub3A_295, %eq3A_300 : vector<512x512xi32>
    %slice3A_302 = vector.extract_strided_slice %iota3A {offsets = [3072, 0], sizes = [512, 1], strides = [1, 1]} : vector<5120x1xi32> to vector<512x1xi32>
    %slice3A_303 = vector.extract_strided_slice %iota3A_6 {offsets = [0, 3072], sizes = [1, 512], strides = [1, 1]} : vector<1x5120xi32> to vector<1x512xi32>
    %lt3A_304 = vector.broadcast %slice3A_302 : vector<512x1xi32> to vector<512x512xi32>
    %lt3A_305 = vector.broadcast %slice3A_303 : vector<1x512xi32> to vector<512x512xi32>
    %lt3A_306 = arith.cmpi slt, %lt3A_304, %lt3A_305 : vector<512x512xi32>
    %and3A_307 = arith.andi %eq3A_301, %lt3A_306 : vector<512x512xi1>
    %or3A_308 = arith.ori %gt3A_298, %and3A_307 : vector<512x512xi1>
    %convert_element_type3A_309 = arith.extui %or3A_308 : vector<512x512xi1> to vector<512x512xi32>
    %reduce_sum3A_310 = arith.constant dense<0> : vector<512xi32>
    %reduce_sum3A_311 = vector.multi_reduction <add>, %convert_element_type3A_309, %reduce_sum3A_310 [0] : vector<512x512xi32> to vector<512xi32>
    %broadcast_in_dim3A_312 = vector.shape_cast %reduce_sum3A_311 : vector<512xi32> to vector<1x512xi32>
    %add3A_313 = arith.addi %add3A_291, %broadcast_in_dim3A_312 : vector<1x512xi32>
    %slice3A_314 = vector.extract_strided_slice %bitcast_convert_type3A {offsets = [3584, 0], sizes = [1536, 1], strides = [1, 1]} : vector<5120x1xi32> to vector<1536x1xi32>
    %sub3A_315 = vector.broadcast %slice3A_314 : vector<1536x1xi32> to vector<1536x512xi32>
    %sub3A_316 = vector.broadcast %slice3A_277 : vector<1x512xi32> to vector<1536x512xi32>
    %sub3A_317 = arith.subi %sub3A_315, %sub3A_316 : vector<1536x512xi32>
    %gt3A_318 = arith.constant 0 : i32
    %gt3A_319 = vector.broadcast %gt3A_318 : i32 to vector<1536x512xi32>
    %gt3A_320 = arith.cmpi sgt, %sub3A_317, %gt3A_319 : vector<1536x512xi32>
    %convert_element_type3A_321 = arith.extui %gt3A_320 : vector<1536x512xi1> to vector<1536x512xi32>
    %reduce_sum3A_322 = arith.constant dense<0> : vector<512xi32>
    %reduce_sum3A_323 = vector.multi_reduction <add>, %convert_element_type3A_321, %reduce_sum3A_322 [0] : vector<1536x512xi32> to vector<512xi32>
    %broadcast_in_dim3A_324 = vector.shape_cast %reduce_sum3A_323 : vector<512xi32> to vector<1x512xi32>
    %add3A_325 = arith.addi %add3A_313, %broadcast_in_dim3A_324 : vector<1x512xi32>
    %slice3A_326 = vector.extract_strided_slice %bitcast_convert_type3A_5 {offsets = [0, 3584], sizes = [1, 512], strides = [1, 1]} : vector<1x5120xi32> to vector<1x512xi32>
    %broadcast_in_dim3A_327 = arith.constant 0 : i32
    %broadcast_in_dim3A_328 = vector.broadcast %broadcast_in_dim3A_327 : i32 to vector<1x512xi32>
    %slice3A_329 = vector.extract_strided_slice %bitcast_convert_type3A {offsets = [0, 0], sizes = [3584, 1], strides = [1, 1]} : vector<5120x1xi32> to vector<3584x1xi32>
    %sub3A_330 = vector.broadcast %slice3A_329 : vector<3584x1xi32> to vector<3584x512xi32>
    %sub3A_331 = vector.broadcast %slice3A_326 : vector<1x512xi32> to vector<3584x512xi32>
    %sub3A_332 = arith.subi %sub3A_330, %sub3A_331 : vector<3584x512xi32>
    %ge3A_333 = arith.constant 0 : i32
    %ge3A_334 = vector.broadcast %ge3A_333 : i32 to vector<3584x512xi32>
    %ge3A_335 = arith.cmpi sge, %sub3A_332, %ge3A_334 : vector<3584x512xi32>
    %convert_element_type3A_336 = arith.extui %ge3A_335 : vector<3584x512xi1> to vector<3584x512xi32>
    %reduce_sum3A_337 = arith.constant dense<0> : vector<512xi32>
    %reduce_sum3A_338 = vector.multi_reduction <add>, %convert_element_type3A_336, %reduce_sum3A_337 [0] : vector<3584x512xi32> to vector<512xi32>
    %broadcast_in_dim3A_339 = vector.shape_cast %reduce_sum3A_338 : vector<512xi32> to vector<1x512xi32>
    %add3A_340 = arith.addi %broadcast_in_dim3A_328, %broadcast_in_dim3A_339 : vector<1x512xi32>
    %slice3A_341 = vector.extract_strided_slice %bitcast_convert_type3A {offsets = [3584, 0], sizes = [512, 1], strides = [1, 1]} : vector<5120x1xi32> to vector<512x1xi32>
    %sub3A_342 = vector.broadcast %slice3A_341 : vector<512x1xi32> to vector<512x512xi32>
    %sub3A_343 = vector.broadcast %slice3A_326 : vector<1x512xi32> to vector<512x512xi32>
    %sub3A_344 = arith.subi %sub3A_342, %sub3A_343 : vector<512x512xi32>
    %gt3A_345 = arith.constant 0 : i32
    %gt3A_346 = vector.broadcast %gt3A_345 : i32 to vector<512x512xi32>
    %gt3A_347 = arith.cmpi sgt, %sub3A_344, %gt3A_346 : vector<512x512xi32>
    %eq3A_348 = arith.constant 0 : i32
    %eq3A_349 = vector.broadcast %eq3A_348 : i32 to vector<512x512xi32>
    %eq3A_350 = arith.cmpi eq, %sub3A_344, %eq3A_349 : vector<512x512xi32>
    %slice3A_351 = vector.extract_strided_slice %iota3A {offsets = [3584, 0], sizes = [512, 1], strides = [1, 1]} : vector<5120x1xi32> to vector<512x1xi32>
    %slice3A_352 = vector.extract_strided_slice %iota3A_6 {offsets = [0, 3584], sizes = [1, 512], strides = [1, 1]} : vector<1x5120xi32> to vector<1x512xi32>
    %lt3A_353 = vector.broadcast %slice3A_351 : vector<512x1xi32> to vector<512x512xi32>
    %lt3A_354 = vector.broadcast %slice3A_352 : vector<1x512xi32> to vector<512x512xi32>
    %lt3A_355 = arith.cmpi slt, %lt3A_353, %lt3A_354 : vector<512x512xi32>
    %and3A_356 = arith.andi %eq3A_350, %lt3A_355 : vector<512x512xi1>
    %or3A_357 = arith.ori %gt3A_347, %and3A_356 : vector<512x512xi1>
    %convert_element_type3A_358 = arith.extui %or3A_357 : vector<512x512xi1> to vector<512x512xi32>
    %reduce_sum3A_359 = arith.constant dense<0> : vector<512xi32>
    %reduce_sum3A_360 = vector.multi_reduction <add>, %convert_element_type3A_358, %reduce_sum3A_359 [0] : vector<512x512xi32> to vector<512xi32>
    %broadcast_in_dim3A_361 = vector.shape_cast %reduce_sum3A_360 : vector<512xi32> to vector<1x512xi32>
    %add3A_362 = arith.addi %add3A_340, %broadcast_in_dim3A_361 : vector<1x512xi32>
    %slice3A_363 = vector.extract_strided_slice %bitcast_convert_type3A {offsets = [4096, 0], sizes = [1024, 1], strides = [1, 1]} : vector<5120x1xi32> to vector<1024x1xi32>
    %sub3A_364 = vector.broadcast %slice3A_363 : vector<1024x1xi32> to vector<1024x512xi32>
    %sub3A_365 = vector.broadcast %slice3A_326 : vector<1x512xi32> to vector<1024x512xi32>
    %sub3A_366 = arith.subi %sub3A_364, %sub3A_365 : vector<1024x512xi32>
    %gt3A_367 = arith.constant 0 : i32
    %gt3A_368 = vector.broadcast %gt3A_367 : i32 to vector<1024x512xi32>
    %gt3A_369 = arith.cmpi sgt, %sub3A_366, %gt3A_368 : vector<1024x512xi32>
    %convert_element_type3A_370 = arith.extui %gt3A_369 : vector<1024x512xi1> to vector<1024x512xi32>
    %reduce_sum3A_371 = arith.constant dense<0> : vector<512xi32>
    %reduce_sum3A_372 = vector.multi_reduction <add>, %convert_element_type3A_370, %reduce_sum3A_371 [0] : vector<1024x512xi32> to vector<512xi32>
    %broadcast_in_dim3A_373 = vector.shape_cast %reduce_sum3A_372 : vector<512xi32> to vector<1x512xi32>
    %add3A_374 = arith.addi %add3A_362, %broadcast_in_dim3A_373 : vector<1x512xi32>
    %slice3A_375 = vector.extract_strided_slice %bitcast_convert_type3A_5 {offsets = [0, 4096], sizes = [1, 512], strides = [1, 1]} : vector<1x5120xi32> to vector<1x512xi32>
    %broadcast_in_dim3A_376 = arith.constant 0 : i32
    %broadcast_in_dim3A_377 = vector.broadcast %broadcast_in_dim3A_376 : i32 to vector<1x512xi32>
    %slice3A_378 = vector.extract_strided_slice %bitcast_convert_type3A {offsets = [0, 0], sizes = [4096, 1], strides = [1, 1]} : vector<5120x1xi32> to vector<4096x1xi32>
    %sub3A_379 = vector.broadcast %slice3A_378 : vector<4096x1xi32> to vector<4096x512xi32>
    %sub3A_380 = vector.broadcast %slice3A_375 : vector<1x512xi32> to vector<4096x512xi32>
    %sub3A_381 = arith.subi %sub3A_379, %sub3A_380 : vector<4096x512xi32>
    %ge3A_382 = arith.constant 0 : i32
    %ge3A_383 = vector.broadcast %ge3A_382 : i32 to vector<4096x512xi32>
    %ge3A_384 = arith.cmpi sge, %sub3A_381, %ge3A_383 : vector<4096x512xi32>
    %convert_element_type3A_385 = arith.extui %ge3A_384 : vector<4096x512xi1> to vector<4096x512xi32>
    %reduce_sum3A_386 = arith.constant dense<0> : vector<512xi32>
    %reduce_sum3A_387 = vector.multi_reduction <add>, %convert_element_type3A_385, %reduce_sum3A_386 [0] : vector<4096x512xi32> to vector<512xi32>
    %broadcast_in_dim3A_388 = vector.shape_cast %reduce_sum3A_387 : vector<512xi32> to vector<1x512xi32>
    %add3A_389 = arith.addi %broadcast_in_dim3A_377, %broadcast_in_dim3A_388 : vector<1x512xi32>
    %slice3A_390 = vector.extract_strided_slice %bitcast_convert_type3A {offsets = [4096, 0], sizes = [512, 1], strides = [1, 1]} : vector<5120x1xi32> to vector<512x1xi32>
    %sub3A_391 = vector.broadcast %slice3A_390 : vector<512x1xi32> to vector<512x512xi32>
    %sub3A_392 = vector.broadcast %slice3A_375 : vector<1x512xi32> to vector<512x512xi32>
    %sub3A_393 = arith.subi %sub3A_391, %sub3A_392 : vector<512x512xi32>
    %gt3A_394 = arith.constant 0 : i32
    %gt3A_395 = vector.broadcast %gt3A_394 : i32 to vector<512x512xi32>
    %gt3A_396 = arith.cmpi sgt, %sub3A_393, %gt3A_395 : vector<512x512xi32>
    %eq3A_397 = arith.constant 0 : i32
    %eq3A_398 = vector.broadcast %eq3A_397 : i32 to vector<512x512xi32>
    %eq3A_399 = arith.cmpi eq, %sub3A_393, %eq3A_398 : vector<512x512xi32>
    %slice3A_400 = vector.extract_strided_slice %iota3A {offsets = [4096, 0], sizes = [512, 1], strides = [1, 1]} : vector<5120x1xi32> to vector<512x1xi32>
    %slice3A_401 = vector.extract_strided_slice %iota3A_6 {offsets = [0, 4096], sizes = [1, 512], strides = [1, 1]} : vector<1x5120xi32> to vector<1x512xi32>
    %lt3A_402 = vector.broadcast %slice3A_400 : vector<512x1xi32> to vector<512x512xi32>
    %lt3A_403 = vector.broadcast %slice3A_401 : vector<1x512xi32> to vector<512x512xi32>
    %lt3A_404 = arith.cmpi slt, %lt3A_402, %lt3A_403 : vector<512x512xi32>
    %and3A_405 = arith.andi %eq3A_399, %lt3A_404 : vector<512x512xi1>
    %or3A_406 = arith.ori %gt3A_396, %and3A_405 : vector<512x512xi1>
    %convert_element_type3A_407 = arith.extui %or3A_406 : vector<512x512xi1> to vector<512x512xi32>
    %reduce_sum3A_408 = arith.constant dense<0> : vector<512xi32>
    %reduce_sum3A_409 = vector.multi_reduction <add>, %convert_element_type3A_407, %reduce_sum3A_408 [0] : vector<512x512xi32> to vector<512xi32>
    %broadcast_in_dim3A_410 = vector.shape_cast %reduce_sum3A_409 : vector<512xi32> to vector<1x512xi32>
    %add3A_411 = arith.addi %add3A_389, %broadcast_in_dim3A_410 : vector<1x512xi32>
    %slice3A_412 = vector.extract_strided_slice %bitcast_convert_type3A {offsets = [4608, 0], sizes = [512, 1], strides = [1, 1]} : vector<5120x1xi32> to vector<512x1xi32>
    %sub3A_413 = vector.broadcast %slice3A_412 : vector<512x1xi32> to vector<512x512xi32>
    %sub3A_414 = vector.broadcast %slice3A_375 : vector<1x512xi32> to vector<512x512xi32>
    %sub3A_415 = arith.subi %sub3A_413, %sub3A_414 : vector<512x512xi32>
    %gt3A_416 = arith.constant 0 : i32
    %gt3A_417 = vector.broadcast %gt3A_416 : i32 to vector<512x512xi32>
    %gt3A_418 = arith.cmpi sgt, %sub3A_415, %gt3A_417 : vector<512x512xi32>
    %convert_element_type3A_419 = arith.extui %gt3A_418 : vector<512x512xi1> to vector<512x512xi32>
    %reduce_sum3A_420 = arith.constant dense<0> : vector<512xi32>
    %reduce_sum3A_421 = vector.multi_reduction <add>, %convert_element_type3A_419, %reduce_sum3A_420 [0] : vector<512x512xi32> to vector<512xi32>
    %broadcast_in_dim3A_422 = vector.shape_cast %reduce_sum3A_421 : vector<512xi32> to vector<1x512xi32>
    %add3A_423 = arith.addi %add3A_411, %broadcast_in_dim3A_422 : vector<1x512xi32>
    %slice3A_424 = vector.extract_strided_slice %bitcast_convert_type3A_5 {offsets = [0, 4608], sizes = [1, 512], strides = [1, 1]} : vector<1x5120xi32> to vector<1x512xi32>
    %broadcast_in_dim3A_425 = arith.constant 0 : i32
    %broadcast_in_dim3A_426 = vector.broadcast %broadcast_in_dim3A_425 : i32 to vector<1x512xi32>
    %slice3A_427 = vector.extract_strided_slice %bitcast_convert_type3A {offsets = [0, 0], sizes = [4608, 1], strides = [1, 1]} : vector<5120x1xi32> to vector<4608x1xi32>
    %sub3A_428 = vector.broadcast %slice3A_427 : vector<4608x1xi32> to vector<4608x512xi32>
    %sub3A_429 = vector.broadcast %slice3A_424 : vector<1x512xi32> to vector<4608x512xi32>
    %sub3A_430 = arith.subi %sub3A_428, %sub3A_429 : vector<4608x512xi32>
    %ge3A_431 = arith.constant 0 : i32
    %ge3A_432 = vector.broadcast %ge3A_431 : i32 to vector<4608x512xi32>
    %ge3A_433 = arith.cmpi sge, %sub3A_430, %ge3A_432 : vector<4608x512xi32>
    %convert_element_type3A_434 = arith.extui %ge3A_433 : vector<4608x512xi1> to vector<4608x512xi32>
    %reduce_sum3A_435 = arith.constant dense<0> : vector<512xi32>
    %reduce_sum3A_436 = vector.multi_reduction <add>, %convert_element_type3A_434, %reduce_sum3A_435 [0] : vector<4608x512xi32> to vector<512xi32>
    %broadcast_in_dim3A_437 = vector.shape_cast %reduce_sum3A_436 : vector<512xi32> to vector<1x512xi32>
    %add3A_438 = arith.addi %broadcast_in_dim3A_426, %broadcast_in_dim3A_437 : vector<1x512xi32>
    %slice3A_439 = vector.extract_strided_slice %bitcast_convert_type3A {offsets = [4608, 0], sizes = [512, 1], strides = [1, 1]} : vector<5120x1xi32> to vector<512x1xi32>
    %sub3A_440 = vector.broadcast %slice3A_439 : vector<512x1xi32> to vector<512x512xi32>
    %sub3A_441 = vector.broadcast %slice3A_424 : vector<1x512xi32> to vector<512x512xi32>
    %sub3A_442 = arith.subi %sub3A_440, %sub3A_441 : vector<512x512xi32>
    %gt3A_443 = arith.constant 0 : i32
    %gt3A_444 = vector.broadcast %gt3A_443 : i32 to vector<512x512xi32>
    %gt3A_445 = arith.cmpi sgt, %sub3A_442, %gt3A_444 : vector<512x512xi32>
    %eq3A_446 = arith.constant 0 : i32
    %eq3A_447 = vector.broadcast %eq3A_446 : i32 to vector<512x512xi32>
    %eq3A_448 = arith.cmpi eq, %sub3A_442, %eq3A_447 : vector<512x512xi32>
    %slice3A_449 = vector.extract_strided_slice %iota3A {offsets = [4608, 0], sizes = [512, 1], strides = [1, 1]} : vector<5120x1xi32> to vector<512x1xi32>
    %slice3A_450 = vector.extract_strided_slice %iota3A_6 {offsets = [0, 4608], sizes = [1, 512], strides = [1, 1]} : vector<1x5120xi32> to vector<1x512xi32>
    %lt3A_451 = vector.broadcast %slice3A_449 : vector<512x1xi32> to vector<512x512xi32>
    %lt3A_452 = vector.broadcast %slice3A_450 : vector<1x512xi32> to vector<512x512xi32>
    %lt3A_453 = arith.cmpi slt, %lt3A_451, %lt3A_452 : vector<512x512xi32>
    %and3A_454 = arith.andi %eq3A_448, %lt3A_453 : vector<512x512xi1>
    %or3A_455 = arith.ori %gt3A_445, %and3A_454 : vector<512x512xi1>
    %convert_element_type3A_456 = arith.extui %or3A_455 : vector<512x512xi1> to vector<512x512xi32>
    %reduce_sum3A_457 = arith.constant dense<0> : vector<512xi32>
    %reduce_sum3A_458 = vector.multi_reduction <add>, %convert_element_type3A_456, %reduce_sum3A_457 [0] : vector<512x512xi32> to vector<512xi32>
    %broadcast_in_dim3A_459 = vector.shape_cast %reduce_sum3A_458 : vector<512xi32> to vector<1x512xi32>
    %add3A_460 = arith.addi %add3A_438, %broadcast_in_dim3A_459 : vector<1x512xi32>
    %concatenate3A = tpu.concatenate %add3A_32, %add3A_80, %add3A_129, %add3A_178, %add3A_227, %add3A_276, %add3A_325, %add3A_374, %add3A_423, %add3A_460 in 1 : vector<1x512xi32>, vector<1x512xi32>, vector<1x512xi32>, vector<1x512xi32>, vector<1x512xi32>, vector<1x512xi32>, vector<1x512xi32>, vector<1x512xi32>, vector<1x512xi32>, vector<1x512xi32> -> vector<1x5120xi32>
    %swap3A = arith.constant 0 : index
    %swap3A_461 = arith.constant 0 : index
    %swap3A_462 = vector.load %arg2[%swap3A, %swap3A_461] : memref<1x5120xi32, #tpu.memory_space<vmem>>, vector<1x5120xi32>
    tpu.vector_store %arg2[%swap3A, %swap3A_461], %concatenate3A {strides = array<i32>} : memref<1x5120xi32, #tpu.memory_space<vmem>>, vector<1x5120xi32>,
    return
  }
}

module attributes {stable_mosaic.version = 14 : i64} {
  func.func @_nms_sel_body(%arg0: memref<5120x128xf32, #tpu.memory_space<vmem>>, %arg1: memref<304x8xf32, #tpu.memory_space<vmem>>) attributes {dimension_semantics = [], scalar_prefetch = 0 : i64, scratch_operands = 0 : i64, tpu.core_type = #tpu.core_type<tc>} {
    %get3A = arith.constant 0 : index
    %get3A_0 = arith.constant 0 : index
    %get3A_1 = vector.load %arg0[%get3A, %get3A_0] : memref<5120x128xf32, #tpu.memory_space<vmem>>, vector<5120x8xf32>
    %transpose3A = tpu.transpose %get3A_1, [1, 0] : vector<5120x8xf32> -> vector<8x5120xf32>
    %iota3A = tpu.iota {dimensions = array<i32: 1>} : vector<1x5120xi32>
    %slice3A = vector.extract_strided_slice %transpose3A {offsets = [0, 0], sizes = [1, 5120], strides = [1, 1]} : vector<8x5120xf32> to vector<1x5120xf32>
    %slice3A_2 = vector.extract_strided_slice %transpose3A {offsets = [1, 0], sizes = [1, 5120], strides = [1, 1]} : vector<8x5120xf32> to vector<1x5120xf32>
    %slice3A_3 = vector.extract_strided_slice %transpose3A {offsets = [2, 0], sizes = [1, 5120], strides = [1, 1]} : vector<8x5120xf32> to vector<1x5120xf32>
    %slice3A_4 = vector.extract_strided_slice %transpose3A {offsets = [3, 0], sizes = [1, 5120], strides = [1, 1]} : vector<8x5120xf32> to vector<1x5120xf32>
    %sub3A = arith.subf %slice3A_3, %slice3A : vector<1x5120xf32>
    %sub3A_5 = arith.subf %slice3A_4, %slice3A_2 : vector<1x5120xf32>
    %mul3A = arith.mulf %sub3A, %sub3A_5 : vector<1x5120xf32>
    %iota3A_6 = tpu.iota {dimensions = array<i32: 0>} : vector<512x1xi32>
    %iota3A_7 = tpu.iota {dimensions = array<i32: 1>} : vector<1x512xi32>
    %lt3A = vector.broadcast %iota3A_6 : vector<512x1xi32> to vector<512x512xi32>
    %lt3A_8 = vector.broadcast %iota3A_7 : vector<1x512xi32> to vector<512x512xi32>
    %lt3A_9 = arith.cmpi slt, %lt3A, %lt3A_8 : vector<512x512xi32>
    %broadcast_in_dim3A = arith.constant 1.000000e+00 : f32
    %broadcast_in_dim3A_10 = vector.broadcast %broadcast_in_dim3A : f32 to vector<1x512xf32>
    %broadcast_in_dim3A_11 = arith.constant 1.000000e+00 : f32
    %broadcast_in_dim3A_12 = vector.broadcast %broadcast_in_dim3A_11 : f32 to vector<1x512xf32>
    %broadcast_in_dim3A_13 = arith.constant 1.000000e+00 : f32
    %broadcast_in_dim3A_14 = vector.broadcast %broadcast_in_dim3A_13 : f32 to vector<1x512xf32>
    %broadcast_in_dim3A_15 = arith.constant 1.000000e+00 : f32
    %broadcast_in_dim3A_16 = vector.broadcast %broadcast_in_dim3A_15 : f32 to vector<1x512xf32>
    %broadcast_in_dim3A_17 = arith.constant 1.000000e+00 : f32
    %broadcast_in_dim3A_18 = vector.broadcast %broadcast_in_dim3A_17 : f32 to vector<1x512xf32>
    %broadcast_in_dim3A_19 = arith.constant 1.000000e+00 : f32
    %broadcast_in_dim3A_20 = vector.broadcast %broadcast_in_dim3A_19 : f32 to vector<1x512xf32>
    %broadcast_in_dim3A_21 = arith.constant 1.000000e+00 : f32
    %broadcast_in_dim3A_22 = vector.broadcast %broadcast_in_dim3A_21 : f32 to vector<1x512xf32>
    %broadcast_in_dim3A_23 = arith.constant 1.000000e+00 : f32
    %broadcast_in_dim3A_24 = vector.broadcast %broadcast_in_dim3A_23 : f32 to vector<1x512xf32>
    %broadcast_in_dim3A_25 = arith.constant 1.000000e+00 : f32
    %broadcast_in_dim3A_26 = vector.broadcast %broadcast_in_dim3A_25 : f32 to vector<1x512xf32>
    %broadcast_in_dim3A_27 = arith.constant 1.000000e+00 : f32
    %broadcast_in_dim3A_28 = vector.broadcast %broadcast_in_dim3A_27 : f32 to vector<1x512xf32>
    %slice3A_29 = vector.extract_strided_slice %get3A_1 {offsets = [0, 0], sizes = [512, 1], strides = [1, 1]} : vector<5120x8xf32> to vector<512x1xf32>
    %slice3A_30 = vector.extract_strided_slice %get3A_1 {offsets = [0, 1], sizes = [512, 1], strides = [1, 1]} : vector<5120x8xf32> to vector<512x1xf32>
    %slice3A_31 = vector.extract_strided_slice %get3A_1 {offsets = [0, 2], sizes = [512, 1], strides = [1, 1]} : vector<5120x8xf32> to vector<512x1xf32>
    %slice3A_32 = vector.extract_strided_slice %get3A_1 {offsets = [0, 3], sizes = [512, 1], strides = [1, 1]} : vector<5120x8xf32> to vector<512x1xf32>
    %sub3A_33 = arith.subf %slice3A_31, %slice3A_29 : vector<512x1xf32>
    %sub3A_34 = arith.subf %slice3A_32, %slice3A_30 : vector<512x1xf32>
    %mul3A_35 = arith.mulf %sub3A_33, %sub3A_34 : vector<512x1xf32>
    %slice3A_36 = vector.extract_strided_slice %slice3A {offsets = [0, 0], sizes = [1, 512], strides = [1, 1]} : vector<1x5120xf32> to vector<1x512xf32>
    %max3A = vector.broadcast %slice3A_29 : vector<512x1xf32> to vector<512x512xf32>
    %max3A_37 = vector.broadcast %slice3A_36 : vector<1x512xf32> to vector<512x512xf32>
    %max3A_38 = arith.maximumf %max3A, %max3A_37 : vector<512x512xf32>
    %slice3A_39 = vector.extract_strided_slice %slice3A_2 {offsets = [0, 0], sizes = [1, 512], strides = [1, 1]} : vector<1x5120xf32> to vector<1x512xf32>
    %max3A_40 = vector.broadcast %slice3A_30 : vector<512x1xf32> to vector<512x512xf32>
    %max3A_41 = vector.broadcast %slice3A_39 : vector<1x512xf32> to vector<512x512xf32>
    %max3A_42 = arith.maximumf %max3A_40, %max3A_41 : vector<512x512xf32>
    %slice3A_43 = vector.extract_strided_slice %slice3A_3 {offsets = [0, 0], sizes = [1, 512], strides = [1, 1]} : vector<1x5120xf32> to vector<1x512xf32>
    %min3A = vector.broadcast %slice3A_31 : vector<512x1xf32> to vector<512x512xf32>
    %min3A_44 = vector.broadcast %slice3A_43 : vector<1x512xf32> to vector<512x512xf32>
    %min3A_45 = arith.minimumf %min3A, %min3A_44 : vector<512x512xf32>
    %slice3A_46 = vector.extract_strided_slice %slice3A_4 {offsets = [0, 0], sizes = [1, 512], strides = [1, 1]} : vector<1x5120xf32> to vector<1x512xf32>
    %min3A_47 = vector.broadcast %slice3A_32 : vector<512x1xf32> to vector<512x512xf32>
    %min3A_48 = vector.broadcast %slice3A_46 : vector<1x512xf32> to vector<512x512xf32>
    %min3A_49 = arith.minimumf %min3A_47, %min3A_48 : vector<512x512xf32>
    %sub3A_50 = arith.subf %min3A_45, %max3A_38 : vector<512x512xf32>
    %max3A_51 = arith.constant 0.000000e+00 : f32
    %max3A_52 = vector.broadcast %max3A_51 : f32 to vector<512x512xf32>
    %max3A_53 = arith.maximumf %sub3A_50, %max3A_52 : vector<512x512xf32>
    %sub3A_54 = arith.subf %min3A_49, %max3A_42 : vector<512x512xf32>
    %max3A_55 = arith.constant 0.000000e+00 : f32
    %max3A_56 = vector.broadcast %max3A_55 : f32 to vector<512x512xf32>
    %max3A_57 = arith.maximumf %sub3A_54, %max3A_56 : vector<512x512xf32>
    %mul3A_58 = arith.mulf %max3A_53, %max3A_57 : vector<512x512xf32>
    %slice3A_59 = vector.extract_strided_slice %mul3A {offsets = [0, 0], sizes = [1, 512], strides = [1, 1]} : vector<1x5120xf32> to vector<1x512xf32>
    %add3A = vector.broadcast %mul3A_35 : vector<512x1xf32> to vector<512x512xf32>
    %add3A_60 = vector.broadcast %slice3A_59 : vector<1x512xf32> to vector<512x512xf32>
    %add3A_61 = arith.addf %add3A, %add3A_60 : vector<512x512xf32>
    %sub3A_62 = arith.subf %add3A_61, %mul3A_58 : vector<512x512xf32>
    %max3A_63 = arith.constant 9.99999993E-9 : f32
    %max3A_64 = vector.broadcast %max3A_63 : f32 to vector<512x512xf32>
    %max3A_65 = arith.maximumf %sub3A_62, %max3A_64 : vector<512x512xf32>
    %div3A = arith.divf %mul3A_58, %max3A_65 : vector<512x512xf32>
    %gt3A = arith.constant 3.000000e-01 : f32
    %gt3A_66 = vector.broadcast %gt3A : f32 to vector<512x512xf32>
    %gt3A_67 = arith.cmpf ogt, %div3A, %gt3A_66 : vector<512x512xf32>
    %and3A = arith.andi %gt3A_67, %lt3A_9 : vector<512x512xi1>
    %convert_element_type3A = arith.extui %and3A : vector<512x512xi1> to vector<512x512xi32>
    %convert_element_type3A_68 = arith.sitofp %convert_element_type3A : vector<512x512xi32> to vector<512x512xf32>
    %while3A = arith.constant true
    %while3A_69:2 = scf.while (%while3A_1187 = %broadcast_in_dim3A_10, %while3A_1188 = %while3A) : (vector<1x512xf32>, i1) -> (vector<1x512xf32>, i1) {
      scf.condition(%while3A_1188) %while3A_1187, %while3A_1188 : vector<1x512xf32>, i1
    } do {
    ^bb0(%while3A_1187: vector<1x512xf32>, %while3A_1188: i1):
      %dot_general3A_1189 = arith.constant dense<0.000000e+00> : vector<1x512xf32>
      %dot_general3A_1190 = tpu.matmul %while3A_1187, %convert_element_type3A_68, %dot_general3A_1189 {dimension_numbers = #tpu.dot_dimension_numbers<[1], [0], [0], [1], [0, 0, 1, 1], [], []>, transpose_lhs_hint = false} : vector<1x512xf32>, vector<512x512xf32>, vector<1x512xf32> -> vector<1x512xf32>
      %eq3A_1191 = arith.constant 0.000000e+00 : f32
      %eq3A_1192 = vector.broadcast %eq3A_1191 : f32 to vector<1x512xf32>
      %eq3A_1193 = arith.cmpf oeq, %dot_general3A_1190, %eq3A_1192 : vector<1x512xf32>
      %convert_element_type3A_1194 = arith.extui %eq3A_1193 : vector<1x512xi1> to vector<1x512xi32>
      %convert_element_type3A_1195 = arith.sitofp %convert_element_type3A_1194 : vector<1x512xi32> to vector<1x512xf32>
      %mul3A_1196 = arith.mulf %broadcast_in_dim3A_10, %convert_element_type3A_1195 : vector<1x512xf32>
      %dot_general3A_1197 = arith.constant dense<0.000000e+00> : vector<1x512xf32>
      %dot_general3A_1198 = tpu.matmul %mul3A_1196, %convert_element_type3A_68, %dot_general3A_1197 {dimension_numbers = #tpu.dot_dimension_numbers<[1], [0], [0], [1], [0, 0, 1, 1], [], []>, transpose_lhs_hint = false} : vector<1x512xf32>, vector<512x512xf32>, vector<1x512xf32> -> vector<1x512xf32>
      %eq3A_1199 = arith.constant 0.000000e+00 : f32
      %eq3A_1200 = vector.broadcast %eq3A_1199 : f32 to vector<1x512xf32>
      %eq3A_1201 = arith.cmpf oeq, %dot_general3A_1198, %eq3A_1200 : vector<1x512xf32>
      %convert_element_type3A_1202 = arith.extui %eq3A_1201 : vector<1x512xi1> to vector<1x512xi32>
      %convert_element_type3A_1203 = arith.sitofp %convert_element_type3A_1202 : vector<1x512xi32> to vector<1x512xf32>
      %mul3A_1204 = arith.mulf %broadcast_in_dim3A_10, %convert_element_type3A_1203 : vector<1x512xf32>
      %ne3A = arith.cmpf one, %mul3A_1204, %mul3A_1196 : vector<1x512xf32>
      %reduce_or3A = arith.constant 1.000000e+00 : f32
      %reduce_or3A_1205 = arith.constant 0.000000e+00 : f32
      %reduce_or3A_1206 = vector.broadcast %reduce_or3A : f32 to vector<1x512xf32>
      %reduce_or3A_1207 = vector.broadcast %reduce_or3A_1205 : f32 to vector<1x512xf32>
      %reduce_or3A_1208 = arith.select %ne3A, %reduce_or3A_1206, %reduce_or3A_1207 : vector<1x512xi1>, vector<1x512xf32>
      %reduce_or3A_1209 = vector.shape_cast %reduce_or3A_1208 : vector<1x512xf32> to vector<1x1x512xf32>
      %reduce_or3A_1210 = arith.constant dense<0xFF800000> : vector<1xf32>
      %reduce_or3A_1211 = vector.multi_reduction <maximumf>, %reduce_or3A_1209, %reduce_or3A_1210 [1, 2] : vector<1x1x512xf32> to vector<1xf32>
      %reduce_or3A_1212 = vector.shape_cast %reduce_or3A_1211 : vector<1xf32> to vector<1x1x1xf32>
      %reduce_or3A_1213 = vector.extract %reduce_or3A_1212[0, 0, 0] : f32 from vector<1x1x1xf32>
      %reduce_or3A_1214 = arith.constant 0.000000e+00 : f32
      %reduce_or3A_1215 = arith.cmpf ogt, %reduce_or3A_1213, %reduce_or3A_1214 : f32
      scf.yield %mul3A_1204, %reduce_or3A_1215 : vector<1x512xf32>, i1
    }
    %slice3A_70 = vector.extract_strided_slice %slice3A {offsets = [0, 512], sizes = [1, 4608], strides = [1, 1]} : vector<1x5120xf32> to vector<1x4608xf32>
    %max3A_71 = vector.broadcast %slice3A_29 : vector<512x1xf32> to vector<512x4608xf32>
    %max3A_72 = vector.broadcast %slice3A_70 : vector<1x4608xf32> to vector<512x4608xf32>
    %max3A_73 = arith.maximumf %max3A_71, %max3A_72 : vector<512x4608xf32>
    %slice3A_74 = vector.extract_strided_slice %slice3A_2 {offsets = [0, 512], sizes = [1, 4608], strides = [1, 1]} : vector<1x5120xf32> to vector<1x4608xf32>
    %max3A_75 = vector.broadcast %slice3A_30 : vector<512x1xf32> to vector<512x4608xf32>
    %max3A_76 = vector.broadcast %slice3A_74 : vector<1x4608xf32> to vector<512x4608xf32>
    %max3A_77 = arith.maximumf %max3A_75, %max3A_76 : vector<512x4608xf32>
    %slice3A_78 = vector.extract_strided_slice %slice3A_3 {offsets = [0, 512], sizes = [1, 4608], strides = [1, 1]} : vector<1x5120xf32> to vector<1x4608xf32>
    %min3A_79 = vector.broadcast %slice3A_31 : vector<512x1xf32> to vector<512x4608xf32>
    %min3A_80 = vector.broadcast %slice3A_78 : vector<1x4608xf32> to vector<512x4608xf32>
    %min3A_81 = arith.minimumf %min3A_79, %min3A_80 : vector<512x4608xf32>
    %slice3A_82 = vector.extract_strided_slice %slice3A_4 {offsets = [0, 512], sizes = [1, 4608], strides = [1, 1]} : vector<1x5120xf32> to vector<1x4608xf32>
    %min3A_83 = vector.broadcast %slice3A_32 : vector<512x1xf32> to vector<512x4608xf32>
    %min3A_84 = vector.broadcast %slice3A_82 : vector<1x4608xf32> to vector<512x4608xf32>
    %min3A_85 = arith.minimumf %min3A_83, %min3A_84 : vector<512x4608xf32>
    %sub3A_86 = arith.subf %min3A_81, %max3A_73 : vector<512x4608xf32>
    %max3A_87 = arith.constant 0.000000e+00 : f32
    %max3A_88 = vector.broadcast %max3A_87 : f32 to vector<512x4608xf32>
    %max3A_89 = arith.maximumf %sub3A_86, %max3A_88 : vector<512x4608xf32>
    %sub3A_90 = arith.subf %min3A_85, %max3A_77 : vector<512x4608xf32>
    %max3A_91 = arith.constant 0.000000e+00 : f32
    %max3A_92 = vector.broadcast %max3A_91 : f32 to vector<512x4608xf32>
    %max3A_93 = arith.maximumf %sub3A_90, %max3A_92 : vector<512x4608xf32>
    %mul3A_94 = arith.mulf %max3A_89, %max3A_93 : vector<512x4608xf32>
    %slice3A_95 = vector.extract_strided_slice %mul3A {offsets = [0, 512], sizes = [1, 4608], strides = [1, 1]} : vector<1x5120xf32> to vector<1x4608xf32>
    %add3A_96 = vector.broadcast %mul3A_35 : vector<512x1xf32> to vector<512x4608xf32>
    %add3A_97 = vector.broadcast %slice3A_95 : vector<1x4608xf32> to vector<512x4608xf32>
    %add3A_98 = arith.addf %add3A_96, %add3A_97 : vector<512x4608xf32>
    %sub3A_99 = arith.subf %add3A_98, %mul3A_94 : vector<512x4608xf32>
    %max3A_100 = arith.constant 9.99999993E-9 : f32
    %max3A_101 = vector.broadcast %max3A_100 : f32 to vector<512x4608xf32>
    %max3A_102 = arith.maximumf %sub3A_99, %max3A_101 : vector<512x4608xf32>
    %div3A_103 = arith.divf %mul3A_94, %max3A_102 : vector<512x4608xf32>
    %gt3A_104 = arith.constant 3.000000e-01 : f32
    %gt3A_105 = vector.broadcast %gt3A_104 : f32 to vector<512x4608xf32>
    %gt3A_106 = arith.cmpf ogt, %div3A_103, %gt3A_105 : vector<512x4608xf32>
    %convert_element_type3A_107 = arith.extui %gt3A_106 : vector<512x4608xi1> to vector<512x4608xi32>
    %convert_element_type3A_108 = arith.sitofp %convert_element_type3A_107 : vector<512x4608xi32> to vector<512x4608xf32>
    %dot_general3A = arith.constant dense<0.000000e+00> : vector<1x4608xf32>
    %dot_general3A_109 = tpu.matmul %while3A_69#0, %convert_element_type3A_108, %dot_general3A {dimension_numbers = #tpu.dot_dimension_numbers<[1], [0], [0], [1], [0, 0, 1, 1], [], []>, transpose_lhs_hint = false} : vector<1x512xf32>, vector<512x4608xf32>, vector<1x4608xf32> -> vector<1x4608xf32>
    %eq3A = arith.constant 0.000000e+00 : f32
    %eq3A_110 = vector.broadcast %eq3A : f32 to vector<1x4608xf32>
    %eq3A_111 = arith.cmpf oeq, %dot_general3A_109, %eq3A_110 : vector<1x4608xf32>
    %convert_element_type3A_112 = arith.extui %eq3A_111 : vector<1x4608xi1> to vector<1x4608xi32>
    %convert_element_type3A_113 = arith.sitofp %convert_element_type3A_112 : vector<1x4608xi32> to vector<1x4608xf32>
    %slice3A_114 = vector.extract_strided_slice %convert_element_type3A_113 {offsets = [0, 0], sizes = [1, 512], strides = [1, 1]} : vector<1x4608xf32> to vector<1x512xf32>
    %mul3A_115 = arith.mulf %broadcast_in_dim3A_12, %slice3A_114 : vector<1x512xf32>
    %slice3A_116 = vector.extract_strided_slice %convert_element_type3A_113 {offsets = [0, 512], sizes = [1, 512], strides = [1, 1]} : vector<1x4608xf32> to vector<1x512xf32>
    %mul3A_117 = arith.mulf %broadcast_in_dim3A_14, %slice3A_116 : vector<1x512xf32>
    %slice3A_118 = vector.extract_strided_slice %convert_element_type3A_113 {offsets = [0, 1024], sizes = [1, 512], strides = [1, 1]} : vector<1x4608xf32> to vector<1x512xf32>
    %mul3A_119 = arith.mulf %broadcast_in_dim3A_16, %slice3A_118 : vector<1x512xf32>
    %slice3A_120 = vector.extract_strided_slice %convert_element_type3A_113 {offsets = [0, 1536], sizes = [1, 512], strides = [1, 1]} : vector<1x4608xf32> to vector<1x512xf32>
    %mul3A_121 = arith.mulf %broadcast_in_dim3A_18, %slice3A_120 : vector<1x512xf32>
    %slice3A_122 = vector.extract_strided_slice %convert_element_type3A_113 {offsets = [0, 2048], sizes = [1, 512], strides = [1, 1]} : vector<1x4608xf32> to vector<1x512xf32>
    %mul3A_123 = arith.mulf %broadcast_in_dim3A_20, %slice3A_122 : vector<1x512xf32>
    %slice3A_124 = vector.extract_strided_slice %convert_element_type3A_113 {offsets = [0, 2560], sizes = [1, 512], strides = [1, 1]} : vector<1x4608xf32> to vector<1x512xf32>
    %mul3A_125 = arith.mulf %broadcast_in_dim3A_22, %slice3A_124 : vector<1x512xf32>
    %slice3A_126 = vector.extract_strided_slice %convert_element_type3A_113 {offsets = [0, 3072], sizes = [1, 512], strides = [1, 1]} : vector<1x4608xf32> to vector<1x512xf32>
    %mul3A_127 = arith.mulf %broadcast_in_dim3A_24, %slice3A_126 : vector<1x512xf32>
    %slice3A_128 = vector.extract_strided_slice %convert_element_type3A_113 {offsets = [0, 3584], sizes = [1, 512], strides = [1, 1]} : vector<1x4608xf32> to vector<1x512xf32>
    %mul3A_129 = arith.mulf %broadcast_in_dim3A_26, %slice3A_128 : vector<1x512xf32>
    %slice3A_130 = vector.extract_strided_slice %convert_element_type3A_113 {offsets = [0, 4096], sizes = [1, 512], strides = [1, 1]} : vector<1x4608xf32> to vector<1x512xf32>
    %mul3A_131 = arith.mulf %broadcast_in_dim3A_28, %slice3A_130 : vector<1x512xf32>
    %slice3A_132 = vector.extract_strided_slice %get3A_1 {offsets = [512, 0], sizes = [512, 1], strides = [1, 1]} : vector<5120x8xf32> to vector<512x1xf32>
    %slice3A_133 = vector.extract_strided_slice %get3A_1 {offsets = [512, 1], sizes = [512, 1], strides = [1, 1]} : vector<5120x8xf32> to vector<512x1xf32>
    %slice3A_134 = vector.extract_strided_slice %get3A_1 {offsets = [512, 2], sizes = [512, 1], strides = [1, 1]} : vector<5120x8xf32> to vector<512x1xf32>
    %slice3A_135 = vector.extract_strided_slice %get3A_1 {offsets = [512, 3], sizes = [512, 1], strides = [1, 1]} : vector<5120x8xf32> to vector<512x1xf32>
    %sub3A_136 = arith.subf %slice3A_134, %slice3A_132 : vector<512x1xf32>
    %sub3A_137 = arith.subf %slice3A_135, %slice3A_133 : vector<512x1xf32>
    %mul3A_138 = arith.mulf %sub3A_136, %sub3A_137 : vector<512x1xf32>
    %slice3A_139 = vector.extract_strided_slice %slice3A {offsets = [0, 512], sizes = [1, 512], strides = [1, 1]} : vector<1x5120xf32> to vector<1x512xf32>
    %max3A_140 = vector.broadcast %slice3A_132 : vector<512x1xf32> to vector<512x512xf32>
    %max3A_141 = vector.broadcast %slice3A_139 : vector<1x512xf32> to vector<512x512xf32>
    %max3A_142 = arith.maximumf %max3A_140, %max3A_141 : vector<512x512xf32>
    %slice3A_143 = vector.extract_strided_slice %slice3A_2 {offsets = [0, 512], sizes = [1, 512], strides = [1, 1]} : vector<1x5120xf32> to vector<1x512xf32>
    %max3A_144 = vector.broadcast %slice3A_133 : vector<512x1xf32> to vector<512x512xf32>
    %max3A_145 = vector.broadcast %slice3A_143 : vector<1x512xf32> to vector<512x512xf32>
    %max3A_146 = arith.maximumf %max3A_144, %max3A_145 : vector<512x512xf32>
    %slice3A_147 = vector.extract_strided_slice %slice3A_3 {offsets = [0, 512], sizes = [1, 512], strides = [1, 1]} : vector<1x5120xf32> to vector<1x512xf32>
    %min3A_148 = vector.broadcast %slice3A_134 : vector<512x1xf32> to vector<512x512xf32>
    %min3A_149 = vector.broadcast %slice3A_147 : vector<1x512xf32> to vector<512x512xf32>
    %min3A_150 = arith.minimumf %min3A_148, %min3A_149 : vector<512x512xf32>
    %slice3A_151 = vector.extract_strided_slice %slice3A_4 {offsets = [0, 512], sizes = [1, 512], strides = [1, 1]} : vector<1x5120xf32> to vector<1x512xf32>
    %min3A_152 = vector.broadcast %slice3A_135 : vector<512x1xf32> to vector<512x512xf32>
    %min3A_153 = vector.broadcast %slice3A_151 : vector<1x512xf32> to vector<512x512xf32>
    %min3A_154 = arith.minimumf %min3A_152, %min3A_153 : vector<512x512xf32>
    %sub3A_155 = arith.subf %min3A_150, %max3A_142 : vector<512x512xf32>
    %max3A_156 = arith.constant 0.000000e+00 : f32
    %max3A_157 = vector.broadcast %max3A_156 : f32 to vector<512x512xf32>
    %max3A_158 = arith.maximumf %sub3A_155, %max3A_157 : vector<512x512xf32>
    %sub3A_159 = arith.subf %min3A_154, %max3A_146 : vector<512x512xf32>
    %max3A_160 = arith.constant 0.000000e+00 : f32
    %max3A_161 = vector.broadcast %max3A_160 : f32 to vector<512x512xf32>
    %max3A_162 = arith.maximumf %sub3A_159, %max3A_161 : vector<512x512xf32>
    %mul3A_163 = arith.mulf %max3A_158, %max3A_162 : vector<512x512xf32>
    %slice3A_164 = vector.extract_strided_slice %mul3A {offsets = [0, 512], sizes = [1, 512], strides = [1, 1]} : vector<1x5120xf32> to vector<1x512xf32>
    %add3A_165 = vector.broadcast %mul3A_138 : vector<512x1xf32> to vector<512x512xf32>
    %add3A_166 = vector.broadcast %slice3A_164 : vector<1x512xf32> to vector<512x512xf32>
    %add3A_167 = arith.addf %add3A_165, %add3A_166 : vector<512x512xf32>
    %sub3A_168 = arith.subf %add3A_167, %mul3A_163 : vector<512x512xf32>
    %max3A_169 = arith.constant 9.99999993E-9 : f32
    %max3A_170 = vector.broadcast %max3A_169 : f32 to vector<512x512xf32>
    %max3A_171 = arith.maximumf %sub3A_168, %max3A_170 : vector<512x512xf32>
    %div3A_172 = arith.divf %mul3A_163, %max3A_171 : vector<512x512xf32>
    %gt3A_173 = arith.constant 3.000000e-01 : f32
    %gt3A_174 = vector.broadcast %gt3A_173 : f32 to vector<512x512xf32>
    %gt3A_175 = arith.cmpf ogt, %div3A_172, %gt3A_174 : vector<512x512xf32>
    %and3A_176 = arith.andi %gt3A_175, %lt3A_9 : vector<512x512xi1>
    %convert_element_type3A_177 = arith.extui %and3A_176 : vector<512x512xi1> to vector<512x512xi32>
    %convert_element_type3A_178 = arith.sitofp %convert_element_type3A_177 : vector<512x512xi32> to vector<512x512xf32>
    %while3A_179 = arith.constant true
    %while3A_180:2 = scf.while (%while3A_1187 = %mul3A_115, %while3A_1188 = %while3A_179) : (vector<1x512xf32>, i1) -> (vector<1x512xf32>, i1) {
      scf.condition(%while3A_1188) %while3A_1187, %while3A_1188 : vector<1x512xf32>, i1
    } do {
    ^bb0(%while3A_1187: vector<1x512xf32>, %while3A_1188: i1):
      %dot_general3A_1189 = arith.constant dense<0.000000e+00> : vector<1x512xf32>
      %dot_general3A_1190 = tpu.matmul %while3A_1187, %convert_element_type3A_178, %dot_general3A_1189 {dimension_numbers = #tpu.dot_dimension_numbers<[1], [0], [0], [1], [0, 0, 1, 1], [], []>, transpose_lhs_hint = false} : vector<1x512xf32>, vector<512x512xf32>, vector<1x512xf32> -> vector<1x512xf32>
      %eq3A_1191 = arith.constant 0.000000e+00 : f32
      %eq3A_1192 = vector.broadcast %eq3A_1191 : f32 to vector<1x512xf32>
      %eq3A_1193 = arith.cmpf oeq, %dot_general3A_1190, %eq3A_1192 : vector<1x512xf32>
      %convert_element_type3A_1194 = arith.extui %eq3A_1193 : vector<1x512xi1> to vector<1x512xi32>
      %convert_element_type3A_1195 = arith.sitofp %convert_element_type3A_1194 : vector<1x512xi32> to vector<1x512xf32>
      %mul3A_1196 = arith.mulf %mul3A_115, %convert_element_type3A_1195 : vector<1x512xf32>
      %dot_general3A_1197 = arith.constant dense<0.000000e+00> : vector<1x512xf32>
      %dot_general3A_1198 = tpu.matmul %mul3A_1196, %convert_element_type3A_178, %dot_general3A_1197 {dimension_numbers = #tpu.dot_dimension_numbers<[1], [0], [0], [1], [0, 0, 1, 1], [], []>, transpose_lhs_hint = false} : vector<1x512xf32>, vector<512x512xf32>, vector<1x512xf32> -> vector<1x512xf32>
      %eq3A_1199 = arith.constant 0.000000e+00 : f32
      %eq3A_1200 = vector.broadcast %eq3A_1199 : f32 to vector<1x512xf32>
      %eq3A_1201 = arith.cmpf oeq, %dot_general3A_1198, %eq3A_1200 : vector<1x512xf32>
      %convert_element_type3A_1202 = arith.extui %eq3A_1201 : vector<1x512xi1> to vector<1x512xi32>
      %convert_element_type3A_1203 = arith.sitofp %convert_element_type3A_1202 : vector<1x512xi32> to vector<1x512xf32>
      %mul3A_1204 = arith.mulf %mul3A_115, %convert_element_type3A_1203 : vector<1x512xf32>
      %ne3A = arith.cmpf one, %mul3A_1204, %mul3A_1196 : vector<1x512xf32>
      %reduce_or3A = arith.constant 1.000000e+00 : f32
      %reduce_or3A_1205 = arith.constant 0.000000e+00 : f32
      %reduce_or3A_1206 = vector.broadcast %reduce_or3A : f32 to vector<1x512xf32>
      %reduce_or3A_1207 = vector.broadcast %reduce_or3A_1205 : f32 to vector<1x512xf32>
      %reduce_or3A_1208 = arith.select %ne3A, %reduce_or3A_1206, %reduce_or3A_1207 : vector<1x512xi1>, vector<1x512xf32>
      %reduce_or3A_1209 = vector.shape_cast %reduce_or3A_1208 : vector<1x512xf32> to vector<1x1x512xf32>
      %reduce_or3A_1210 = arith.constant dense<0xFF800000> : vector<1xf32>
      %reduce_or3A_1211 = vector.multi_reduction <maximumf>, %reduce_or3A_1209, %reduce_or3A_1210 [1, 2] : vector<1x1x512xf32> to vector<1xf32>
      %reduce_or3A_1212 = vector.shape_cast %reduce_or3A_1211 : vector<1xf32> to vector<1x1x1xf32>
      %reduce_or3A_1213 = vector.extract %reduce_or3A_1212[0, 0, 0] : f32 from vector<1x1x1xf32>
      %reduce_or3A_1214 = arith.constant 0.000000e+00 : f32
      %reduce_or3A_1215 = arith.cmpf ogt, %reduce_or3A_1213, %reduce_or3A_1214 : f32
      scf.yield %mul3A_1204, %reduce_or3A_1215 : vector<1x512xf32>, i1
    }
    %slice3A_181 = vector.extract_strided_slice %slice3A {offsets = [0, 1024], sizes = [1, 4096], strides = [1, 1]} : vector<1x5120xf32> to vector<1x4096xf32>
    %max3A_182 = vector.broadcast %slice3A_132 : vector<512x1xf32> to vector<512x4096xf32>
    %max3A_183 = vector.broadcast %slice3A_181 : vector<1x4096xf32> to vector<512x4096xf32>
    %max3A_184 = arith.maximumf %max3A_182, %max3A_183 : vector<512x4096xf32>
    %slice3A_185 = vector.extract_strided_slice %slice3A_2 {offsets = [0, 1024], sizes = [1, 4096], strides = [1, 1]} : vector<1x5120xf32> to vector<1x4096xf32>
    %max3A_186 = vector.broadcast %slice3A_133 : vector<512x1xf32> to vector<512x4096xf32>
    %max3A_187 = vector.broadcast %slice3A_185 : vector<1x4096xf32> to vector<512x4096xf32>
    %max3A_188 = arith.maximumf %max3A_186, %max3A_187 : vector<512x4096xf32>
    %slice3A_189 = vector.extract_strided_slice %slice3A_3 {offsets = [0, 1024], sizes = [1, 4096], strides = [1, 1]} : vector<1x5120xf32> to vector<1x4096xf32>
    %min3A_190 = vector.broadcast %slice3A_134 : vector<512x1xf32> to vector<512x4096xf32>
    %min3A_191 = vector.broadcast %slice3A_189 : vector<1x4096xf32> to vector<512x4096xf32>
    %min3A_192 = arith.minimumf %min3A_190, %min3A_191 : vector<512x4096xf32>
    %slice3A_193 = vector.extract_strided_slice %slice3A_4 {offsets = [0, 1024], sizes = [1, 4096], strides = [1, 1]} : vector<1x5120xf32> to vector<1x4096xf32>
    %min3A_194 = vector.broadcast %slice3A_135 : vector<512x1xf32> to vector<512x4096xf32>
    %min3A_195 = vector.broadcast %slice3A_193 : vector<1x4096xf32> to vector<512x4096xf32>
    %min3A_196 = arith.minimumf %min3A_194, %min3A_195 : vector<512x4096xf32>
    %sub3A_197 = arith.subf %min3A_192, %max3A_184 : vector<512x4096xf32>
    %max3A_198 = arith.constant 0.000000e+00 : f32
    %max3A_199 = vector.broadcast %max3A_198 : f32 to vector<512x4096xf32>
    %max3A_200 = arith.maximumf %sub3A_197, %max3A_199 : vector<512x4096xf32>
    %sub3A_201 = arith.subf %min3A_196, %max3A_188 : vector<512x4096xf32>
    %max3A_202 = arith.constant 0.000000e+00 : f32
    %max3A_203 = vector.broadcast %max3A_202 : f32 to vector<512x4096xf32>
    %max3A_204 = arith.maximumf %sub3A_201, %max3A_203 : vector<512x4096xf32>
    %mul3A_205 = arith.mulf %max3A_200, %max3A_204 : vector<512x4096xf32>
    %slice3A_206 = vector.extract_strided_slice %mul3A {offsets = [0, 1024], sizes = [1, 4096], strides = [1, 1]} : vector<1x5120xf32> to vector<1x4096xf32>
    %add3A_207 = vector.broadcast %mul3A_138 : vector<512x1xf32> to vector<512x4096xf32>
    %add3A_208 = vector.broadcast %slice3A_206 : vector<1x4096xf32> to vector<512x4096xf32>
    %add3A_209 = arith.addf %add3A_207, %add3A_208 : vector<512x4096xf32>
    %sub3A_210 = arith.subf %add3A_209, %mul3A_205 : vector<512x4096xf32>
    %max3A_211 = arith.constant 9.99999993E-9 : f32
    %max3A_212 = vector.broadcast %max3A_211 : f32 to vector<512x4096xf32>
    %max3A_213 = arith.maximumf %sub3A_210, %max3A_212 : vector<512x4096xf32>
    %div3A_214 = arith.divf %mul3A_205, %max3A_213 : vector<512x4096xf32>
    %gt3A_215 = arith.constant 3.000000e-01 : f32
    %gt3A_216 = vector.broadcast %gt3A_215 : f32 to vector<512x4096xf32>
    %gt3A_217 = arith.cmpf ogt, %div3A_214, %gt3A_216 : vector<512x4096xf32>
    %convert_element_type3A_218 = arith.extui %gt3A_217 : vector<512x4096xi1> to vector<512x4096xi32>
    %convert_element_type3A_219 = arith.sitofp %convert_element_type3A_218 : vector<512x4096xi32> to vector<512x4096xf32>
    %dot_general3A_220 = arith.constant dense<0.000000e+00> : vector<1x4096xf32>
    %dot_general3A_221 = tpu.matmul %while3A_180#0, %convert_element_type3A_219, %dot_general3A_220 {dimension_numbers = #tpu.dot_dimension_numbers<[1], [0], [0], [1], [0, 0, 1, 1], [], []>, transpose_lhs_hint = false} : vector<1x512xf32>, vector<512x4096xf32>, vector<1x4096xf32> -> vector<1x4096xf32>
    %eq3A_222 = arith.constant 0.000000e+00 : f32
    %eq3A_223 = vector.broadcast %eq3A_222 : f32 to vector<1x4096xf32>
    %eq3A_224 = arith.cmpf oeq, %dot_general3A_221, %eq3A_223 : vector<1x4096xf32>
    %convert_element_type3A_225 = arith.extui %eq3A_224 : vector<1x4096xi1> to vector<1x4096xi32>
    %convert_element_type3A_226 = arith.sitofp %convert_element_type3A_225 : vector<1x4096xi32> to vector<1x4096xf32>
    %slice3A_227 = vector.extract_strided_slice %convert_element_type3A_226 {offsets = [0, 0], sizes = [1, 512], strides = [1, 1]} : vector<1x4096xf32> to vector<1x512xf32>
    %mul3A_228 = arith.mulf %mul3A_117, %slice3A_227 : vector<1x512xf32>
    %slice3A_229 = vector.extract_strided_slice %convert_element_type3A_226 {offsets = [0, 512], sizes = [1, 512], strides = [1, 1]} : vector<1x4096xf32> to vector<1x512xf32>
    %mul3A_230 = arith.mulf %mul3A_119, %slice3A_229 : vector<1x512xf32>
    %slice3A_231 = vector.extract_strided_slice %convert_element_type3A_226 {offsets = [0, 1024], sizes = [1, 512], strides = [1, 1]} : vector<1x4096xf32> to vector<1x512xf32>
    %mul3A_232 = arith.mulf %mul3A_121, %slice3A_231 : vector<1x512xf32>
    %slice3A_233 = vector.extract_strided_slice %convert_element_type3A_226 {offsets = [0, 1536], sizes = [1, 512], strides = [1, 1]} : vector<1x4096xf32> to vector<1x512xf32>
    %mul3A_234 = arith.mulf %mul3A_123, %slice3A_233 : vector<1x512xf32>
    %slice3A_235 = vector.extract_strided_slice %convert_element_type3A_226 {offsets = [0, 2048], sizes = [1, 512], strides = [1, 1]} : vector<1x4096xf32> to vector<1x512xf32>
    %mul3A_236 = arith.mulf %mul3A_125, %slice3A_235 : vector<1x512xf32>
    %slice3A_237 = vector.extract_strided_slice %convert_element_type3A_226 {offsets = [0, 2560], sizes = [1, 512], strides = [1, 1]} : vector<1x4096xf32> to vector<1x512xf32>
    %mul3A_238 = arith.mulf %mul3A_127, %slice3A_237 : vector<1x512xf32>
    %slice3A_239 = vector.extract_strided_slice %convert_element_type3A_226 {offsets = [0, 3072], sizes = [1, 512], strides = [1, 1]} : vector<1x4096xf32> to vector<1x512xf32>
    %mul3A_240 = arith.mulf %mul3A_129, %slice3A_239 : vector<1x512xf32>
    %slice3A_241 = vector.extract_strided_slice %convert_element_type3A_226 {offsets = [0, 3584], sizes = [1, 512], strides = [1, 1]} : vector<1x4096xf32> to vector<1x512xf32>
    %mul3A_242 = arith.mulf %mul3A_131, %slice3A_241 : vector<1x512xf32>
    %slice3A_243 = vector.extract_strided_slice %get3A_1 {offsets = [1024, 0], sizes = [512, 1], strides = [1, 1]} : vector<5120x8xf32> to vector<512x1xf32>
    %slice3A_244 = vector.extract_strided_slice %get3A_1 {offsets = [1024, 1], sizes = [512, 1], strides = [1, 1]} : vector<5120x8xf32> to vector<512x1xf32>
    %slice3A_245 = vector.extract_strided_slice %get3A_1 {offsets = [1024, 2], sizes = [512, 1], strides = [1, 1]} : vector<5120x8xf32> to vector<512x1xf32>
    %slice3A_246 = vector.extract_strided_slice %get3A_1 {offsets = [1024, 3], sizes = [512, 1], strides = [1, 1]} : vector<5120x8xf32> to vector<512x1xf32>
    %sub3A_247 = arith.subf %slice3A_245, %slice3A_243 : vector<512x1xf32>
    %sub3A_248 = arith.subf %slice3A_246, %slice3A_244 : vector<512x1xf32>
    %mul3A_249 = arith.mulf %sub3A_247, %sub3A_248 : vector<512x1xf32>
    %slice3A_250 = vector.extract_strided_slice %slice3A {offsets = [0, 1024], sizes = [1, 512], strides = [1, 1]} : vector<1x5120xf32> to vector<1x512xf32>
    %max3A_251 = vector.broadcast %slice3A_243 : vector<512x1xf32> to vector<512x512xf32>
    %max3A_252 = vector.broadcast %slice3A_250 : vector<1x512xf32> to vector<512x512xf32>
    %max3A_253 = arith.maximumf %max3A_251, %max3A_252 : vector<512x512xf32>
    %slice3A_254 = vector.extract_strided_slice %slice3A_2 {offsets = [0, 1024], sizes = [1, 512], strides = [1, 1]} : vector<1x5120xf32> to vector<1x512xf32>
    %max3A_255 = vector.broadcast %slice3A_244 : vector<512x1xf32> to vector<512x512xf32>
    %max3A_256 = vector.broadcast %slice3A_254 : vector<1x512xf32> to vector<512x512xf32>
    %max3A_257 = arith.maximumf %max3A_255, %max3A_256 : vector<512x512xf32>
    %slice3A_258 = vector.extract_strided_slice %slice3A_3 {offsets = [0, 1024], sizes = [1, 512], strides = [1, 1]} : vector<1x5120xf32> to vector<1x512xf32>
    %min3A_259 = vector.broadcast %slice3A_245 : vector<512x1xf32> to vector<512x512xf32>
    %min3A_260 = vector.broadcast %slice3A_258 : vector<1x512xf32> to vector<512x512xf32>
    %min3A_261 = arith.minimumf %min3A_259, %min3A_260 : vector<512x512xf32>
    %slice3A_262 = vector.extract_strided_slice %slice3A_4 {offsets = [0, 1024], sizes = [1, 512], strides = [1, 1]} : vector<1x5120xf32> to vector<1x512xf32>
    %min3A_263 = vector.broadcast %slice3A_246 : vector<512x1xf32> to vector<512x512xf32>
    %min3A_264 = vector.broadcast %slice3A_262 : vector<1x512xf32> to vector<512x512xf32>
    %min3A_265 = arith.minimumf %min3A_263, %min3A_264 : vector<512x512xf32>
    %sub3A_266 = arith.subf %min3A_261, %max3A_253 : vector<512x512xf32>
    %max3A_267 = arith.constant 0.000000e+00 : f32
    %max3A_268 = vector.broadcast %max3A_267 : f32 to vector<512x512xf32>
    %max3A_269 = arith.maximumf %sub3A_266, %max3A_268 : vector<512x512xf32>
    %sub3A_270 = arith.subf %min3A_265, %max3A_257 : vector<512x512xf32>
    %max3A_271 = arith.constant 0.000000e+00 : f32
    %max3A_272 = vector.broadcast %max3A_271 : f32 to vector<512x512xf32>
    %max3A_273 = arith.maximumf %sub3A_270, %max3A_272 : vector<512x512xf32>
    %mul3A_274 = arith.mulf %max3A_269, %max3A_273 : vector<512x512xf32>
    %slice3A_275 = vector.extract_strided_slice %mul3A {offsets = [0, 1024], sizes = [1, 512], strides = [1, 1]} : vector<1x5120xf32> to vector<1x512xf32>
    %add3A_276 = vector.broadcast %mul3A_249 : vector<512x1xf32> to vector<512x512xf32>
    %add3A_277 = vector.broadcast %slice3A_275 : vector<1x512xf32> to vector<512x512xf32>
    %add3A_278 = arith.addf %add3A_276, %add3A_277 : vector<512x512xf32>
    %sub3A_279 = arith.subf %add3A_278, %mul3A_274 : vector<512x512xf32>
    %max3A_280 = arith.constant 9.99999993E-9 : f32
    %max3A_281 = vector.broadcast %max3A_280 : f32 to vector<512x512xf32>
    %max3A_282 = arith.maximumf %sub3A_279, %max3A_281 : vector<512x512xf32>
    %div3A_283 = arith.divf %mul3A_274, %max3A_282 : vector<512x512xf32>
    %gt3A_284 = arith.constant 3.000000e-01 : f32
    %gt3A_285 = vector.broadcast %gt3A_284 : f32 to vector<512x512xf32>
    %gt3A_286 = arith.cmpf ogt, %div3A_283, %gt3A_285 : vector<512x512xf32>
    %and3A_287 = arith.andi %gt3A_286, %lt3A_9 : vector<512x512xi1>
    %convert_element_type3A_288 = arith.extui %and3A_287 : vector<512x512xi1> to vector<512x512xi32>
    %convert_element_type3A_289 = arith.sitofp %convert_element_type3A_288 : vector<512x512xi32> to vector<512x512xf32>
    %while3A_290 = arith.constant true
    %while3A_291:2 = scf.while (%while3A_1187 = %mul3A_228, %while3A_1188 = %while3A_290) : (vector<1x512xf32>, i1) -> (vector<1x512xf32>, i1) {
      scf.condition(%while3A_1188) %while3A_1187, %while3A_1188 : vector<1x512xf32>, i1
    } do {
    ^bb0(%while3A_1187: vector<1x512xf32>, %while3A_1188: i1):
      %dot_general3A_1189 = arith.constant dense<0.000000e+00> : vector<1x512xf32>
      %dot_general3A_1190 = tpu.matmul %while3A_1187, %convert_element_type3A_289, %dot_general3A_1189 {dimension_numbers = #tpu.dot_dimension_numbers<[1], [0], [0], [1], [0, 0, 1, 1], [], []>, transpose_lhs_hint = false} : vector<1x512xf32>, vector<512x512xf32>, vector<1x512xf32> -> vector<1x512xf32>
      %eq3A_1191 = arith.constant 0.000000e+00 : f32
      %eq3A_1192 = vector.broadcast %eq3A_1191 : f32 to vector<1x512xf32>
      %eq3A_1193 = arith.cmpf oeq, %dot_general3A_1190, %eq3A_1192 : vector<1x512xf32>
      %convert_element_type3A_1194 = arith.extui %eq3A_1193 : vector<1x512xi1> to vector<1x512xi32>
      %convert_element_type3A_1195 = arith.sitofp %convert_element_type3A_1194 : vector<1x512xi32> to vector<1x512xf32>
      %mul3A_1196 = arith.mulf %mul3A_228, %convert_element_type3A_1195 : vector<1x512xf32>
      %dot_general3A_1197 = arith.constant dense<0.000000e+00> : vector<1x512xf32>
      %dot_general3A_1198 = tpu.matmul %mul3A_1196, %convert_element_type3A_289, %dot_general3A_1197 {dimension_numbers = #tpu.dot_dimension_numbers<[1], [0], [0], [1], [0, 0, 1, 1], [], []>, transpose_lhs_hint = false} : vector<1x512xf32>, vector<512x512xf32>, vector<1x512xf32> -> vector<1x512xf32>
      %eq3A_1199 = arith.constant 0.000000e+00 : f32
      %eq3A_1200 = vector.broadcast %eq3A_1199 : f32 to vector<1x512xf32>
      %eq3A_1201 = arith.cmpf oeq, %dot_general3A_1198, %eq3A_1200 : vector<1x512xf32>
      %convert_element_type3A_1202 = arith.extui %eq3A_1201 : vector<1x512xi1> to vector<1x512xi32>
      %convert_element_type3A_1203 = arith.sitofp %convert_element_type3A_1202 : vector<1x512xi32> to vector<1x512xf32>
      %mul3A_1204 = arith.mulf %mul3A_228, %convert_element_type3A_1203 : vector<1x512xf32>
      %ne3A = arith.cmpf one, %mul3A_1204, %mul3A_1196 : vector<1x512xf32>
      %reduce_or3A = arith.constant 1.000000e+00 : f32
      %reduce_or3A_1205 = arith.constant 0.000000e+00 : f32
      %reduce_or3A_1206 = vector.broadcast %reduce_or3A : f32 to vector<1x512xf32>
      %reduce_or3A_1207 = vector.broadcast %reduce_or3A_1205 : f32 to vector<1x512xf32>
      %reduce_or3A_1208 = arith.select %ne3A, %reduce_or3A_1206, %reduce_or3A_1207 : vector<1x512xi1>, vector<1x512xf32>
      %reduce_or3A_1209 = vector.shape_cast %reduce_or3A_1208 : vector<1x512xf32> to vector<1x1x512xf32>
      %reduce_or3A_1210 = arith.constant dense<0xFF800000> : vector<1xf32>
      %reduce_or3A_1211 = vector.multi_reduction <maximumf>, %reduce_or3A_1209, %reduce_or3A_1210 [1, 2] : vector<1x1x512xf32> to vector<1xf32>
      %reduce_or3A_1212 = vector.shape_cast %reduce_or3A_1211 : vector<1xf32> to vector<1x1x1xf32>
      %reduce_or3A_1213 = vector.extract %reduce_or3A_1212[0, 0, 0] : f32 from vector<1x1x1xf32>
      %reduce_or3A_1214 = arith.constant 0.000000e+00 : f32
      %reduce_or3A_1215 = arith.cmpf ogt, %reduce_or3A_1213, %reduce_or3A_1214 : f32
      scf.yield %mul3A_1204, %reduce_or3A_1215 : vector<1x512xf32>, i1
    }
    %slice3A_292 = vector.extract_strided_slice %slice3A {offsets = [0, 1536], sizes = [1, 3584], strides = [1, 1]} : vector<1x5120xf32> to vector<1x3584xf32>
    %max3A_293 = vector.broadcast %slice3A_243 : vector<512x1xf32> to vector<512x3584xf32>
    %max3A_294 = vector.broadcast %slice3A_292 : vector<1x3584xf32> to vector<512x3584xf32>
    %max3A_295 = arith.maximumf %max3A_293, %max3A_294 : vector<512x3584xf32>
    %slice3A_296 = vector.extract_strided_slice %slice3A_2 {offsets = [0, 1536], sizes = [1, 3584], strides = [1, 1]} : vector<1x5120xf32> to vector<1x3584xf32>
    %max3A_297 = vector.broadcast %slice3A_244 : vector<512x1xf32> to vector<512x3584xf32>
    %max3A_298 = vector.broadcast %slice3A_296 : vector<1x3584xf32> to vector<512x3584xf32>
    %max3A_299 = arith.maximumf %max3A_297, %max3A_298 : vector<512x3584xf32>
    %slice3A_300 = vector.extract_strided_slice %slice3A_3 {offsets = [0, 1536], sizes = [1, 3584], strides = [1, 1]} : vector<1x5120xf32> to vector<1x3584xf32>
    %min3A_301 = vector.broadcast %slice3A_245 : vector<512x1xf32> to vector<512x3584xf32>
    %min3A_302 = vector.broadcast %slice3A_300 : vector<1x3584xf32> to vector<512x3584xf32>
    %min3A_303 = arith.minimumf %min3A_301, %min3A_302 : vector<512x3584xf32>
    %slice3A_304 = vector.extract_strided_slice %slice3A_4 {offsets = [0, 1536], sizes = [1, 3584], strides = [1, 1]} : vector<1x5120xf32> to vector<1x3584xf32>
    %min3A_305 = vector.broadcast %slice3A_246 : vector<512x1xf32> to vector<512x3584xf32>
    %min3A_306 = vector.broadcast %slice3A_304 : vector<1x3584xf32> to vector<512x3584xf32>
    %min3A_307 = arith.minimumf %min3A_305, %min3A_306 : vector<512x3584xf32>
    %sub3A_308 = arith.subf %min3A_303, %max3A_295 : vector<512x3584xf32>
    %max3A_309 = arith.constant 0.000000e+00 : f32
    %max3A_310 = vector.broadcast %max3A_309 : f32 to vector<512x3584xf32>
    %max3A_311 = arith.maximumf %sub3A_308, %max3A_310 : vector<512x3584xf32>
    %sub3A_312 = arith.subf %min3A_307, %max3A_299 : vector<512x3584xf32>
    %max3A_313 = arith.constant 0.000000e+00 : f32
    %max3A_314 = vector.broadcast %max3A_313 : f32 to vector<512x3584xf32>
    %max3A_315 = arith.maximumf %sub3A_312, %max3A_314 : vector<512x3584xf32>
    %mul3A_316 = arith.mulf %max3A_311, %max3A_315 : vector<512x3584xf32>
    %slice3A_317 = vector.extract_strided_slice %mul3A {offsets = [0, 1536], sizes = [1, 3584], strides = [1, 1]} : vector<1x5120xf32> to vector<1x3584xf32>
    %add3A_318 = vector.broadcast %mul3A_249 : vector<512x1xf32> to vector<512x3584xf32>
    %add3A_319 = vector.broadcast %slice3A_317 : vector<1x3584xf32> to vector<512x3584xf32>
    %add3A_320 = arith.addf %add3A_318, %add3A_319 : vector<512x3584xf32>
    %sub3A_321 = arith.subf %add3A_320, %mul3A_316 : vector<512x3584xf32>
    %max3A_322 = arith.constant 9.99999993E-9 : f32
    %max3A_323 = vector.broadcast %max3A_322 : f32 to vector<512x3584xf32>
    %max3A_324 = arith.maximumf %sub3A_321, %max3A_323 : vector<512x3584xf32>
    %div3A_325 = arith.divf %mul3A_316, %max3A_324 : vector<512x3584xf32>
    %gt3A_326 = arith.constant 3.000000e-01 : f32
    %gt3A_327 = vector.broadcast %gt3A_326 : f32 to vector<512x3584xf32>
    %gt3A_328 = arith.cmpf ogt, %div3A_325, %gt3A_327 : vector<512x3584xf32>
    %convert_element_type3A_329 = arith.extui %gt3A_328 : vector<512x3584xi1> to vector<512x3584xi32>
    %convert_element_type3A_330 = arith.sitofp %convert_element_type3A_329 : vector<512x3584xi32> to vector<512x3584xf32>
    %dot_general3A_331 = arith.constant dense<0.000000e+00> : vector<1x3584xf32>
    %dot_general3A_332 = tpu.matmul %while3A_291#0, %convert_element_type3A_330, %dot_general3A_331 {dimension_numbers = #tpu.dot_dimension_numbers<[1], [0], [0], [1], [0, 0, 1, 1], [], []>, transpose_lhs_hint = false} : vector<1x512xf32>, vector<512x3584xf32>, vector<1x3584xf32> -> vector<1x3584xf32>
    %eq3A_333 = arith.constant 0.000000e+00 : f32
    %eq3A_334 = vector.broadcast %eq3A_333 : f32 to vector<1x3584xf32>
    %eq3A_335 = arith.cmpf oeq, %dot_general3A_332, %eq3A_334 : vector<1x3584xf32>
    %convert_element_type3A_336 = arith.extui %eq3A_335 : vector<1x3584xi1> to vector<1x3584xi32>
    %convert_element_type3A_337 = arith.sitofp %convert_element_type3A_336 : vector<1x3584xi32> to vector<1x3584xf32>
    %slice3A_338 = vector.extract_strided_slice %convert_element_type3A_337 {offsets = [0, 0], sizes = [1, 512], strides = [1, 1]} : vector<1x3584xf32> to vector<1x512xf32>
    %mul3A_339 = arith.mulf %mul3A_230, %slice3A_338 : vector<1x512xf32>
    %slice3A_340 = vector.extract_strided_slice %convert_element_type3A_337 {offsets = [0, 512], sizes = [1, 512], strides = [1, 1]} : vector<1x3584xf32> to vector<1x512xf32>
    %mul3A_341 = arith.mulf %mul3A_232, %slice3A_340 : vector<1x512xf32>
    %slice3A_342 = vector.extract_strided_slice %convert_element_type3A_337 {offsets = [0, 1024], sizes = [1, 512], strides = [1, 1]} : vector<1x3584xf32> to vector<1x512xf32>
    %mul3A_343 = arith.mulf %mul3A_234, %slice3A_342 : vector<1x512xf32>
    %slice3A_344 = vector.extract_strided_slice %convert_element_type3A_337 {offsets = [0, 1536], sizes = [1, 512], strides = [1, 1]} : vector<1x3584xf32> to vector<1x512xf32>
    %mul3A_345 = arith.mulf %mul3A_236, %slice3A_344 : vector<1x512xf32>
    %slice3A_346 = vector.extract_strided_slice %convert_element_type3A_337 {offsets = [0, 2048], sizes = [1, 512], strides = [1, 1]} : vector<1x3584xf32> to vector<1x512xf32>
    %mul3A_347 = arith.mulf %mul3A_238, %slice3A_346 : vector<1x512xf32>
    %slice3A_348 = vector.extract_strided_slice %convert_element_type3A_337 {offsets = [0, 2560], sizes = [1, 512], strides = [1, 1]} : vector<1x3584xf32> to vector<1x512xf32>
    %mul3A_349 = arith.mulf %mul3A_240, %slice3A_348 : vector<1x512xf32>
    %slice3A_350 = vector.extract_strided_slice %convert_element_type3A_337 {offsets = [0, 3072], sizes = [1, 512], strides = [1, 1]} : vector<1x3584xf32> to vector<1x512xf32>
    %mul3A_351 = arith.mulf %mul3A_242, %slice3A_350 : vector<1x512xf32>
    %slice3A_352 = vector.extract_strided_slice %get3A_1 {offsets = [1536, 0], sizes = [512, 1], strides = [1, 1]} : vector<5120x8xf32> to vector<512x1xf32>
    %slice3A_353 = vector.extract_strided_slice %get3A_1 {offsets = [1536, 1], sizes = [512, 1], strides = [1, 1]} : vector<5120x8xf32> to vector<512x1xf32>
    %slice3A_354 = vector.extract_strided_slice %get3A_1 {offsets = [1536, 2], sizes = [512, 1], strides = [1, 1]} : vector<5120x8xf32> to vector<512x1xf32>
    %slice3A_355 = vector.extract_strided_slice %get3A_1 {offsets = [1536, 3], sizes = [512, 1], strides = [1, 1]} : vector<5120x8xf32> to vector<512x1xf32>
    %sub3A_356 = arith.subf %slice3A_354, %slice3A_352 : vector<512x1xf32>
    %sub3A_357 = arith.subf %slice3A_355, %slice3A_353 : vector<512x1xf32>
    %mul3A_358 = arith.mulf %sub3A_356, %sub3A_357 : vector<512x1xf32>
    %slice3A_359 = vector.extract_strided_slice %slice3A {offsets = [0, 1536], sizes = [1, 512], strides = [1, 1]} : vector<1x5120xf32> to vector<1x512xf32>
    %max3A_360 = vector.broadcast %slice3A_352 : vector<512x1xf32> to vector<512x512xf32>
    %max3A_361 = vector.broadcast %slice3A_359 : vector<1x512xf32> to vector<512x512xf32>
    %max3A_362 = arith.maximumf %max3A_360, %max3A_361 : vector<512x512xf32>
    %slice3A_363 = vector.extract_strided_slice %slice3A_2 {offsets = [0, 1536], sizes = [1, 512], strides = [1, 1]} : vector<1x5120xf32> to vector<1x512xf32>
    %max3A_364 = vector.broadcast %slice3A_353 : vector<512x1xf32> to vector<512x512xf32>
    %max3A_365 = vector.broadcast %slice3A_363 : vector<1x512xf32> to vector<512x512xf32>
    %max3A_366 = arith.maximumf %max3A_364, %max3A_365 : vector<512x512xf32>
    %slice3A_367 = vector.extract_strided_slice %slice3A_3 {offsets = [0, 1536], sizes = [1, 512], strides = [1, 1]} : vector<1x5120xf32> to vector<1x512xf32>
    %min3A_368 = vector.broadcast %slice3A_354 : vector<512x1xf32> to vector<512x512xf32>
    %min3A_369 = vector.broadcast %slice3A_367 : vector<1x512xf32> to vector<512x512xf32>
    %min3A_370 = arith.minimumf %min3A_368, %min3A_369 : vector<512x512xf32>
    %slice3A_371 = vector.extract_strided_slice %slice3A_4 {offsets = [0, 1536], sizes = [1, 512], strides = [1, 1]} : vector<1x5120xf32> to vector<1x512xf32>
    %min3A_372 = vector.broadcast %slice3A_355 : vector<512x1xf32> to vector<512x512xf32>
    %min3A_373 = vector.broadcast %slice3A_371 : vector<1x512xf32> to vector<512x512xf32>
    %min3A_374 = arith.minimumf %min3A_372, %min3A_373 : vector<512x512xf32>
    %sub3A_375 = arith.subf %min3A_370, %max3A_362 : vector<512x512xf32>
    %max3A_376 = arith.constant 0.000000e+00 : f32
    %max3A_377 = vector.broadcast %max3A_376 : f32 to vector<512x512xf32>
    %max3A_378 = arith.maximumf %sub3A_375, %max3A_377 : vector<512x512xf32>
    %sub3A_379 = arith.subf %min3A_374, %max3A_366 : vector<512x512xf32>
    %max3A_380 = arith.constant 0.000000e+00 : f32
    %max3A_381 = vector.broadcast %max3A_380 : f32 to vector<512x512xf32>
    %max3A_382 = arith.maximumf %sub3A_379, %max3A_381 : vector<512x512xf32>
    %mul3A_383 = arith.mulf %max3A_378, %max3A_382 : vector<512x512xf32>
    %slice3A_384 = vector.extract_strided_slice %mul3A {offsets = [0, 1536], sizes = [1, 512], strides = [1, 1]} : vector<1x5120xf32> to vector<1x512xf32>
    %add3A_385 = vector.broadcast %mul3A_358 : vector<512x1xf32> to vector<512x512xf32>
    %add3A_386 = vector.broadcast %slice3A_384 : vector<1x512xf32> to vector<512x512xf32>
    %add3A_387 = arith.addf %add3A_385, %add3A_386 : vector<512x512xf32>
    %sub3A_388 = arith.subf %add3A_387, %mul3A_383 : vector<512x512xf32>
    %max3A_389 = arith.constant 9.99999993E-9 : f32
    %max3A_390 = vector.broadcast %max3A_389 : f32 to vector<512x512xf32>
    %max3A_391 = arith.maximumf %sub3A_388, %max3A_390 : vector<512x512xf32>
    %div3A_392 = arith.divf %mul3A_383, %max3A_391 : vector<512x512xf32>
    %gt3A_393 = arith.constant 3.000000e-01 : f32
    %gt3A_394 = vector.broadcast %gt3A_393 : f32 to vector<512x512xf32>
    %gt3A_395 = arith.cmpf ogt, %div3A_392, %gt3A_394 : vector<512x512xf32>
    %and3A_396 = arith.andi %gt3A_395, %lt3A_9 : vector<512x512xi1>
    %convert_element_type3A_397 = arith.extui %and3A_396 : vector<512x512xi1> to vector<512x512xi32>
    %convert_element_type3A_398 = arith.sitofp %convert_element_type3A_397 : vector<512x512xi32> to vector<512x512xf32>
    %while3A_399 = arith.constant true
    %while3A_400:2 = scf.while (%while3A_1187 = %mul3A_339, %while3A_1188 = %while3A_399) : (vector<1x512xf32>, i1) -> (vector<1x512xf32>, i1) {
      scf.condition(%while3A_1188) %while3A_1187, %while3A_1188 : vector<1x512xf32>, i1
    } do {
    ^bb0(%while3A_1187: vector<1x512xf32>, %while3A_1188: i1):
      %dot_general3A_1189 = arith.constant dense<0.000000e+00> : vector<1x512xf32>
      %dot_general3A_1190 = tpu.matmul %while3A_1187, %convert_element_type3A_398, %dot_general3A_1189 {dimension_numbers = #tpu.dot_dimension_numbers<[1], [0], [0], [1], [0, 0, 1, 1], [], []>, transpose_lhs_hint = false} : vector<1x512xf32>, vector<512x512xf32>, vector<1x512xf32> -> vector<1x512xf32>
      %eq3A_1191 = arith.constant 0.000000e+00 : f32
      %eq3A_1192 = vector.broadcast %eq3A_1191 : f32 to vector<1x512xf32>
      %eq3A_1193 = arith.cmpf oeq, %dot_general3A_1190, %eq3A_1192 : vector<1x512xf32>
      %convert_element_type3A_1194 = arith.extui %eq3A_1193 : vector<1x512xi1> to vector<1x512xi32>
      %convert_element_type3A_1195 = arith.sitofp %convert_element_type3A_1194 : vector<1x512xi32> to vector<1x512xf32>
      %mul3A_1196 = arith.mulf %mul3A_339, %convert_element_type3A_1195 : vector<1x512xf32>
      %dot_general3A_1197 = arith.constant dense<0.000000e+00> : vector<1x512xf32>
      %dot_general3A_1198 = tpu.matmul %mul3A_1196, %convert_element_type3A_398, %dot_general3A_1197 {dimension_numbers = #tpu.dot_dimension_numbers<[1], [0], [0], [1], [0, 0, 1, 1], [], []>, transpose_lhs_hint = false} : vector<1x512xf32>, vector<512x512xf32>, vector<1x512xf32> -> vector<1x512xf32>
      %eq3A_1199 = arith.constant 0.000000e+00 : f32
      %eq3A_1200 = vector.broadcast %eq3A_1199 : f32 to vector<1x512xf32>
      %eq3A_1201 = arith.cmpf oeq, %dot_general3A_1198, %eq3A_1200 : vector<1x512xf32>
      %convert_element_type3A_1202 = arith.extui %eq3A_1201 : vector<1x512xi1> to vector<1x512xi32>
      %convert_element_type3A_1203 = arith.sitofp %convert_element_type3A_1202 : vector<1x512xi32> to vector<1x512xf32>
      %mul3A_1204 = arith.mulf %mul3A_339, %convert_element_type3A_1203 : vector<1x512xf32>
      %ne3A = arith.cmpf one, %mul3A_1204, %mul3A_1196 : vector<1x512xf32>
      %reduce_or3A = arith.constant 1.000000e+00 : f32
      %reduce_or3A_1205 = arith.constant 0.000000e+00 : f32
      %reduce_or3A_1206 = vector.broadcast %reduce_or3A : f32 to vector<1x512xf32>
      %reduce_or3A_1207 = vector.broadcast %reduce_or3A_1205 : f32 to vector<1x512xf32>
      %reduce_or3A_1208 = arith.select %ne3A, %reduce_or3A_1206, %reduce_or3A_1207 : vector<1x512xi1>, vector<1x512xf32>
      %reduce_or3A_1209 = vector.shape_cast %reduce_or3A_1208 : vector<1x512xf32> to vector<1x1x512xf32>
      %reduce_or3A_1210 = arith.constant dense<0xFF800000> : vector<1xf32>
      %reduce_or3A_1211 = vector.multi_reduction <maximumf>, %reduce_or3A_1209, %reduce_or3A_1210 [1, 2] : vector<1x1x512xf32> to vector<1xf32>
      %reduce_or3A_1212 = vector.shape_cast %reduce_or3A_1211 : vector<1xf32> to vector<1x1x1xf32>
      %reduce_or3A_1213 = vector.extract %reduce_or3A_1212[0, 0, 0] : f32 from vector<1x1x1xf32>
      %reduce_or3A_1214 = arith.constant 0.000000e+00 : f32
      %reduce_or3A_1215 = arith.cmpf ogt, %reduce_or3A_1213, %reduce_or3A_1214 : f32
      scf.yield %mul3A_1204, %reduce_or3A_1215 : vector<1x512xf32>, i1
    }
    %slice3A_401 = vector.extract_strided_slice %slice3A {offsets = [0, 2048], sizes = [1, 3072], strides = [1, 1]} : vector<1x5120xf32> to vector<1x3072xf32>
    %max3A_402 = vector.broadcast %slice3A_352 : vector<512x1xf32> to vector<512x3072xf32>
    %max3A_403 = vector.broadcast %slice3A_401 : vector<1x3072xf32> to vector<512x3072xf32>
    %max3A_404 = arith.maximumf %max3A_402, %max3A_403 : vector<512x3072xf32>
    %slice3A_405 = vector.extract_strided_slice %slice3A_2 {offsets = [0, 2048], sizes = [1, 3072], strides = [1, 1]} : vector<1x5120xf32> to vector<1x3072xf32>
    %max3A_406 = vector.broadcast %slice3A_353 : vector<512x1xf32> to vector<512x3072xf32>
    %max3A_407 = vector.broadcast %slice3A_405 : vector<1x3072xf32> to vector<512x3072xf32>
    %max3A_408 = arith.maximumf %max3A_406, %max3A_407 : vector<512x3072xf32>
    %slice3A_409 = vector.extract_strided_slice %slice3A_3 {offsets = [0, 2048], sizes = [1, 3072], strides = [1, 1]} : vector<1x5120xf32> to vector<1x3072xf32>
    %min3A_410 = vector.broadcast %slice3A_354 : vector<512x1xf32> to vector<512x3072xf32>
    %min3A_411 = vector.broadcast %slice3A_409 : vector<1x3072xf32> to vector<512x3072xf32>
    %min3A_412 = arith.minimumf %min3A_410, %min3A_411 : vector<512x3072xf32>
    %slice3A_413 = vector.extract_strided_slice %slice3A_4 {offsets = [0, 2048], sizes = [1, 3072], strides = [1, 1]} : vector<1x5120xf32> to vector<1x3072xf32>
    %min3A_414 = vector.broadcast %slice3A_355 : vector<512x1xf32> to vector<512x3072xf32>
    %min3A_415 = vector.broadcast %slice3A_413 : vector<1x3072xf32> to vector<512x3072xf32>
    %min3A_416 = arith.minimumf %min3A_414, %min3A_415 : vector<512x3072xf32>
    %sub3A_417 = arith.subf %min3A_412, %max3A_404 : vector<512x3072xf32>
    %max3A_418 = arith.constant 0.000000e+00 : f32
    %max3A_419 = vector.broadcast %max3A_418 : f32 to vector<512x3072xf32>
    %max3A_420 = arith.maximumf %sub3A_417, %max3A_419 : vector<512x3072xf32>
    %sub3A_421 = arith.subf %min3A_416, %max3A_408 : vector<512x3072xf32>
    %max3A_422 = arith.constant 0.000000e+00 : f32
    %max3A_423 = vector.broadcast %max3A_422 : f32 to vector<512x3072xf32>
    %max3A_424 = arith.maximumf %sub3A_421, %max3A_423 : vector<512x3072xf32>
    %mul3A_425 = arith.mulf %max3A_420, %max3A_424 : vector<512x3072xf32>
    %slice3A_426 = vector.extract_strided_slice %mul3A {offsets = [0, 2048], sizes = [1, 3072], strides = [1, 1]} : vector<1x5120xf32> to vector<1x3072xf32>
    %add3A_427 = vector.broadcast %mul3A_358 : vector<512x1xf32> to vector<512x3072xf32>
    %add3A_428 = vector.broadcast %slice3A_426 : vector<1x3072xf32> to vector<512x3072xf32>
    %add3A_429 = arith.addf %add3A_427, %add3A_428 : vector<512x3072xf32>
    %sub3A_430 = arith.subf %add3A_429, %mul3A_425 : vector<512x3072xf32>
    %max3A_431 = arith.constant 9.99999993E-9 : f32
    %max3A_432 = vector.broadcast %max3A_431 : f32 to vector<512x3072xf32>
    %max3A_433 = arith.maximumf %sub3A_430, %max3A_432 : vector<512x3072xf32>
    %div3A_434 = arith.divf %mul3A_425, %max3A_433 : vector<512x3072xf32>
    %gt3A_435 = arith.constant 3.000000e-01 : f32
    %gt3A_436 = vector.broadcast %gt3A_435 : f32 to vector<512x3072xf32>
    %gt3A_437 = arith.cmpf ogt, %div3A_434, %gt3A_436 : vector<512x3072xf32>
    %convert_element_type3A_438 = arith.extui %gt3A_437 : vector<512x3072xi1> to vector<512x3072xi32>
    %convert_element_type3A_439 = arith.sitofp %convert_element_type3A_438 : vector<512x3072xi32> to vector<512x3072xf32>
    %dot_general3A_440 = arith.constant dense<0.000000e+00> : vector<1x3072xf32>
    %dot_general3A_441 = tpu.matmul %while3A_400#0, %convert_element_type3A_439, %dot_general3A_440 {dimension_numbers = #tpu.dot_dimension_numbers<[1], [0], [0], [1], [0, 0, 1, 1], [], []>, transpose_lhs_hint = false} : vector<1x512xf32>, vector<512x3072xf32>, vector<1x3072xf32> -> vector<1x3072xf32>
    %eq3A_442 = arith.constant 0.000000e+00 : f32
    %eq3A_443 = vector.broadcast %eq3A_442 : f32 to vector<1x3072xf32>
    %eq3A_444 = arith.cmpf oeq, %dot_general3A_441, %eq3A_443 : vector<1x3072xf32>
    %convert_element_type3A_445 = arith.extui %eq3A_444 : vector<1x3072xi1> to vector<1x3072xi32>
    %convert_element_type3A_446 = arith.sitofp %convert_element_type3A_445 : vector<1x3072xi32> to vector<1x3072xf32>
    %slice3A_447 = vector.extract_strided_slice %convert_element_type3A_446 {offsets = [0, 0], sizes = [1, 512], strides = [1, 1]} : vector<1x3072xf32> to vector<1x512xf32>
    %mul3A_448 = arith.mulf %mul3A_341, %slice3A_447 : vector<1x512xf32>
    %slice3A_449 = vector.extract_strided_slice %convert_element_type3A_446 {offsets = [0, 512], sizes = [1, 512], strides = [1, 1]} : vector<1x3072xf32> to vector<1x512xf32>
    %mul3A_450 = arith.mulf %mul3A_343, %slice3A_449 : vector<1x512xf32>
    %slice3A_451 = vector.extract_strided_slice %convert_element_type3A_446 {offsets = [0, 1024], sizes = [1, 512], strides = [1, 1]} : vector<1x3072xf32> to vector<1x512xf32>
    %mul3A_452 = arith.mulf %mul3A_345, %slice3A_451 : vector<1x512xf32>
    %slice3A_453 = vector.extract_strided_slice %convert_element_type3A_446 {offsets = [0, 1536], sizes = [1, 512], strides = [1, 1]} : vector<1x3072xf32> to vector<1x512xf32>
    %mul3A_454 = arith.mulf %mul3A_347, %slice3A_453 : vector<1x512xf32>
    %slice3A_455 = vector.extract_strided_slice %convert_element_type3A_446 {offsets = [0, 2048], sizes = [1, 512], strides = [1, 1]} : vector<1x3072xf32> to vector<1x512xf32>
    %mul3A_456 = arith.mulf %mul3A_349, %slice3A_455 : vector<1x512xf32>
    %slice3A_457 = vector.extract_strided_slice %convert_element_type3A_446 {offsets = [0, 2560], sizes = [1, 512], strides = [1, 1]} : vector<1x3072xf32> to vector<1x512xf32>
    %mul3A_458 = arith.mulf %mul3A_351, %slice3A_457 : vector<1x512xf32>
    %slice3A_459 = vector.extract_strided_slice %get3A_1 {offsets = [2048, 0], sizes = [512, 1], strides = [1, 1]} : vector<5120x8xf32> to vector<512x1xf32>
    %slice3A_460 = vector.extract_strided_slice %get3A_1 {offsets = [2048, 1], sizes = [512, 1], strides = [1, 1]} : vector<5120x8xf32> to vector<512x1xf32>
    %slice3A_461 = vector.extract_strided_slice %get3A_1 {offsets = [2048, 2], sizes = [512, 1], strides = [1, 1]} : vector<5120x8xf32> to vector<512x1xf32>
    %slice3A_462 = vector.extract_strided_slice %get3A_1 {offsets = [2048, 3], sizes = [512, 1], strides = [1, 1]} : vector<5120x8xf32> to vector<512x1xf32>
    %sub3A_463 = arith.subf %slice3A_461, %slice3A_459 : vector<512x1xf32>
    %sub3A_464 = arith.subf %slice3A_462, %slice3A_460 : vector<512x1xf32>
    %mul3A_465 = arith.mulf %sub3A_463, %sub3A_464 : vector<512x1xf32>
    %slice3A_466 = vector.extract_strided_slice %slice3A {offsets = [0, 2048], sizes = [1, 512], strides = [1, 1]} : vector<1x5120xf32> to vector<1x512xf32>
    %max3A_467 = vector.broadcast %slice3A_459 : vector<512x1xf32> to vector<512x512xf32>
    %max3A_468 = vector.broadcast %slice3A_466 : vector<1x512xf32> to vector<512x512xf32>
    %max3A_469 = arith.maximumf %max3A_467, %max3A_468 : vector<512x512xf32>
    %slice3A_470 = vector.extract_strided_slice %slice3A_2 {offsets = [0, 2048], sizes = [1, 512], strides = [1, 1]} : vector<1x5120xf32> to vector<1x512xf32>
    %max3A_471 = vector.broadcast %slice3A_460 : vector<512x1xf32> to vector<512x512xf32>
    %max3A_472 = vector.broadcast %slice3A_470 : vector<1x512xf32> to vector<512x512xf32>
    %max3A_473 = arith.maximumf %max3A_471, %max3A_472 : vector<512x512xf32>
    %slice3A_474 = vector.extract_strided_slice %slice3A_3 {offsets = [0, 2048], sizes = [1, 512], strides = [1, 1]} : vector<1x5120xf32> to vector<1x512xf32>
    %min3A_475 = vector.broadcast %slice3A_461 : vector<512x1xf32> to vector<512x512xf32>
    %min3A_476 = vector.broadcast %slice3A_474 : vector<1x512xf32> to vector<512x512xf32>
    %min3A_477 = arith.minimumf %min3A_475, %min3A_476 : vector<512x512xf32>
    %slice3A_478 = vector.extract_strided_slice %slice3A_4 {offsets = [0, 2048], sizes = [1, 512], strides = [1, 1]} : vector<1x5120xf32> to vector<1x512xf32>
    %min3A_479 = vector.broadcast %slice3A_462 : vector<512x1xf32> to vector<512x512xf32>
    %min3A_480 = vector.broadcast %slice3A_478 : vector<1x512xf32> to vector<512x512xf32>
    %min3A_481 = arith.minimumf %min3A_479, %min3A_480 : vector<512x512xf32>
    %sub3A_482 = arith.subf %min3A_477, %max3A_469 : vector<512x512xf32>
    %max3A_483 = arith.constant 0.000000e+00 : f32
    %max3A_484 = vector.broadcast %max3A_483 : f32 to vector<512x512xf32>
    %max3A_485 = arith.maximumf %sub3A_482, %max3A_484 : vector<512x512xf32>
    %sub3A_486 = arith.subf %min3A_481, %max3A_473 : vector<512x512xf32>
    %max3A_487 = arith.constant 0.000000e+00 : f32
    %max3A_488 = vector.broadcast %max3A_487 : f32 to vector<512x512xf32>
    %max3A_489 = arith.maximumf %sub3A_486, %max3A_488 : vector<512x512xf32>
    %mul3A_490 = arith.mulf %max3A_485, %max3A_489 : vector<512x512xf32>
    %slice3A_491 = vector.extract_strided_slice %mul3A {offsets = [0, 2048], sizes = [1, 512], strides = [1, 1]} : vector<1x5120xf32> to vector<1x512xf32>
    %add3A_492 = vector.broadcast %mul3A_465 : vector<512x1xf32> to vector<512x512xf32>
    %add3A_493 = vector.broadcast %slice3A_491 : vector<1x512xf32> to vector<512x512xf32>
    %add3A_494 = arith.addf %add3A_492, %add3A_493 : vector<512x512xf32>
    %sub3A_495 = arith.subf %add3A_494, %mul3A_490 : vector<512x512xf32>
    %max3A_496 = arith.constant 9.99999993E-9 : f32
    %max3A_497 = vector.broadcast %max3A_496 : f32 to vector<512x512xf32>
    %max3A_498 = arith.maximumf %sub3A_495, %max3A_497 : vector<512x512xf32>
    %div3A_499 = arith.divf %mul3A_490, %max3A_498 : vector<512x512xf32>
    %gt3A_500 = arith.constant 3.000000e-01 : f32
    %gt3A_501 = vector.broadcast %gt3A_500 : f32 to vector<512x512xf32>
    %gt3A_502 = arith.cmpf ogt, %div3A_499, %gt3A_501 : vector<512x512xf32>
    %and3A_503 = arith.andi %gt3A_502, %lt3A_9 : vector<512x512xi1>
    %convert_element_type3A_504 = arith.extui %and3A_503 : vector<512x512xi1> to vector<512x512xi32>
    %convert_element_type3A_505 = arith.sitofp %convert_element_type3A_504 : vector<512x512xi32> to vector<512x512xf32>
    %while3A_506 = arith.constant true
    %while3A_507:2 = scf.while (%while3A_1187 = %mul3A_448, %while3A_1188 = %while3A_506) : (vector<1x512xf32>, i1) -> (vector<1x512xf32>, i1) {
      scf.condition(%while3A_1188) %while3A_1187, %while3A_1188 : vector<1x512xf32>, i1
    } do {
    ^bb0(%while3A_1187: vector<1x512xf32>, %while3A_1188: i1):
      %dot_general3A_1189 = arith.constant dense<0.000000e+00> : vector<1x512xf32>
      %dot_general3A_1190 = tpu.matmul %while3A_1187, %convert_element_type3A_505, %dot_general3A_1189 {dimension_numbers = #tpu.dot_dimension_numbers<[1], [0], [0], [1], [0, 0, 1, 1], [], []>, transpose_lhs_hint = false} : vector<1x512xf32>, vector<512x512xf32>, vector<1x512xf32> -> vector<1x512xf32>
      %eq3A_1191 = arith.constant 0.000000e+00 : f32
      %eq3A_1192 = vector.broadcast %eq3A_1191 : f32 to vector<1x512xf32>
      %eq3A_1193 = arith.cmpf oeq, %dot_general3A_1190, %eq3A_1192 : vector<1x512xf32>
      %convert_element_type3A_1194 = arith.extui %eq3A_1193 : vector<1x512xi1> to vector<1x512xi32>
      %convert_element_type3A_1195 = arith.sitofp %convert_element_type3A_1194 : vector<1x512xi32> to vector<1x512xf32>
      %mul3A_1196 = arith.mulf %mul3A_448, %convert_element_type3A_1195 : vector<1x512xf32>
      %dot_general3A_1197 = arith.constant dense<0.000000e+00> : vector<1x512xf32>
      %dot_general3A_1198 = tpu.matmul %mul3A_1196, %convert_element_type3A_505, %dot_general3A_1197 {dimension_numbers = #tpu.dot_dimension_numbers<[1], [0], [0], [1], [0, 0, 1, 1], [], []>, transpose_lhs_hint = false} : vector<1x512xf32>, vector<512x512xf32>, vector<1x512xf32> -> vector<1x512xf32>
      %eq3A_1199 = arith.constant 0.000000e+00 : f32
      %eq3A_1200 = vector.broadcast %eq3A_1199 : f32 to vector<1x512xf32>
      %eq3A_1201 = arith.cmpf oeq, %dot_general3A_1198, %eq3A_1200 : vector<1x512xf32>
      %convert_element_type3A_1202 = arith.extui %eq3A_1201 : vector<1x512xi1> to vector<1x512xi32>
      %convert_element_type3A_1203 = arith.sitofp %convert_element_type3A_1202 : vector<1x512xi32> to vector<1x512xf32>
      %mul3A_1204 = arith.mulf %mul3A_448, %convert_element_type3A_1203 : vector<1x512xf32>
      %ne3A = arith.cmpf one, %mul3A_1204, %mul3A_1196 : vector<1x512xf32>
      %reduce_or3A = arith.constant 1.000000e+00 : f32
      %reduce_or3A_1205 = arith.constant 0.000000e+00 : f32
      %reduce_or3A_1206 = vector.broadcast %reduce_or3A : f32 to vector<1x512xf32>
      %reduce_or3A_1207 = vector.broadcast %reduce_or3A_1205 : f32 to vector<1x512xf32>
      %reduce_or3A_1208 = arith.select %ne3A, %reduce_or3A_1206, %reduce_or3A_1207 : vector<1x512xi1>, vector<1x512xf32>
      %reduce_or3A_1209 = vector.shape_cast %reduce_or3A_1208 : vector<1x512xf32> to vector<1x1x512xf32>
      %reduce_or3A_1210 = arith.constant dense<0xFF800000> : vector<1xf32>
      %reduce_or3A_1211 = vector.multi_reduction <maximumf>, %reduce_or3A_1209, %reduce_or3A_1210 [1, 2] : vector<1x1x512xf32> to vector<1xf32>
      %reduce_or3A_1212 = vector.shape_cast %reduce_or3A_1211 : vector<1xf32> to vector<1x1x1xf32>
      %reduce_or3A_1213 = vector.extract %reduce_or3A_1212[0, 0, 0] : f32 from vector<1x1x1xf32>
      %reduce_or3A_1214 = arith.constant 0.000000e+00 : f32
      %reduce_or3A_1215 = arith.cmpf ogt, %reduce_or3A_1213, %reduce_or3A_1214 : f32
      scf.yield %mul3A_1204, %reduce_or3A_1215 : vector<1x512xf32>, i1
    }
    %slice3A_508 = vector.extract_strided_slice %slice3A {offsets = [0, 2560], sizes = [1, 2560], strides = [1, 1]} : vector<1x5120xf32> to vector<1x2560xf32>
    %max3A_509 = vector.broadcast %slice3A_459 : vector<512x1xf32> to vector<512x2560xf32>
    %max3A_510 = vector.broadcast %slice3A_508 : vector<1x2560xf32> to vector<512x2560xf32>
    %max3A_511 = arith.maximumf %max3A_509, %max3A_510 : vector<512x2560xf32>
    %slice3A_512 = vector.extract_strided_slice %slice3A_2 {offsets = [0, 2560], sizes = [1, 2560], strides = [1, 1]} : vector<1x5120xf32> to vector<1x2560xf32>
    %max3A_513 = vector.broadcast %slice3A_460 : vector<512x1xf32> to vector<512x2560xf32>
    %max3A_514 = vector.broadcast %slice3A_512 : vector<1x2560xf32> to vector<512x2560xf32>
    %max3A_515 = arith.maximumf %max3A_513, %max3A_514 : vector<512x2560xf32>
    %slice3A_516 = vector.extract_strided_slice %slice3A_3 {offsets = [0, 2560], sizes = [1, 2560], strides = [1, 1]} : vector<1x5120xf32> to vector<1x2560xf32>
    %min3A_517 = vector.broadcast %slice3A_461 : vector<512x1xf32> to vector<512x2560xf32>
    %min3A_518 = vector.broadcast %slice3A_516 : vector<1x2560xf32> to vector<512x2560xf32>
    %min3A_519 = arith.minimumf %min3A_517, %min3A_518 : vector<512x2560xf32>
    %slice3A_520 = vector.extract_strided_slice %slice3A_4 {offsets = [0, 2560], sizes = [1, 2560], strides = [1, 1]} : vector<1x5120xf32> to vector<1x2560xf32>
    %min3A_521 = vector.broadcast %slice3A_462 : vector<512x1xf32> to vector<512x2560xf32>
    %min3A_522 = vector.broadcast %slice3A_520 : vector<1x2560xf32> to vector<512x2560xf32>
    %min3A_523 = arith.minimumf %min3A_521, %min3A_522 : vector<512x2560xf32>
    %sub3A_524 = arith.subf %min3A_519, %max3A_511 : vector<512x2560xf32>
    %max3A_525 = arith.constant 0.000000e+00 : f32
    %max3A_526 = vector.broadcast %max3A_525 : f32 to vector<512x2560xf32>
    %max3A_527 = arith.maximumf %sub3A_524, %max3A_526 : vector<512x2560xf32>
    %sub3A_528 = arith.subf %min3A_523, %max3A_515 : vector<512x2560xf32>
    %max3A_529 = arith.constant 0.000000e+00 : f32
    %max3A_530 = vector.broadcast %max3A_529 : f32 to vector<512x2560xf32>
    %max3A_531 = arith.maximumf %sub3A_528, %max3A_530 : vector<512x2560xf32>
    %mul3A_532 = arith.mulf %max3A_527, %max3A_531 : vector<512x2560xf32>
    %slice3A_533 = vector.extract_strided_slice %mul3A {offsets = [0, 2560], sizes = [1, 2560], strides = [1, 1]} : vector<1x5120xf32> to vector<1x2560xf32>
    %add3A_534 = vector.broadcast %mul3A_465 : vector<512x1xf32> to vector<512x2560xf32>
    %add3A_535 = vector.broadcast %slice3A_533 : vector<1x2560xf32> to vector<512x2560xf32>
    %add3A_536 = arith.addf %add3A_534, %add3A_535 : vector<512x2560xf32>
    %sub3A_537 = arith.subf %add3A_536, %mul3A_532 : vector<512x2560xf32>
    %max3A_538 = arith.constant 9.99999993E-9 : f32
    %max3A_539 = vector.broadcast %max3A_538 : f32 to vector<512x2560xf32>
    %max3A_540 = arith.maximumf %sub3A_537, %max3A_539 : vector<512x2560xf32>
    %div3A_541 = arith.divf %mul3A_532, %max3A_540 : vector<512x2560xf32>
    %gt3A_542 = arith.constant 3.000000e-01 : f32
    %gt3A_543 = vector.broadcast %gt3A_542 : f32 to vector<512x2560xf32>
    %gt3A_544 = arith.cmpf ogt, %div3A_541, %gt3A_543 : vector<512x2560xf32>
    %convert_element_type3A_545 = arith.extui %gt3A_544 : vector<512x2560xi1> to vector<512x2560xi32>
    %convert_element_type3A_546 = arith.sitofp %convert_element_type3A_545 : vector<512x2560xi32> to vector<512x2560xf32>
    %dot_general3A_547 = arith.constant dense<0.000000e+00> : vector<1x2560xf32>
    %dot_general3A_548 = tpu.matmul %while3A_507#0, %convert_element_type3A_546, %dot_general3A_547 {dimension_numbers = #tpu.dot_dimension_numbers<[1], [0], [0], [1], [0, 0, 1, 1], [], []>, transpose_lhs_hint = false} : vector<1x512xf32>, vector<512x2560xf32>, vector<1x2560xf32> -> vector<1x2560xf32>
    %eq3A_549 = arith.constant 0.000000e+00 : f32
    %eq3A_550 = vector.broadcast %eq3A_549 : f32 to vector<1x2560xf32>
    %eq3A_551 = arith.cmpf oeq, %dot_general3A_548, %eq3A_550 : vector<1x2560xf32>
    %convert_element_type3A_552 = arith.extui %eq3A_551 : vector<1x2560xi1> to vector<1x2560xi32>
    %convert_element_type3A_553 = arith.sitofp %convert_element_type3A_552 : vector<1x2560xi32> to vector<1x2560xf32>
    %slice3A_554 = vector.extract_strided_slice %convert_element_type3A_553 {offsets = [0, 0], sizes = [1, 512], strides = [1, 1]} : vector<1x2560xf32> to vector<1x512xf32>
    %mul3A_555 = arith.mulf %mul3A_450, %slice3A_554 : vector<1x512xf32>
    %slice3A_556 = vector.extract_strided_slice %convert_element_type3A_553 {offsets = [0, 512], sizes = [1, 512], strides = [1, 1]} : vector<1x2560xf32> to vector<1x512xf32>
    %mul3A_557 = arith.mulf %mul3A_452, %slice3A_556 : vector<1x512xf32>
    %slice3A_558 = vector.extract_strided_slice %convert_element_type3A_553 {offsets = [0, 1024], sizes = [1, 512], strides = [1, 1]} : vector<1x2560xf32> to vector<1x512xf32>
    %mul3A_559 = arith.mulf %mul3A_454, %slice3A_558 : vector<1x512xf32>
    %slice3A_560 = vector.extract_strided_slice %convert_element_type3A_553 {offsets = [0, 1536], sizes = [1, 512], strides = [1, 1]} : vector<1x2560xf32> to vector<1x512xf32>
    %mul3A_561 = arith.mulf %mul3A_456, %slice3A_560 : vector<1x512xf32>
    %slice3A_562 = vector.extract_strided_slice %convert_element_type3A_553 {offsets = [0, 2048], sizes = [1, 512], strides = [1, 1]} : vector<1x2560xf32> to vector<1x512xf32>
    %mul3A_563 = arith.mulf %mul3A_458, %slice3A_562 : vector<1x512xf32>
    %slice3A_564 = vector.extract_strided_slice %get3A_1 {offsets = [2560, 0], sizes = [512, 1], strides = [1, 1]} : vector<5120x8xf32> to vector<512x1xf32>
    %slice3A_565 = vector.extract_strided_slice %get3A_1 {offsets = [2560, 1], sizes = [512, 1], strides = [1, 1]} : vector<5120x8xf32> to vector<512x1xf32>
    %slice3A_566 = vector.extract_strided_slice %get3A_1 {offsets = [2560, 2], sizes = [512, 1], strides = [1, 1]} : vector<5120x8xf32> to vector<512x1xf32>
    %slice3A_567 = vector.extract_strided_slice %get3A_1 {offsets = [2560, 3], sizes = [512, 1], strides = [1, 1]} : vector<5120x8xf32> to vector<512x1xf32>
    %sub3A_568 = arith.subf %slice3A_566, %slice3A_564 : vector<512x1xf32>
    %sub3A_569 = arith.subf %slice3A_567, %slice3A_565 : vector<512x1xf32>
    %mul3A_570 = arith.mulf %sub3A_568, %sub3A_569 : vector<512x1xf32>
    %slice3A_571 = vector.extract_strided_slice %slice3A {offsets = [0, 2560], sizes = [1, 512], strides = [1, 1]} : vector<1x5120xf32> to vector<1x512xf32>
    %max3A_572 = vector.broadcast %slice3A_564 : vector<512x1xf32> to vector<512x512xf32>
    %max3A_573 = vector.broadcast %slice3A_571 : vector<1x512xf32> to vector<512x512xf32>
    %max3A_574 = arith.maximumf %max3A_572, %max3A_573 : vector<512x512xf32>
    %slice3A_575 = vector.extract_strided_slice %slice3A_2 {offsets = [0, 2560], sizes = [1, 512], strides = [1, 1]} : vector<1x5120xf32> to vector<1x512xf32>
    %max3A_576 = vector.broadcast %slice3A_565 : vector<512x1xf32> to vector<512x512xf32>
    %max3A_577 = vector.broadcast %slice3A_575 : vector<1x512xf32> to vector<512x512xf32>
    %max3A_578 = arith.maximumf %max3A_576, %max3A_577 : vector<512x512xf32>
    %slice3A_579 = vector.extract_strided_slice %slice3A_3 {offsets = [0, 2560], sizes = [1, 512], strides = [1, 1]} : vector<1x5120xf32> to vector<1x512xf32>
    %min3A_580 = vector.broadcast %slice3A_566 : vector<512x1xf32> to vector<512x512xf32>
    %min3A_581 = vector.broadcast %slice3A_579 : vector<1x512xf32> to vector<512x512xf32>
    %min3A_582 = arith.minimumf %min3A_580, %min3A_581 : vector<512x512xf32>
    %slice3A_583 = vector.extract_strided_slice %slice3A_4 {offsets = [0, 2560], sizes = [1, 512], strides = [1, 1]} : vector<1x5120xf32> to vector<1x512xf32>
    %min3A_584 = vector.broadcast %slice3A_567 : vector<512x1xf32> to vector<512x512xf32>
    %min3A_585 = vector.broadcast %slice3A_583 : vector<1x512xf32> to vector<512x512xf32>
    %min3A_586 = arith.minimumf %min3A_584, %min3A_585 : vector<512x512xf32>
    %sub3A_587 = arith.subf %min3A_582, %max3A_574 : vector<512x512xf32>
    %max3A_588 = arith.constant 0.000000e+00 : f32
    %max3A_589 = vector.broadcast %max3A_588 : f32 to vector<512x512xf32>
    %max3A_590 = arith.maximumf %sub3A_587, %max3A_589 : vector<512x512xf32>
    %sub3A_591 = arith.subf %min3A_586, %max3A_578 : vector<512x512xf32>
    %max3A_592 = arith.constant 0.000000e+00 : f32
    %max3A_593 = vector.broadcast %max3A_592 : f32 to vector<512x512xf32>
    %max3A_594 = arith.maximumf %sub3A_591, %max3A_593 : vector<512x512xf32>
    %mul3A_595 = arith.mulf %max3A_590, %max3A_594 : vector<512x512xf32>
    %slice3A_596 = vector.extract_strided_slice %mul3A {offsets = [0, 2560], sizes = [1, 512], strides = [1, 1]} : vector<1x5120xf32> to vector<1x512xf32>
    %add3A_597 = vector.broadcast %mul3A_570 : vector<512x1xf32> to vector<512x512xf32>
    %add3A_598 = vector.broadcast %slice3A_596 : vector<1x512xf32> to vector<512x512xf32>
    %add3A_599 = arith.addf %add3A_597, %add3A_598 : vector<512x512xf32>
    %sub3A_600 = arith.subf %add3A_599, %mul3A_595 : vector<512x512xf32>
    %max3A_601 = arith.constant 9.99999993E-9 : f32
    %max3A_602 = vector.broadcast %max3A_601 : f32 to vector<512x512xf32>
    %max3A_603 = arith.maximumf %sub3A_600, %max3A_602 : vector<512x512xf32>
    %div3A_604 = arith.divf %mul3A_595, %max3A_603 : vector<512x512xf32>
    %gt3A_605 = arith.constant 3.000000e-01 : f32
    %gt3A_606 = vector.broadcast %gt3A_605 : f32 to vector<512x512xf32>
    %gt3A_607 = arith.cmpf ogt, %div3A_604, %gt3A_606 : vector<512x512xf32>
    %and3A_608 = arith.andi %gt3A_607, %lt3A_9 : vector<512x512xi1>
    %convert_element_type3A_609 = arith.extui %and3A_608 : vector<512x512xi1> to vector<512x512xi32>
    %convert_element_type3A_610 = arith.sitofp %convert_element_type3A_609 : vector<512x512xi32> to vector<512x512xf32>
    %while3A_611 = arith.constant true
    %while3A_612:2 = scf.while (%while3A_1187 = %mul3A_555, %while3A_1188 = %while3A_611) : (vector<1x512xf32>, i1) -> (vector<1x512xf32>, i1) {
      scf.condition(%while3A_1188) %while3A_1187, %while3A_1188 : vector<1x512xf32>, i1
    } do {
    ^bb0(%while3A_1187: vector<1x512xf32>, %while3A_1188: i1):
      %dot_general3A_1189 = arith.constant dense<0.000000e+00> : vector<1x512xf32>
      %dot_general3A_1190 = tpu.matmul %while3A_1187, %convert_element_type3A_610, %dot_general3A_1189 {dimension_numbers = #tpu.dot_dimension_numbers<[1], [0], [0], [1], [0, 0, 1, 1], [], []>, transpose_lhs_hint = false} : vector<1x512xf32>, vector<512x512xf32>, vector<1x512xf32> -> vector<1x512xf32>
      %eq3A_1191 = arith.constant 0.000000e+00 : f32
      %eq3A_1192 = vector.broadcast %eq3A_1191 : f32 to vector<1x512xf32>
      %eq3A_1193 = arith.cmpf oeq, %dot_general3A_1190, %eq3A_1192 : vector<1x512xf32>
      %convert_element_type3A_1194 = arith.extui %eq3A_1193 : vector<1x512xi1> to vector<1x512xi32>
      %convert_element_type3A_1195 = arith.sitofp %convert_element_type3A_1194 : vector<1x512xi32> to vector<1x512xf32>
      %mul3A_1196 = arith.mulf %mul3A_555, %convert_element_type3A_1195 : vector<1x512xf32>
      %dot_general3A_1197 = arith.constant dense<0.000000e+00> : vector<1x512xf32>
      %dot_general3A_1198 = tpu.matmul %mul3A_1196, %convert_element_type3A_610, %dot_general3A_1197 {dimension_numbers = #tpu.dot_dimension_numbers<[1], [0], [0], [1], [0, 0, 1, 1], [], []>, transpose_lhs_hint = false} : vector<1x512xf32>, vector<512x512xf32>, vector<1x512xf32> -> vector<1x512xf32>
      %eq3A_1199 = arith.constant 0.000000e+00 : f32
      %eq3A_1200 = vector.broadcast %eq3A_1199 : f32 to vector<1x512xf32>
      %eq3A_1201 = arith.cmpf oeq, %dot_general3A_1198, %eq3A_1200 : vector<1x512xf32>
      %convert_element_type3A_1202 = arith.extui %eq3A_1201 : vector<1x512xi1> to vector<1x512xi32>
      %convert_element_type3A_1203 = arith.sitofp %convert_element_type3A_1202 : vector<1x512xi32> to vector<1x512xf32>
      %mul3A_1204 = arith.mulf %mul3A_555, %convert_element_type3A_1203 : vector<1x512xf32>
      %ne3A = arith.cmpf one, %mul3A_1204, %mul3A_1196 : vector<1x512xf32>
      %reduce_or3A = arith.constant 1.000000e+00 : f32
      %reduce_or3A_1205 = arith.constant 0.000000e+00 : f32
      %reduce_or3A_1206 = vector.broadcast %reduce_or3A : f32 to vector<1x512xf32>
      %reduce_or3A_1207 = vector.broadcast %reduce_or3A_1205 : f32 to vector<1x512xf32>
      %reduce_or3A_1208 = arith.select %ne3A, %reduce_or3A_1206, %reduce_or3A_1207 : vector<1x512xi1>, vector<1x512xf32>
      %reduce_or3A_1209 = vector.shape_cast %reduce_or3A_1208 : vector<1x512xf32> to vector<1x1x512xf32>
      %reduce_or3A_1210 = arith.constant dense<0xFF800000> : vector<1xf32>
      %reduce_or3A_1211 = vector.multi_reduction <maximumf>, %reduce_or3A_1209, %reduce_or3A_1210 [1, 2] : vector<1x1x512xf32> to vector<1xf32>
      %reduce_or3A_1212 = vector.shape_cast %reduce_or3A_1211 : vector<1xf32> to vector<1x1x1xf32>
      %reduce_or3A_1213 = vector.extract %reduce_or3A_1212[0, 0, 0] : f32 from vector<1x1x1xf32>
      %reduce_or3A_1214 = arith.constant 0.000000e+00 : f32
      %reduce_or3A_1215 = arith.cmpf ogt, %reduce_or3A_1213, %reduce_or3A_1214 : f32
      scf.yield %mul3A_1204, %reduce_or3A_1215 : vector<1x512xf32>, i1
    }
    %slice3A_613 = vector.extract_strided_slice %slice3A {offsets = [0, 3072], sizes = [1, 2048], strides = [1, 1]} : vector<1x5120xf32> to vector<1x2048xf32>
    %max3A_614 = vector.broadcast %slice3A_564 : vector<512x1xf32> to vector<512x2048xf32>
    %max3A_615 = vector.broadcast %slice3A_613 : vector<1x2048xf32> to vector<512x2048xf32>
    %max3A_616 = arith.maximumf %max3A_614, %max3A_615 : vector<512x2048xf32>
    %slice3A_617 = vector.extract_strided_slice %slice3A_2 {offsets = [0, 3072], sizes = [1, 2048], strides = [1, 1]} : vector<1x5120xf32> to vector<1x2048xf32>
    %max3A_618 = vector.broadcast %slice3A_565 : vector<512x1xf32> to vector<512x2048xf32>
    %max3A_619 = vector.broadcast %slice3A_617 : vector<1x2048xf32> to vector<512x2048xf32>
    %max3A_620 = arith.maximumf %max3A_618, %max3A_619 : vector<512x2048xf32>
    %slice3A_621 = vector.extract_strided_slice %slice3A_3 {offsets = [0, 3072], sizes = [1, 2048], strides = [1, 1]} : vector<1x5120xf32> to vector<1x2048xf32>
    %min3A_622 = vector.broadcast %slice3A_566 : vector<512x1xf32> to vector<512x2048xf32>
    %min3A_623 = vector.broadcast %slice3A_621 : vector<1x2048xf32> to vector<512x2048xf32>
    %min3A_624 = arith.minimumf %min3A_622, %min3A_623 : vector<512x2048xf32>
    %slice3A_625 = vector.extract_strided_slice %slice3A_4 {offsets = [0, 3072], sizes = [1, 2048], strides = [1, 1]} : vector<1x5120xf32> to vector<1x2048xf32>
    %min3A_626 = vector.broadcast %slice3A_567 : vector<512x1xf32> to vector<512x2048xf32>
    %min3A_627 = vector.broadcast %slice3A_625 : vector<1x2048xf32> to vector<512x2048xf32>
    %min3A_628 = arith.minimumf %min3A_626, %min3A_627 : vector<512x2048xf32>
    %sub3A_629 = arith.subf %min3A_624, %max3A_616 : vector<512x2048xf32>
    %max3A_630 = arith.constant 0.000000e+00 : f32
    %max3A_631 = vector.broadcast %max3A_630 : f32 to vector<512x2048xf32>
    %max3A_632 = arith.maximumf %sub3A_629, %max3A_631 : vector<512x2048xf32>
    %sub3A_633 = arith.subf %min3A_628, %max3A_620 : vector<512x2048xf32>
    %max3A_634 = arith.constant 0.000000e+00 : f32
    %max3A_635 = vector.broadcast %max3A_634 : f32 to vector<512x2048xf32>
    %max3A_636 = arith.maximumf %sub3A_633, %max3A_635 : vector<512x2048xf32>
    %mul3A_637 = arith.mulf %max3A_632, %max3A_636 : vector<512x2048xf32>
    %slice3A_638 = vector.extract_strided_slice %mul3A {offsets = [0, 3072], sizes = [1, 2048], strides = [1, 1]} : vector<1x5120xf32> to vector<1x2048xf32>
    %add3A_639 = vector.broadcast %mul3A_570 : vector<512x1xf32> to vector<512x2048xf32>
    %add3A_640 = vector.broadcast %slice3A_638 : vector<1x2048xf32> to vector<512x2048xf32>
    %add3A_641 = arith.addf %add3A_639, %add3A_640 : vector<512x2048xf32>
    %sub3A_642 = arith.subf %add3A_641, %mul3A_637 : vector<512x2048xf32>
    %max3A_643 = arith.constant 9.99999993E-9 : f32
    %max3A_644 = vector.broadcast %max3A_643 : f32 to vector<512x2048xf32>
    %max3A_645 = arith.maximumf %sub3A_642, %max3A_644 : vector<512x2048xf32>
    %div3A_646 = arith.divf %mul3A_637, %max3A_645 : vector<512x2048xf32>
    %gt3A_647 = arith.constant 3.000000e-01 : f32
    %gt3A_648 = vector.broadcast %gt3A_647 : f32 to vector<512x2048xf32>
    %gt3A_649 = arith.cmpf ogt, %div3A_646, %gt3A_648 : vector<512x2048xf32>
    %convert_element_type3A_650 = arith.extui %gt3A_649 : vector<512x2048xi1> to vector<512x2048xi32>
    %convert_element_type3A_651 = arith.sitofp %convert_element_type3A_650 : vector<512x2048xi32> to vector<512x2048xf32>
    %dot_general3A_652 = arith.constant dense<0.000000e+00> : vector<1x2048xf32>
    %dot_general3A_653 = tpu.matmul %while3A_612#0, %convert_element_type3A_651, %dot_general3A_652 {dimension_numbers = #tpu.dot_dimension_numbers<[1], [0], [0], [1], [0, 0, 1, 1], [], []>, transpose_lhs_hint = false} : vector<1x512xf32>, vector<512x2048xf32>, vector<1x2048xf32> -> vector<1x2048xf32>
    %eq3A_654 = arith.constant 0.000000e+00 : f32
    %eq3A_655 = vector.broadcast %eq3A_654 : f32 to vector<1x2048xf32>
    %eq3A_656 = arith.cmpf oeq, %dot_general3A_653, %eq3A_655 : vector<1x2048xf32>
    %convert_element_type3A_657 = arith.extui %eq3A_656 : vector<1x2048xi1> to vector<1x2048xi32>
    %convert_element_type3A_658 = arith.sitofp %convert_element_type3A_657 : vector<1x2048xi32> to vector<1x2048xf32>
    %slice3A_659 = vector.extract_strided_slice %convert_element_type3A_658 {offsets = [0, 0], sizes = [1, 512], strides = [1, 1]} : vector<1x2048xf32> to vector<1x512xf32>
    %mul3A_660 = arith.mulf %mul3A_557, %slice3A_659 : vector<1x512xf32>
    %slice3A_661 = vector.extract_strided_slice %convert_element_type3A_658 {offsets = [0, 512], sizes = [1, 512], strides = [1, 1]} : vector<1x2048xf32> to vector<1x512xf32>
    %mul3A_662 = arith.mulf %mul3A_559, %slice3A_661 : vector<1x512xf32>
    %slice3A_663 = vector.extract_strided_slice %convert_element_type3A_658 {offsets = [0, 1024], sizes = [1, 512], strides = [1, 1]} : vector<1x2048xf32> to vector<1x512xf32>
    %mul3A_664 = arith.mulf %mul3A_561, %slice3A_663 : vector<1x512xf32>
    %slice3A_665 = vector.extract_strided_slice %convert_element_type3A_658 {offsets = [0, 1536], sizes = [1, 512], strides = [1, 1]} : vector<1x2048xf32> to vector<1x512xf32>
    %mul3A_666 = arith.mulf %mul3A_563, %slice3A_665 : vector<1x512xf32>
    %slice3A_667 = vector.extract_strided_slice %get3A_1 {offsets = [3072, 0], sizes = [512, 1], strides = [1, 1]} : vector<5120x8xf32> to vector<512x1xf32>
    %slice3A_668 = vector.extract_strided_slice %get3A_1 {offsets = [3072, 1], sizes = [512, 1], strides = [1, 1]} : vector<5120x8xf32> to vector<512x1xf32>
    %slice3A_669 = vector.extract_strided_slice %get3A_1 {offsets = [3072, 2], sizes = [512, 1], strides = [1, 1]} : vector<5120x8xf32> to vector<512x1xf32>
    %slice3A_670 = vector.extract_strided_slice %get3A_1 {offsets = [3072, 3], sizes = [512, 1], strides = [1, 1]} : vector<5120x8xf32> to vector<512x1xf32>
    %sub3A_671 = arith.subf %slice3A_669, %slice3A_667 : vector<512x1xf32>
    %sub3A_672 = arith.subf %slice3A_670, %slice3A_668 : vector<512x1xf32>
    %mul3A_673 = arith.mulf %sub3A_671, %sub3A_672 : vector<512x1xf32>
    %slice3A_674 = vector.extract_strided_slice %slice3A {offsets = [0, 3072], sizes = [1, 512], strides = [1, 1]} : vector<1x5120xf32> to vector<1x512xf32>
    %max3A_675 = vector.broadcast %slice3A_667 : vector<512x1xf32> to vector<512x512xf32>
    %max3A_676 = vector.broadcast %slice3A_674 : vector<1x512xf32> to vector<512x512xf32>
    %max3A_677 = arith.maximumf %max3A_675, %max3A_676 : vector<512x512xf32>
    %slice3A_678 = vector.extract_strided_slice %slice3A_2 {offsets = [0, 3072], sizes = [1, 512], strides = [1, 1]} : vector<1x5120xf32> to vector<1x512xf32>
    %max3A_679 = vector.broadcast %slice3A_668 : vector<512x1xf32> to vector<512x512xf32>
    %max3A_680 = vector.broadcast %slice3A_678 : vector<1x512xf32> to vector<512x512xf32>
    %max3A_681 = arith.maximumf %max3A_679, %max3A_680 : vector<512x512xf32>
    %slice3A_682 = vector.extract_strided_slice %slice3A_3 {offsets = [0, 3072], sizes = [1, 512], strides = [1, 1]} : vector<1x5120xf32> to vector<1x512xf32>
    %min3A_683 = vector.broadcast %slice3A_669 : vector<512x1xf32> to vector<512x512xf32>
    %min3A_684 = vector.broadcast %slice3A_682 : vector<1x512xf32> to vector<512x512xf32>
    %min3A_685 = arith.minimumf %min3A_683, %min3A_684 : vector<512x512xf32>
    %slice3A_686 = vector.extract_strided_slice %slice3A_4 {offsets = [0, 3072], sizes = [1, 512], strides = [1, 1]} : vector<1x5120xf32> to vector<1x512xf32>
    %min3A_687 = vector.broadcast %slice3A_670 : vector<512x1xf32> to vector<512x512xf32>
    %min3A_688 = vector.broadcast %slice3A_686 : vector<1x512xf32> to vector<512x512xf32>
    %min3A_689 = arith.minimumf %min3A_687, %min3A_688 : vector<512x512xf32>
    %sub3A_690 = arith.subf %min3A_685, %max3A_677 : vector<512x512xf32>
    %max3A_691 = arith.constant 0.000000e+00 : f32
    %max3A_692 = vector.broadcast %max3A_691 : f32 to vector<512x512xf32>
    %max3A_693 = arith.maximumf %sub3A_690, %max3A_692 : vector<512x512xf32>
    %sub3A_694 = arith.subf %min3A_689, %max3A_681 : vector<512x512xf32>
    %max3A_695 = arith.constant 0.000000e+00 : f32
    %max3A_696 = vector.broadcast %max3A_695 : f32 to vector<512x512xf32>
    %max3A_697 = arith.maximumf %sub3A_694, %max3A_696 : vector<512x512xf32>
    %mul3A_698 = arith.mulf %max3A_693, %max3A_697 : vector<512x512xf32>
    %slice3A_699 = vector.extract_strided_slice %mul3A {offsets = [0, 3072], sizes = [1, 512], strides = [1, 1]} : vector<1x5120xf32> to vector<1x512xf32>
    %add3A_700 = vector.broadcast %mul3A_673 : vector<512x1xf32> to vector<512x512xf32>
    %add3A_701 = vector.broadcast %slice3A_699 : vector<1x512xf32> to vector<512x512xf32>
    %add3A_702 = arith.addf %add3A_700, %add3A_701 : vector<512x512xf32>
    %sub3A_703 = arith.subf %add3A_702, %mul3A_698 : vector<512x512xf32>
    %max3A_704 = arith.constant 9.99999993E-9 : f32
    %max3A_705 = vector.broadcast %max3A_704 : f32 to vector<512x512xf32>
    %max3A_706 = arith.maximumf %sub3A_703, %max3A_705 : vector<512x512xf32>
    %div3A_707 = arith.divf %mul3A_698, %max3A_706 : vector<512x512xf32>
    %gt3A_708 = arith.constant 3.000000e-01 : f32
    %gt3A_709 = vector.broadcast %gt3A_708 : f32 to vector<512x512xf32>
    %gt3A_710 = arith.cmpf ogt, %div3A_707, %gt3A_709 : vector<512x512xf32>
    %and3A_711 = arith.andi %gt3A_710, %lt3A_9 : vector<512x512xi1>
    %convert_element_type3A_712 = arith.extui %and3A_711 : vector<512x512xi1> to vector<512x512xi32>
    %convert_element_type3A_713 = arith.sitofp %convert_element_type3A_712 : vector<512x512xi32> to vector<512x512xf32>
    %while3A_714 = arith.constant true
    %while3A_715:2 = scf.while (%while3A_1187 = %mul3A_660, %while3A_1188 = %while3A_714) : (vector<1x512xf32>, i1) -> (vector<1x512xf32>, i1) {
      scf.condition(%while3A_1188) %while3A_1187, %while3A_1188 : vector<1x512xf32>, i1
    } do {
    ^bb0(%while3A_1187: vector<1x512xf32>, %while3A_1188: i1):
      %dot_general3A_1189 = arith.constant dense<0.000000e+00> : vector<1x512xf32>
      %dot_general3A_1190 = tpu.matmul %while3A_1187, %convert_element_type3A_713, %dot_general3A_1189 {dimension_numbers = #tpu.dot_dimension_numbers<[1], [0], [0], [1], [0, 0, 1, 1], [], []>, transpose_lhs_hint = false} : vector<1x512xf32>, vector<512x512xf32>, vector<1x512xf32> -> vector<1x512xf32>
      %eq3A_1191 = arith.constant 0.000000e+00 : f32
      %eq3A_1192 = vector.broadcast %eq3A_1191 : f32 to vector<1x512xf32>
      %eq3A_1193 = arith.cmpf oeq, %dot_general3A_1190, %eq3A_1192 : vector<1x512xf32>
      %convert_element_type3A_1194 = arith.extui %eq3A_1193 : vector<1x512xi1> to vector<1x512xi32>
      %convert_element_type3A_1195 = arith.sitofp %convert_element_type3A_1194 : vector<1x512xi32> to vector<1x512xf32>
      %mul3A_1196 = arith.mulf %mul3A_660, %convert_element_type3A_1195 : vector<1x512xf32>
      %dot_general3A_1197 = arith.constant dense<0.000000e+00> : vector<1x512xf32>
      %dot_general3A_1198 = tpu.matmul %mul3A_1196, %convert_element_type3A_713, %dot_general3A_1197 {dimension_numbers = #tpu.dot_dimension_numbers<[1], [0], [0], [1], [0, 0, 1, 1], [], []>, transpose_lhs_hint = false} : vector<1x512xf32>, vector<512x512xf32>, vector<1x512xf32> -> vector<1x512xf32>
      %eq3A_1199 = arith.constant 0.000000e+00 : f32
      %eq3A_1200 = vector.broadcast %eq3A_1199 : f32 to vector<1x512xf32>
      %eq3A_1201 = arith.cmpf oeq, %dot_general3A_1198, %eq3A_1200 : vector<1x512xf32>
      %convert_element_type3A_1202 = arith.extui %eq3A_1201 : vector<1x512xi1> to vector<1x512xi32>
      %convert_element_type3A_1203 = arith.sitofp %convert_element_type3A_1202 : vector<1x512xi32> to vector<1x512xf32>
      %mul3A_1204 = arith.mulf %mul3A_660, %convert_element_type3A_1203 : vector<1x512xf32>
      %ne3A = arith.cmpf one, %mul3A_1204, %mul3A_1196 : vector<1x512xf32>
      %reduce_or3A = arith.constant 1.000000e+00 : f32
      %reduce_or3A_1205 = arith.constant 0.000000e+00 : f32
      %reduce_or3A_1206 = vector.broadcast %reduce_or3A : f32 to vector<1x512xf32>
      %reduce_or3A_1207 = vector.broadcast %reduce_or3A_1205 : f32 to vector<1x512xf32>
      %reduce_or3A_1208 = arith.select %ne3A, %reduce_or3A_1206, %reduce_or3A_1207 : vector<1x512xi1>, vector<1x512xf32>
      %reduce_or3A_1209 = vector.shape_cast %reduce_or3A_1208 : vector<1x512xf32> to vector<1x1x512xf32>
      %reduce_or3A_1210 = arith.constant dense<0xFF800000> : vector<1xf32>
      %reduce_or3A_1211 = vector.multi_reduction <maximumf>, %reduce_or3A_1209, %reduce_or3A_1210 [1, 2] : vector<1x1x512xf32> to vector<1xf32>
      %reduce_or3A_1212 = vector.shape_cast %reduce_or3A_1211 : vector<1xf32> to vector<1x1x1xf32>
      %reduce_or3A_1213 = vector.extract %reduce_or3A_1212[0, 0, 0] : f32 from vector<1x1x1xf32>
      %reduce_or3A_1214 = arith.constant 0.000000e+00 : f32
      %reduce_or3A_1215 = arith.cmpf ogt, %reduce_or3A_1213, %reduce_or3A_1214 : f32
      scf.yield %mul3A_1204, %reduce_or3A_1215 : vector<1x512xf32>, i1
    }
    %slice3A_716 = vector.extract_strided_slice %slice3A {offsets = [0, 3584], sizes = [1, 1536], strides = [1, 1]} : vector<1x5120xf32> to vector<1x1536xf32>
    %max3A_717 = vector.broadcast %slice3A_667 : vector<512x1xf32> to vector<512x1536xf32>
    %max3A_718 = vector.broadcast %slice3A_716 : vector<1x1536xf32> to vector<512x1536xf32>
    %max3A_719 = arith.maximumf %max3A_717, %max3A_718 : vector<512x1536xf32>
    %slice3A_720 = vector.extract_strided_slice %slice3A_2 {offsets = [0, 3584], sizes = [1, 1536], strides = [1, 1]} : vector<1x5120xf32> to vector<1x1536xf32>
    %max3A_721 = vector.broadcast %slice3A_668 : vector<512x1xf32> to vector<512x1536xf32>
    %max3A_722 = vector.broadcast %slice3A_720 : vector<1x1536xf32> to vector<512x1536xf32>
    %max3A_723 = arith.maximumf %max3A_721, %max3A_722 : vector<512x1536xf32>
    %slice3A_724 = vector.extract_strided_slice %slice3A_3 {offsets = [0, 3584], sizes = [1, 1536], strides = [1, 1]} : vector<1x5120xf32> to vector<1x1536xf32>
    %min3A_725 = vector.broadcast %slice3A_669 : vector<512x1xf32> to vector<512x1536xf32>
    %min3A_726 = vector.broadcast %slice3A_724 : vector<1x1536xf32> to vector<512x1536xf32>
    %min3A_727 = arith.minimumf %min3A_725, %min3A_726 : vector<512x1536xf32>
    %slice3A_728 = vector.extract_strided_slice %slice3A_4 {offsets = [0, 3584], sizes = [1, 1536], strides = [1, 1]} : vector<1x5120xf32> to vector<1x1536xf32>
    %min3A_729 = vector.broadcast %slice3A_670 : vector<512x1xf32> to vector<512x1536xf32>
    %min3A_730 = vector.broadcast %slice3A_728 : vector<1x1536xf32> to vector<512x1536xf32>
    %min3A_731 = arith.minimumf %min3A_729, %min3A_730 : vector<512x1536xf32>
    %sub3A_732 = arith.subf %min3A_727, %max3A_719 : vector<512x1536xf32>
    %max3A_733 = arith.constant 0.000000e+00 : f32
    %max3A_734 = vector.broadcast %max3A_733 : f32 to vector<512x1536xf32>
    %max3A_735 = arith.maximumf %sub3A_732, %max3A_734 : vector<512x1536xf32>
    %sub3A_736 = arith.subf %min3A_731, %max3A_723 : vector<512x1536xf32>
    %max3A_737 = arith.constant 0.000000e+00 : f32
    %max3A_738 = vector.broadcast %max3A_737 : f32 to vector<512x1536xf32>
    %max3A_739 = arith.maximumf %sub3A_736, %max3A_738 : vector<512x1536xf32>
    %mul3A_740 = arith.mulf %max3A_735, %max3A_739 : vector<512x1536xf32>
    %slice3A_741 = vector.extract_strided_slice %mul3A {offsets = [0, 3584], sizes = [1, 1536], strides = [1, 1]} : vector<1x5120xf32> to vector<1x1536xf32>
    %add3A_742 = vector.broadcast %mul3A_673 : vector<512x1xf32> to vector<512x1536xf32>
    %add3A_743 = vector.broadcast %slice3A_741 : vector<1x1536xf32> to vector<512x1536xf32>
    %add3A_744 = arith.addf %add3A_742, %add3A_743 : vector<512x1536xf32>
    %sub3A_745 = arith.subf %add3A_744, %mul3A_740 : vector<512x1536xf32>
    %max3A_746 = arith.constant 9.99999993E-9 : f32
    %max3A_747 = vector.broadcast %max3A_746 : f32 to vector<512x1536xf32>
    %max3A_748 = arith.maximumf %sub3A_745, %max3A_747 : vector<512x1536xf32>
    %div3A_749 = arith.divf %mul3A_740, %max3A_748 : vector<512x1536xf32>
    %gt3A_750 = arith.constant 3.000000e-01 : f32
    %gt3A_751 = vector.broadcast %gt3A_750 : f32 to vector<512x1536xf32>
    %gt3A_752 = arith.cmpf ogt, %div3A_749, %gt3A_751 : vector<512x1536xf32>
    %convert_element_type3A_753 = arith.extui %gt3A_752 : vector<512x1536xi1> to vector<512x1536xi32>
    %convert_element_type3A_754 = arith.sitofp %convert_element_type3A_753 : vector<512x1536xi32> to vector<512x1536xf32>
    %dot_general3A_755 = arith.constant dense<0.000000e+00> : vector<1x1536xf32>
    %dot_general3A_756 = tpu.matmul %while3A_715#0, %convert_element_type3A_754, %dot_general3A_755 {dimension_numbers = #tpu.dot_dimension_numbers<[1], [0], [0], [1], [0, 0, 1, 1], [], []>, transpose_lhs_hint = false} : vector<1x512xf32>, vector<512x1536xf32>, vector<1x1536xf32> -> vector<1x1536xf32>
    %eq3A_757 = arith.constant 0.000000e+00 : f32
    %eq3A_758 = vector.broadcast %eq3A_757 : f32 to vector<1x1536xf32>
    %eq3A_759 = arith.cmpf oeq, %dot_general3A_756, %eq3A_758 : vector<1x1536xf32>
    %convert_element_type3A_760 = arith.extui %eq3A_759 : vector<1x1536xi1> to vector<1x1536xi32>
    %convert_element_type3A_761 = arith.sitofp %convert_element_type3A_760 : vector<1x1536xi32> to vector<1x1536xf32>
    %slice3A_762 = vector.extract_strided_slice %convert_element_type3A_761 {offsets = [0, 0], sizes = [1, 512], strides = [1, 1]} : vector<1x1536xf32> to vector<1x512xf32>
    %mul3A_763 = arith.mulf %mul3A_662, %slice3A_762 : vector<1x512xf32>
    %slice3A_764 = vector.extract_strided_slice %convert_element_type3A_761 {offsets = [0, 512], sizes = [1, 512], strides = [1, 1]} : vector<1x1536xf32> to vector<1x512xf32>
    %mul3A_765 = arith.mulf %mul3A_664, %slice3A_764 : vector<1x512xf32>
    %slice3A_766 = vector.extract_strided_slice %convert_element_type3A_761 {offsets = [0, 1024], sizes = [1, 512], strides = [1, 1]} : vector<1x1536xf32> to vector<1x512xf32>
    %mul3A_767 = arith.mulf %mul3A_666, %slice3A_766 : vector<1x512xf32>
    %slice3A_768 = vector.extract_strided_slice %get3A_1 {offsets = [3584, 0], sizes = [512, 1], strides = [1, 1]} : vector<5120x8xf32> to vector<512x1xf32>
    %slice3A_769 = vector.extract_strided_slice %get3A_1 {offsets = [3584, 1], sizes = [512, 1], strides = [1, 1]} : vector<5120x8xf32> to vector<512x1xf32>
    %slice3A_770 = vector.extract_strided_slice %get3A_1 {offsets = [3584, 2], sizes = [512, 1], strides = [1, 1]} : vector<5120x8xf32> to vector<512x1xf32>
    %slice3A_771 = vector.extract_strided_slice %get3A_1 {offsets = [3584, 3], sizes = [512, 1], strides = [1, 1]} : vector<5120x8xf32> to vector<512x1xf32>
    %sub3A_772 = arith.subf %slice3A_770, %slice3A_768 : vector<512x1xf32>
    %sub3A_773 = arith.subf %slice3A_771, %slice3A_769 : vector<512x1xf32>
    %mul3A_774 = arith.mulf %sub3A_772, %sub3A_773 : vector<512x1xf32>
    %slice3A_775 = vector.extract_strided_slice %slice3A {offsets = [0, 3584], sizes = [1, 512], strides = [1, 1]} : vector<1x5120xf32> to vector<1x512xf32>
    %max3A_776 = vector.broadcast %slice3A_768 : vector<512x1xf32> to vector<512x512xf32>
    %max3A_777 = vector.broadcast %slice3A_775 : vector<1x512xf32> to vector<512x512xf32>
    %max3A_778 = arith.maximumf %max3A_776, %max3A_777 : vector<512x512xf32>
    %slice3A_779 = vector.extract_strided_slice %slice3A_2 {offsets = [0, 3584], sizes = [1, 512], strides = [1, 1]} : vector<1x5120xf32> to vector<1x512xf32>
    %max3A_780 = vector.broadcast %slice3A_769 : vector<512x1xf32> to vector<512x512xf32>
    %max3A_781 = vector.broadcast %slice3A_779 : vector<1x512xf32> to vector<512x512xf32>
    %max3A_782 = arith.maximumf %max3A_780, %max3A_781 : vector<512x512xf32>
    %slice3A_783 = vector.extract_strided_slice %slice3A_3 {offsets = [0, 3584], sizes = [1, 512], strides = [1, 1]} : vector<1x5120xf32> to vector<1x512xf32>
    %min3A_784 = vector.broadcast %slice3A_770 : vector<512x1xf32> to vector<512x512xf32>
    %min3A_785 = vector.broadcast %slice3A_783 : vector<1x512xf32> to vector<512x512xf32>
    %min3A_786 = arith.minimumf %min3A_784, %min3A_785 : vector<512x512xf32>
    %slice3A_787 = vector.extract_strided_slice %slice3A_4 {offsets = [0, 3584], sizes = [1, 512], strides = [1, 1]} : vector<1x5120xf32> to vector<1x512xf32>
    %min3A_788 = vector.broadcast %slice3A_771 : vector<512x1xf32> to vector<512x512xf32>
    %min3A_789 = vector.broadcast %slice3A_787 : vector<1x512xf32> to vector<512x512xf32>
    %min3A_790 = arith.minimumf %min3A_788, %min3A_789 : vector<512x512xf32>
    %sub3A_791 = arith.subf %min3A_786, %max3A_778 : vector<512x512xf32>
    %max3A_792 = arith.constant 0.000000e+00 : f32
    %max3A_793 = vector.broadcast %max3A_792 : f32 to vector<512x512xf32>
    %max3A_794 = arith.maximumf %sub3A_791, %max3A_793 : vector<512x512xf32>
    %sub3A_795 = arith.subf %min3A_790, %max3A_782 : vector<512x512xf32>
    %max3A_796 = arith.constant 0.000000e+00 : f32
    %max3A_797 = vector.broadcast %max3A_796 : f32 to vector<512x512xf32>
    %max3A_798 = arith.maximumf %sub3A_795, %max3A_797 : vector<512x512xf32>
    %mul3A_799 = arith.mulf %max3A_794, %max3A_798 : vector<512x512xf32>
    %slice3A_800 = vector.extract_strided_slice %mul3A {offsets = [0, 3584], sizes = [1, 512], strides = [1, 1]} : vector<1x5120xf32> to vector<1x512xf32>
    %add3A_801 = vector.broadcast %mul3A_774 : vector<512x1xf32> to vector<512x512xf32>
    %add3A_802 = vector.broadcast %slice3A_800 : vector<1x512xf32> to vector<512x512xf32>
    %add3A_803 = arith.addf %add3A_801, %add3A_802 : vector<512x512xf32>
    %sub3A_804 = arith.subf %add3A_803, %mul3A_799 : vector<512x512xf32>
    %max3A_805 = arith.constant 9.99999993E-9 : f32
    %max3A_806 = vector.broadcast %max3A_805 : f32 to vector<512x512xf32>
    %max3A_807 = arith.maximumf %sub3A_804, %max3A_806 : vector<512x512xf32>
    %div3A_808 = arith.divf %mul3A_799, %max3A_807 : vector<512x512xf32>
    %gt3A_809 = arith.constant 3.000000e-01 : f32
    %gt3A_810 = vector.broadcast %gt3A_809 : f32 to vector<512x512xf32>
    %gt3A_811 = arith.cmpf ogt, %div3A_808, %gt3A_810 : vector<512x512xf32>
    %and3A_812 = arith.andi %gt3A_811, %lt3A_9 : vector<512x512xi1>
    %convert_element_type3A_813 = arith.extui %and3A_812 : vector<512x512xi1> to vector<512x512xi32>
    %convert_element_type3A_814 = arith.sitofp %convert_element_type3A_813 : vector<512x512xi32> to vector<512x512xf32>
    %while3A_815 = arith.constant true
    %while3A_816:2 = scf.while (%while3A_1187 = %mul3A_763, %while3A_1188 = %while3A_815) : (vector<1x512xf32>, i1) -> (vector<1x512xf32>, i1) {
      scf.condition(%while3A_1188) %while3A_1187, %while3A_1188 : vector<1x512xf32>, i1
    } do {
    ^bb0(%while3A_1187: vector<1x512xf32>, %while3A_1188: i1):
      %dot_general3A_1189 = arith.constant dense<0.000000e+00> : vector<1x512xf32>
      %dot_general3A_1190 = tpu.matmul %while3A_1187, %convert_element_type3A_814, %dot_general3A_1189 {dimension_numbers = #tpu.dot_dimension_numbers<[1], [0], [0], [1], [0, 0, 1, 1], [], []>, transpose_lhs_hint = false} : vector<1x512xf32>, vector<512x512xf32>, vector<1x512xf32> -> vector<1x512xf32>
      %eq3A_1191 = arith.constant 0.000000e+00 : f32
      %eq3A_1192 = vector.broadcast %eq3A_1191 : f32 to vector<1x512xf32>
      %eq3A_1193 = arith.cmpf oeq, %dot_general3A_1190, %eq3A_1192 : vector<1x512xf32>
      %convert_element_type3A_1194 = arith.extui %eq3A_1193 : vector<1x512xi1> to vector<1x512xi32>
      %convert_element_type3A_1195 = arith.sitofp %convert_element_type3A_1194 : vector<1x512xi32> to vector<1x512xf32>
      %mul3A_1196 = arith.mulf %mul3A_763, %convert_element_type3A_1195 : vector<1x512xf32>
      %dot_general3A_1197 = arith.constant dense<0.000000e+00> : vector<1x512xf32>
      %dot_general3A_1198 = tpu.matmul %mul3A_1196, %convert_element_type3A_814, %dot_general3A_1197 {dimension_numbers = #tpu.dot_dimension_numbers<[1], [0], [0], [1], [0, 0, 1, 1], [], []>, transpose_lhs_hint = false} : vector<1x512xf32>, vector<512x512xf32>, vector<1x512xf32> -> vector<1x512xf32>
      %eq3A_1199 = arith.constant 0.000000e+00 : f32
      %eq3A_1200 = vector.broadcast %eq3A_1199 : f32 to vector<1x512xf32>
      %eq3A_1201 = arith.cmpf oeq, %dot_general3A_1198, %eq3A_1200 : vector<1x512xf32>
      %convert_element_type3A_1202 = arith.extui %eq3A_1201 : vector<1x512xi1> to vector<1x512xi32>
      %convert_element_type3A_1203 = arith.sitofp %convert_element_type3A_1202 : vector<1x512xi32> to vector<1x512xf32>
      %mul3A_1204 = arith.mulf %mul3A_763, %convert_element_type3A_1203 : vector<1x512xf32>
      %ne3A = arith.cmpf one, %mul3A_1204, %mul3A_1196 : vector<1x512xf32>
      %reduce_or3A = arith.constant 1.000000e+00 : f32
      %reduce_or3A_1205 = arith.constant 0.000000e+00 : f32
      %reduce_or3A_1206 = vector.broadcast %reduce_or3A : f32 to vector<1x512xf32>
      %reduce_or3A_1207 = vector.broadcast %reduce_or3A_1205 : f32 to vector<1x512xf32>
      %reduce_or3A_1208 = arith.select %ne3A, %reduce_or3A_1206, %reduce_or3A_1207 : vector<1x512xi1>, vector<1x512xf32>
      %reduce_or3A_1209 = vector.shape_cast %reduce_or3A_1208 : vector<1x512xf32> to vector<1x1x512xf32>
      %reduce_or3A_1210 = arith.constant dense<0xFF800000> : vector<1xf32>
      %reduce_or3A_1211 = vector.multi_reduction <maximumf>, %reduce_or3A_1209, %reduce_or3A_1210 [1, 2] : vector<1x1x512xf32> to vector<1xf32>
      %reduce_or3A_1212 = vector.shape_cast %reduce_or3A_1211 : vector<1xf32> to vector<1x1x1xf32>
      %reduce_or3A_1213 = vector.extract %reduce_or3A_1212[0, 0, 0] : f32 from vector<1x1x1xf32>
      %reduce_or3A_1214 = arith.constant 0.000000e+00 : f32
      %reduce_or3A_1215 = arith.cmpf ogt, %reduce_or3A_1213, %reduce_or3A_1214 : f32
      scf.yield %mul3A_1204, %reduce_or3A_1215 : vector<1x512xf32>, i1
    }
    %slice3A_817 = vector.extract_strided_slice %slice3A {offsets = [0, 4096], sizes = [1, 1024], strides = [1, 1]} : vector<1x5120xf32> to vector<1x1024xf32>
    %max3A_818 = vector.broadcast %slice3A_768 : vector<512x1xf32> to vector<512x1024xf32>
    %max3A_819 = vector.broadcast %slice3A_817 : vector<1x1024xf32> to vector<512x1024xf32>
    %max3A_820 = arith.maximumf %max3A_818, %max3A_819 : vector<512x1024xf32>
    %slice3A_821 = vector.extract_strided_slice %slice3A_2 {offsets = [0, 4096], sizes = [1, 1024], strides = [1, 1]} : vector<1x5120xf32> to vector<1x1024xf32>
    %max3A_822 = vector.broadcast %slice3A_769 : vector<512x1xf32> to vector<512x1024xf32>
    %max3A_823 = vector.broadcast %slice3A_821 : vector<1x1024xf32> to vector<512x1024xf32>
    %max3A_824 = arith.maximumf %max3A_822, %max3A_823 : vector<512x1024xf32>
    %slice3A_825 = vector.extract_strided_slice %slice3A_3 {offsets = [0, 4096], sizes = [1, 1024], strides = [1, 1]} : vector<1x5120xf32> to vector<1x1024xf32>
    %min3A_826 = vector.broadcast %slice3A_770 : vector<512x1xf32> to vector<512x1024xf32>
    %min3A_827 = vector.broadcast %slice3A_825 : vector<1x1024xf32> to vector<512x1024xf32>
    %min3A_828 = arith.minimumf %min3A_826, %min3A_827 : vector<512x1024xf32>
    %slice3A_829 = vector.extract_strided_slice %slice3A_4 {offsets = [0, 4096], sizes = [1, 1024], strides = [1, 1]} : vector<1x5120xf32> to vector<1x1024xf32>
    %min3A_830 = vector.broadcast %slice3A_771 : vector<512x1xf32> to vector<512x1024xf32>
    %min3A_831 = vector.broadcast %slice3A_829 : vector<1x1024xf32> to vector<512x1024xf32>
    %min3A_832 = arith.minimumf %min3A_830, %min3A_831 : vector<512x1024xf32>
    %sub3A_833 = arith.subf %min3A_828, %max3A_820 : vector<512x1024xf32>
    %max3A_834 = arith.constant 0.000000e+00 : f32
    %max3A_835 = vector.broadcast %max3A_834 : f32 to vector<512x1024xf32>
    %max3A_836 = arith.maximumf %sub3A_833, %max3A_835 : vector<512x1024xf32>
    %sub3A_837 = arith.subf %min3A_832, %max3A_824 : vector<512x1024xf32>
    %max3A_838 = arith.constant 0.000000e+00 : f32
    %max3A_839 = vector.broadcast %max3A_838 : f32 to vector<512x1024xf32>
    %max3A_840 = arith.maximumf %sub3A_837, %max3A_839 : vector<512x1024xf32>
    %mul3A_841 = arith.mulf %max3A_836, %max3A_840 : vector<512x1024xf32>
    %slice3A_842 = vector.extract_strided_slice %mul3A {offsets = [0, 4096], sizes = [1, 1024], strides = [1, 1]} : vector<1x5120xf32> to vector<1x1024xf32>
    %add3A_843 = vector.broadcast %mul3A_774 : vector<512x1xf32> to vector<512x1024xf32>
    %add3A_844 = vector.broadcast %slice3A_842 : vector<1x1024xf32> to vector<512x1024xf32>
    %add3A_845 = arith.addf %add3A_843, %add3A_844 : vector<512x1024xf32>
    %sub3A_846 = arith.subf %add3A_845, %mul3A_841 : vector<512x1024xf32>
    %max3A_847 = arith.constant 9.99999993E-9 : f32
    %max3A_848 = vector.broadcast %max3A_847 : f32 to vector<512x1024xf32>
    %max3A_849 = arith.maximumf %sub3A_846, %max3A_848 : vector<512x1024xf32>
    %div3A_850 = arith.divf %mul3A_841, %max3A_849 : vector<512x1024xf32>
    %gt3A_851 = arith.constant 3.000000e-01 : f32
    %gt3A_852 = vector.broadcast %gt3A_851 : f32 to vector<512x1024xf32>
    %gt3A_853 = arith.cmpf ogt, %div3A_850, %gt3A_852 : vector<512x1024xf32>
    %convert_element_type3A_854 = arith.extui %gt3A_853 : vector<512x1024xi1> to vector<512x1024xi32>
    %convert_element_type3A_855 = arith.sitofp %convert_element_type3A_854 : vector<512x1024xi32> to vector<512x1024xf32>
    %dot_general3A_856 = arith.constant dense<0.000000e+00> : vector<1x1024xf32>
    %dot_general3A_857 = tpu.matmul %while3A_816#0, %convert_element_type3A_855, %dot_general3A_856 {dimension_numbers = #tpu.dot_dimension_numbers<[1], [0], [0], [1], [0, 0, 1, 1], [], []>, transpose_lhs_hint = false} : vector<1x512xf32>, vector<512x1024xf32>, vector<1x1024xf32> -> vector<1x1024xf32>
    %eq3A_858 = arith.constant 0.000000e+00 : f32
    %eq3A_859 = vector.broadcast %eq3A_858 : f32 to vector<1x1024xf32>
    %eq3A_860 = arith.cmpf oeq, %dot_general3A_857, %eq3A_859 : vector<1x1024xf32>
    %convert_element_type3A_861 = arith.extui %eq3A_860 : vector<1x1024xi1> to vector<1x1024xi32>
    %convert_element_type3A_862 = arith.sitofp %convert_element_type3A_861 : vector<1x1024xi32> to vector<1x1024xf32>
    %slice3A_863 = vector.extract_strided_slice %convert_element_type3A_862 {offsets = [0, 0], sizes = [1, 512], strides = [1, 1]} : vector<1x1024xf32> to vector<1x512xf32>
    %mul3A_864 = arith.mulf %mul3A_765, %slice3A_863 : vector<1x512xf32>
    %slice3A_865 = vector.extract_strided_slice %convert_element_type3A_862 {offsets = [0, 512], sizes = [1, 512], strides = [1, 1]} : vector<1x1024xf32> to vector<1x512xf32>
    %mul3A_866 = arith.mulf %mul3A_767, %slice3A_865 : vector<1x512xf32>
    %slice3A_867 = vector.extract_strided_slice %get3A_1 {offsets = [4096, 0], sizes = [512, 1], strides = [1, 1]} : vector<5120x8xf32> to vector<512x1xf32>
    %slice3A_868 = vector.extract_strided_slice %get3A_1 {offsets = [4096, 1], sizes = [512, 1], strides = [1, 1]} : vector<5120x8xf32> to vector<512x1xf32>
    %slice3A_869 = vector.extract_strided_slice %get3A_1 {offsets = [4096, 2], sizes = [512, 1], strides = [1, 1]} : vector<5120x8xf32> to vector<512x1xf32>
    %slice3A_870 = vector.extract_strided_slice %get3A_1 {offsets = [4096, 3], sizes = [512, 1], strides = [1, 1]} : vector<5120x8xf32> to vector<512x1xf32>
    %sub3A_871 = arith.subf %slice3A_869, %slice3A_867 : vector<512x1xf32>
    %sub3A_872 = arith.subf %slice3A_870, %slice3A_868 : vector<512x1xf32>
    %mul3A_873 = arith.mulf %sub3A_871, %sub3A_872 : vector<512x1xf32>
    %slice3A_874 = vector.extract_strided_slice %slice3A {offsets = [0, 4096], sizes = [1, 512], strides = [1, 1]} : vector<1x5120xf32> to vector<1x512xf32>
    %max3A_875 = vector.broadcast %slice3A_867 : vector<512x1xf32> to vector<512x512xf32>
    %max3A_876 = vector.broadcast %slice3A_874 : vector<1x512xf32> to vector<512x512xf32>
    %max3A_877 = arith.maximumf %max3A_875, %max3A_876 : vector<512x512xf32>
    %slice3A_878 = vector.extract_strided_slice %slice3A_2 {offsets = [0, 4096], sizes = [1, 512], strides = [1, 1]} : vector<1x5120xf32> to vector<1x512xf32>
    %max3A_879 = vector.broadcast %slice3A_868 : vector<512x1xf32> to vector<512x512xf32>
    %max3A_880 = vector.broadcast %slice3A_878 : vector<1x512xf32> to vector<512x512xf32>
    %max3A_881 = arith.maximumf %max3A_879, %max3A_880 : vector<512x512xf32>
    %slice3A_882 = vector.extract_strided_slice %slice3A_3 {offsets = [0, 4096], sizes = [1, 512], strides = [1, 1]} : vector<1x5120xf32> to vector<1x512xf32>
    %min3A_883 = vector.broadcast %slice3A_869 : vector<512x1xf32> to vector<512x512xf32>
    %min3A_884 = vector.broadcast %slice3A_882 : vector<1x512xf32> to vector<512x512xf32>
    %min3A_885 = arith.minimumf %min3A_883, %min3A_884 : vector<512x512xf32>
    %slice3A_886 = vector.extract_strided_slice %slice3A_4 {offsets = [0, 4096], sizes = [1, 512], strides = [1, 1]} : vector<1x5120xf32> to vector<1x512xf32>
    %min3A_887 = vector.broadcast %slice3A_870 : vector<512x1xf32> to vector<512x512xf32>
    %min3A_888 = vector.broadcast %slice3A_886 : vector<1x512xf32> to vector<512x512xf32>
    %min3A_889 = arith.minimumf %min3A_887, %min3A_888 : vector<512x512xf32>
    %sub3A_890 = arith.subf %min3A_885, %max3A_877 : vector<512x512xf32>
    %max3A_891 = arith.constant 0.000000e+00 : f32
    %max3A_892 = vector.broadcast %max3A_891 : f32 to vector<512x512xf32>
    %max3A_893 = arith.maximumf %sub3A_890, %max3A_892 : vector<512x512xf32>
    %sub3A_894 = arith.subf %min3A_889, %max3A_881 : vector<512x512xf32>
    %max3A_895 = arith.constant 0.000000e+00 : f32
    %max3A_896 = vector.broadcast %max3A_895 : f32 to vector<512x512xf32>
    %max3A_897 = arith.maximumf %sub3A_894, %max3A_896 : vector<512x512xf32>
    %mul3A_898 = arith.mulf %max3A_893, %max3A_897 : vector<512x512xf32>
    %slice3A_899 = vector.extract_strided_slice %mul3A {offsets = [0, 4096], sizes = [1, 512], strides = [1, 1]} : vector<1x5120xf32> to vector<1x512xf32>
    %add3A_900 = vector.broadcast %mul3A_873 : vector<512x1xf32> to vector<512x512xf32>
    %add3A_901 = vector.broadcast %slice3A_899 : vector<1x512xf32> to vector<512x512xf32>
    %add3A_902 = arith.addf %add3A_900, %add3A_901 : vector<512x512xf32>
    %sub3A_903 = arith.subf %add3A_902, %mul3A_898 : vector<512x512xf32>
    %max3A_904 = arith.constant 9.99999993E-9 : f32
    %max3A_905 = vector.broadcast %max3A_904 : f32 to vector<512x512xf32>
    %max3A_906 = arith.maximumf %sub3A_903, %max3A_905 : vector<512x512xf32>
    %div3A_907 = arith.divf %mul3A_898, %max3A_906 : vector<512x512xf32>
    %gt3A_908 = arith.constant 3.000000e-01 : f32
    %gt3A_909 = vector.broadcast %gt3A_908 : f32 to vector<512x512xf32>
    %gt3A_910 = arith.cmpf ogt, %div3A_907, %gt3A_909 : vector<512x512xf32>
    %and3A_911 = arith.andi %gt3A_910, %lt3A_9 : vector<512x512xi1>
    %convert_element_type3A_912 = arith.extui %and3A_911 : vector<512x512xi1> to vector<512x512xi32>
    %convert_element_type3A_913 = arith.sitofp %convert_element_type3A_912 : vector<512x512xi32> to vector<512x512xf32>
    %while3A_914 = arith.constant true
    %while3A_915:2 = scf.while (%while3A_1187 = %mul3A_864, %while3A_1188 = %while3A_914) : (vector<1x512xf32>, i1) -> (vector<1x512xf32>, i1) {
      scf.condition(%while3A_1188) %while3A_1187, %while3A_1188 : vector<1x512xf32>, i1
    } do {
    ^bb0(%while3A_1187: vector<1x512xf32>, %while3A_1188: i1):
      %dot_general3A_1189 = arith.constant dense<0.000000e+00> : vector<1x512xf32>
      %dot_general3A_1190 = tpu.matmul %while3A_1187, %convert_element_type3A_913, %dot_general3A_1189 {dimension_numbers = #tpu.dot_dimension_numbers<[1], [0], [0], [1], [0, 0, 1, 1], [], []>, transpose_lhs_hint = false} : vector<1x512xf32>, vector<512x512xf32>, vector<1x512xf32> -> vector<1x512xf32>
      %eq3A_1191 = arith.constant 0.000000e+00 : f32
      %eq3A_1192 = vector.broadcast %eq3A_1191 : f32 to vector<1x512xf32>
      %eq3A_1193 = arith.cmpf oeq, %dot_general3A_1190, %eq3A_1192 : vector<1x512xf32>
      %convert_element_type3A_1194 = arith.extui %eq3A_1193 : vector<1x512xi1> to vector<1x512xi32>
      %convert_element_type3A_1195 = arith.sitofp %convert_element_type3A_1194 : vector<1x512xi32> to vector<1x512xf32>
      %mul3A_1196 = arith.mulf %mul3A_864, %convert_element_type3A_1195 : vector<1x512xf32>
      %dot_general3A_1197 = arith.constant dense<0.000000e+00> : vector<1x512xf32>
      %dot_general3A_1198 = tpu.matmul %mul3A_1196, %convert_element_type3A_913, %dot_general3A_1197 {dimension_numbers = #tpu.dot_dimension_numbers<[1], [0], [0], [1], [0, 0, 1, 1], [], []>, transpose_lhs_hint = false} : vector<1x512xf32>, vector<512x512xf32>, vector<1x512xf32> -> vector<1x512xf32>
      %eq3A_1199 = arith.constant 0.000000e+00 : f32
      %eq3A_1200 = vector.broadcast %eq3A_1199 : f32 to vector<1x512xf32>
      %eq3A_1201 = arith.cmpf oeq, %dot_general3A_1198, %eq3A_1200 : vector<1x512xf32>
      %convert_element_type3A_1202 = arith.extui %eq3A_1201 : vector<1x512xi1> to vector<1x512xi32>
      %convert_element_type3A_1203 = arith.sitofp %convert_element_type3A_1202 : vector<1x512xi32> to vector<1x512xf32>
      %mul3A_1204 = arith.mulf %mul3A_864, %convert_element_type3A_1203 : vector<1x512xf32>
      %ne3A = arith.cmpf one, %mul3A_1204, %mul3A_1196 : vector<1x512xf32>
      %reduce_or3A = arith.constant 1.000000e+00 : f32
      %reduce_or3A_1205 = arith.constant 0.000000e+00 : f32
      %reduce_or3A_1206 = vector.broadcast %reduce_or3A : f32 to vector<1x512xf32>
      %reduce_or3A_1207 = vector.broadcast %reduce_or3A_1205 : f32 to vector<1x512xf32>
      %reduce_or3A_1208 = arith.select %ne3A, %reduce_or3A_1206, %reduce_or3A_1207 : vector<1x512xi1>, vector<1x512xf32>
      %reduce_or3A_1209 = vector.shape_cast %reduce_or3A_1208 : vector<1x512xf32> to vector<1x1x512xf32>
      %reduce_or3A_1210 = arith.constant dense<0xFF800000> : vector<1xf32>
      %reduce_or3A_1211 = vector.multi_reduction <maximumf>, %reduce_or3A_1209, %reduce_or3A_1210 [1, 2] : vector<1x1x512xf32> to vector<1xf32>
      %reduce_or3A_1212 = vector.shape_cast %reduce_or3A_1211 : vector<1xf32> to vector<1x1x1xf32>
      %reduce_or3A_1213 = vector.extract %reduce_or3A_1212[0, 0, 0] : f32 from vector<1x1x1xf32>
      %reduce_or3A_1214 = arith.constant 0.000000e+00 : f32
      %reduce_or3A_1215 = arith.cmpf ogt, %reduce_or3A_1213, %reduce_or3A_1214 : f32
      scf.yield %mul3A_1204, %reduce_or3A_1215 : vector<1x512xf32>, i1
    }
    %slice3A_916 = vector.extract_strided_slice %slice3A {offsets = [0, 4608], sizes = [1, 512], strides = [1, 1]} : vector<1x5120xf32> to vector<1x512xf32>
    %max3A_917 = vector.broadcast %slice3A_867 : vector<512x1xf32> to vector<512x512xf32>
    %max3A_918 = vector.broadcast %slice3A_916 : vector<1x512xf32> to vector<512x512xf32>
    %max3A_919 = arith.maximumf %max3A_917, %max3A_918 : vector<512x512xf32>
    %slice3A_920 = vector.extract_strided_slice %slice3A_2 {offsets = [0, 4608], sizes = [1, 512], strides = [1, 1]} : vector<1x5120xf32> to vector<1x512xf32>
    %max3A_921 = vector.broadcast %slice3A_868 : vector<512x1xf32> to vector<512x512xf32>
    %max3A_922 = vector.broadcast %slice3A_920 : vector<1x512xf32> to vector<512x512xf32>
    %max3A_923 = arith.maximumf %max3A_921, %max3A_922 : vector<512x512xf32>
    %slice3A_924 = vector.extract_strided_slice %slice3A_3 {offsets = [0, 4608], sizes = [1, 512], strides = [1, 1]} : vector<1x5120xf32> to vector<1x512xf32>
    %min3A_925 = vector.broadcast %slice3A_869 : vector<512x1xf32> to vector<512x512xf32>
    %min3A_926 = vector.broadcast %slice3A_924 : vector<1x512xf32> to vector<512x512xf32>
    %min3A_927 = arith.minimumf %min3A_925, %min3A_926 : vector<512x512xf32>
    %slice3A_928 = vector.extract_strided_slice %slice3A_4 {offsets = [0, 4608], sizes = [1, 512], strides = [1, 1]} : vector<1x5120xf32> to vector<1x512xf32>
    %min3A_929 = vector.broadcast %slice3A_870 : vector<512x1xf32> to vector<512x512xf32>
    %min3A_930 = vector.broadcast %slice3A_928 : vector<1x512xf32> to vector<512x512xf32>
    %min3A_931 = arith.minimumf %min3A_929, %min3A_930 : vector<512x512xf32>
    %sub3A_932 = arith.subf %min3A_927, %max3A_919 : vector<512x512xf32>
    %max3A_933 = arith.constant 0.000000e+00 : f32
    %max3A_934 = vector.broadcast %max3A_933 : f32 to vector<512x512xf32>
    %max3A_935 = arith.maximumf %sub3A_932, %max3A_934 : vector<512x512xf32>
    %sub3A_936 = arith.subf %min3A_931, %max3A_923 : vector<512x512xf32>
    %max3A_937 = arith.constant 0.000000e+00 : f32
    %max3A_938 = vector.broadcast %max3A_937 : f32 to vector<512x512xf32>
    %max3A_939 = arith.maximumf %sub3A_936, %max3A_938 : vector<512x512xf32>
    %mul3A_940 = arith.mulf %max3A_935, %max3A_939 : vector<512x512xf32>
    %slice3A_941 = vector.extract_strided_slice %mul3A {offsets = [0, 4608], sizes = [1, 512], strides = [1, 1]} : vector<1x5120xf32> to vector<1x512xf32>
    %add3A_942 = vector.broadcast %mul3A_873 : vector<512x1xf32> to vector<512x512xf32>
    %add3A_943 = vector.broadcast %slice3A_941 : vector<1x512xf32> to vector<512x512xf32>
    %add3A_944 = arith.addf %add3A_942, %add3A_943 : vector<512x512xf32>
    %sub3A_945 = arith.subf %add3A_944, %mul3A_940 : vector<512x512xf32>
    %max3A_946 = arith.constant 9.99999993E-9 : f32
    %max3A_947 = vector.broadcast %max3A_946 : f32 to vector<512x512xf32>
    %max3A_948 = arith.maximumf %sub3A_945, %max3A_947 : vector<512x512xf32>
    %div3A_949 = arith.divf %mul3A_940, %max3A_948 : vector<512x512xf32>
    %gt3A_950 = arith.constant 3.000000e-01 : f32
    %gt3A_951 = vector.broadcast %gt3A_950 : f32 to vector<512x512xf32>
    %gt3A_952 = arith.cmpf ogt, %div3A_949, %gt3A_951 : vector<512x512xf32>
    %convert_element_type3A_953 = arith.extui %gt3A_952 : vector<512x512xi1> to vector<512x512xi32>
    %convert_element_type3A_954 = arith.sitofp %convert_element_type3A_953 : vector<512x512xi32> to vector<512x512xf32>
    %dot_general3A_955 = arith.constant dense<0.000000e+00> : vector<1x512xf32>
    %dot_general3A_956 = tpu.matmul %while3A_915#0, %convert_element_type3A_954, %dot_general3A_955 {dimension_numbers = #tpu.dot_dimension_numbers<[1], [0], [0], [1], [0, 0, 1, 1], [], []>, transpose_lhs_hint = false} : vector<1x512xf32>, vector<512x512xf32>, vector<1x512xf32> -> vector<1x512xf32>
    %eq3A_957 = arith.constant 0.000000e+00 : f32
    %eq3A_958 = vector.broadcast %eq3A_957 : f32 to vector<1x512xf32>
    %eq3A_959 = arith.cmpf oeq, %dot_general3A_956, %eq3A_958 : vector<1x512xf32>
    %convert_element_type3A_960 = arith.extui %eq3A_959 : vector<1x512xi1> to vector<1x512xi32>
    %convert_element_type3A_961 = arith.sitofp %convert_element_type3A_960 : vector<1x512xi32> to vector<1x512xf32>
    %mul3A_962 = arith.mulf %mul3A_866, %convert_element_type3A_961 : vector<1x512xf32>
    %slice3A_963 = vector.extract_strided_slice %get3A_1 {offsets = [4608, 0], sizes = [512, 1], strides = [1, 1]} : vector<5120x8xf32> to vector<512x1xf32>
    %slice3A_964 = vector.extract_strided_slice %get3A_1 {offsets = [4608, 1], sizes = [512, 1], strides = [1, 1]} : vector<5120x8xf32> to vector<512x1xf32>
    %slice3A_965 = vector.extract_strided_slice %get3A_1 {offsets = [4608, 2], sizes = [512, 1], strides = [1, 1]} : vector<5120x8xf32> to vector<512x1xf32>
    %slice3A_966 = vector.extract_strided_slice %get3A_1 {offsets = [4608, 3], sizes = [512, 1], strides = [1, 1]} : vector<5120x8xf32> to vector<512x1xf32>
    %sub3A_967 = arith.subf %slice3A_965, %slice3A_963 : vector<512x1xf32>
    %sub3A_968 = arith.subf %slice3A_966, %slice3A_964 : vector<512x1xf32>
    %mul3A_969 = arith.mulf %sub3A_967, %sub3A_968 : vector<512x1xf32>
    %slice3A_970 = vector.extract_strided_slice %slice3A {offsets = [0, 4608], sizes = [1, 512], strides = [1, 1]} : vector<1x5120xf32> to vector<1x512xf32>
    %max3A_971 = vector.broadcast %slice3A_963 : vector<512x1xf32> to vector<512x512xf32>
    %max3A_972 = vector.broadcast %slice3A_970 : vector<1x512xf32> to vector<512x512xf32>
    %max3A_973 = arith.maximumf %max3A_971, %max3A_972 : vector<512x512xf32>
    %slice3A_974 = vector.extract_strided_slice %slice3A_2 {offsets = [0, 4608], sizes = [1, 512], strides = [1, 1]} : vector<1x5120xf32> to vector<1x512xf32>
    %max3A_975 = vector.broadcast %slice3A_964 : vector<512x1xf32> to vector<512x512xf32>
    %max3A_976 = vector.broadcast %slice3A_974 : vector<1x512xf32> to vector<512x512xf32>
    %max3A_977 = arith.maximumf %max3A_975, %max3A_976 : vector<512x512xf32>
    %slice3A_978 = vector.extract_strided_slice %slice3A_3 {offsets = [0, 4608], sizes = [1, 512], strides = [1, 1]} : vector<1x5120xf32> to vector<1x512xf32>
    %min3A_979 = vector.broadcast %slice3A_965 : vector<512x1xf32> to vector<512x512xf32>
    %min3A_980 = vector.broadcast %slice3A_978 : vector<1x512xf32> to vector<512x512xf32>
    %min3A_981 = arith.minimumf %min3A_979, %min3A_980 : vector<512x512xf32>
    %slice3A_982 = vector.extract_strided_slice %slice3A_4 {offsets = [0, 4608], sizes = [1, 512], strides = [1, 1]} : vector<1x5120xf32> to vector<1x512xf32>
    %min3A_983 = vector.broadcast %slice3A_966 : vector<512x1xf32> to vector<512x512xf32>
    %min3A_984 = vector.broadcast %slice3A_982 : vector<1x512xf32> to vector<512x512xf32>
    %min3A_985 = arith.minimumf %min3A_983, %min3A_984 : vector<512x512xf32>
    %sub3A_986 = arith.subf %min3A_981, %max3A_973 : vector<512x512xf32>
    %max3A_987 = arith.constant 0.000000e+00 : f32
    %max3A_988 = vector.broadcast %max3A_987 : f32 to vector<512x512xf32>
    %max3A_989 = arith.maximumf %sub3A_986, %max3A_988 : vector<512x512xf32>
    %sub3A_990 = arith.subf %min3A_985, %max3A_977 : vector<512x512xf32>
    %max3A_991 = arith.constant 0.000000e+00 : f32
    %max3A_992 = vector.broadcast %max3A_991 : f32 to vector<512x512xf32>
    %max3A_993 = arith.maximumf %sub3A_990, %max3A_992 : vector<512x512xf32>
    %mul3A_994 = arith.mulf %max3A_989, %max3A_993 : vector<512x512xf32>
    %slice3A_995 = vector.extract_strided_slice %mul3A {offsets = [0, 4608], sizes = [1, 512], strides = [1, 1]} : vector<1x5120xf32> to vector<1x512xf32>
    %add3A_996 = vector.broadcast %mul3A_969 : vector<512x1xf32> to vector<512x512xf32>
    %add3A_997 = vector.broadcast %slice3A_995 : vector<1x512xf32> to vector<512x512xf32>
    %add3A_998 = arith.addf %add3A_996, %add3A_997 : vector<512x512xf32>
    %sub3A_999 = arith.subf %add3A_998, %mul3A_994 : vector<512x512xf32>
    %max3A_1000 = arith.constant 9.99999993E-9 : f32
    %max3A_1001 = vector.broadcast %max3A_1000 : f32 to vector<512x512xf32>
    %max3A_1002 = arith.maximumf %sub3A_999, %max3A_1001 : vector<512x512xf32>
    %div3A_1003 = arith.divf %mul3A_994, %max3A_1002 : vector<512x512xf32>
    %gt3A_1004 = arith.constant 3.000000e-01 : f32
    %gt3A_1005 = vector.broadcast %gt3A_1004 : f32 to vector<512x512xf32>
    %gt3A_1006 = arith.cmpf ogt, %div3A_1003, %gt3A_1005 : vector<512x512xf32>
    %and3A_1007 = arith.andi %gt3A_1006, %lt3A_9 : vector<512x512xi1>
    %convert_element_type3A_1008 = arith.extui %and3A_1007 : vector<512x512xi1> to vector<512x512xi32>
    %convert_element_type3A_1009 = arith.sitofp %convert_element_type3A_1008 : vector<512x512xi32> to vector<512x512xf32>
    %while3A_1010 = arith.constant true
    %while3A_1011:2 = scf.while (%while3A_1187 = %mul3A_962, %while3A_1188 = %while3A_1010) : (vector<1x512xf32>, i1) -> (vector<1x512xf32>, i1) {
      scf.condition(%while3A_1188) %while3A_1187, %while3A_1188 : vector<1x512xf32>, i1
    } do {
    ^bb0(%while3A_1187: vector<1x512xf32>, %while3A_1188: i1):
      %dot_general3A_1189 = arith.constant dense<0.000000e+00> : vector<1x512xf32>
      %dot_general3A_1190 = tpu.matmul %while3A_1187, %convert_element_type3A_1009, %dot_general3A_1189 {dimension_numbers = #tpu.dot_dimension_numbers<[1], [0], [0], [1], [0, 0, 1, 1], [], []>, transpose_lhs_hint = false} : vector<1x512xf32>, vector<512x512xf32>, vector<1x512xf32> -> vector<1x512xf32>
      %eq3A_1191 = arith.constant 0.000000e+00 : f32
      %eq3A_1192 = vector.broadcast %eq3A_1191 : f32 to vector<1x512xf32>
      %eq3A_1193 = arith.cmpf oeq, %dot_general3A_1190, %eq3A_1192 : vector<1x512xf32>
      %convert_element_type3A_1194 = arith.extui %eq3A_1193 : vector<1x512xi1> to vector<1x512xi32>
      %convert_element_type3A_1195 = arith.sitofp %convert_element_type3A_1194 : vector<1x512xi32> to vector<1x512xf32>
      %mul3A_1196 = arith.mulf %mul3A_962, %convert_element_type3A_1195 : vector<1x512xf32>
      %dot_general3A_1197 = arith.constant dense<0.000000e+00> : vector<1x512xf32>
      %dot_general3A_1198 = tpu.matmul %mul3A_1196, %convert_element_type3A_1009, %dot_general3A_1197 {dimension_numbers = #tpu.dot_dimension_numbers<[1], [0], [0], [1], [0, 0, 1, 1], [], []>, transpose_lhs_hint = false} : vector<1x512xf32>, vector<512x512xf32>, vector<1x512xf32> -> vector<1x512xf32>
      %eq3A_1199 = arith.constant 0.000000e+00 : f32
      %eq3A_1200 = vector.broadcast %eq3A_1199 : f32 to vector<1x512xf32>
      %eq3A_1201 = arith.cmpf oeq, %dot_general3A_1198, %eq3A_1200 : vector<1x512xf32>
      %convert_element_type3A_1202 = arith.extui %eq3A_1201 : vector<1x512xi1> to vector<1x512xi32>
      %convert_element_type3A_1203 = arith.sitofp %convert_element_type3A_1202 : vector<1x512xi32> to vector<1x512xf32>
      %mul3A_1204 = arith.mulf %mul3A_962, %convert_element_type3A_1203 : vector<1x512xf32>
      %ne3A = arith.cmpf one, %mul3A_1204, %mul3A_1196 : vector<1x512xf32>
      %reduce_or3A = arith.constant 1.000000e+00 : f32
      %reduce_or3A_1205 = arith.constant 0.000000e+00 : f32
      %reduce_or3A_1206 = vector.broadcast %reduce_or3A : f32 to vector<1x512xf32>
      %reduce_or3A_1207 = vector.broadcast %reduce_or3A_1205 : f32 to vector<1x512xf32>
      %reduce_or3A_1208 = arith.select %ne3A, %reduce_or3A_1206, %reduce_or3A_1207 : vector<1x512xi1>, vector<1x512xf32>
      %reduce_or3A_1209 = vector.shape_cast %reduce_or3A_1208 : vector<1x512xf32> to vector<1x1x512xf32>
      %reduce_or3A_1210 = arith.constant dense<0xFF800000> : vector<1xf32>
      %reduce_or3A_1211 = vector.multi_reduction <maximumf>, %reduce_or3A_1209, %reduce_or3A_1210 [1, 2] : vector<1x1x512xf32> to vector<1xf32>
      %reduce_or3A_1212 = vector.shape_cast %reduce_or3A_1211 : vector<1xf32> to vector<1x1x1xf32>
      %reduce_or3A_1213 = vector.extract %reduce_or3A_1212[0, 0, 0] : f32 from vector<1x1x1xf32>
      %reduce_or3A_1214 = arith.constant 0.000000e+00 : f32
      %reduce_or3A_1215 = arith.cmpf ogt, %reduce_or3A_1213, %reduce_or3A_1214 : f32
      scf.yield %mul3A_1204, %reduce_or3A_1215 : vector<1x512xf32>, i1
    }
    %concatenate3A = tpu.concatenate %while3A_69#0, %while3A_180#0, %while3A_291#0, %while3A_400#0, %while3A_507#0, %while3A_612#0, %while3A_715#0, %while3A_816#0, %while3A_915#0, %while3A_1011#0 in 1 : vector<1x512xf32>, vector<1x512xf32>, vector<1x512xf32>, vector<1x512xf32>, vector<1x512xf32>, vector<1x512xf32>, vector<1x512xf32>, vector<1x512xf32>, vector<1x512xf32>, vector<1x512xf32> -> vector<1x5120xf32>
    %convert_element_type3A_1012 = arith.sitofp %iota3A : vector<1x5120xi32> to vector<1x5120xf32>
    %lt3A_1013 = arith.constant 5.000000e+03 : f32
    %lt3A_1014 = vector.broadcast %lt3A_1013 : f32 to vector<1x5120xf32>
    %lt3A_1015 = arith.cmpf olt, %convert_element_type3A_1012, %lt3A_1014 : vector<1x5120xf32>
    %convert_element_type3A_1016 = arith.extui %lt3A_1015 : vector<1x5120xi1> to vector<1x5120xi32>
    %convert_element_type3A_1017 = arith.sitofp %convert_element_type3A_1016 : vector<1x5120xi32> to vector<1x5120xf32>
    %mul3A_1018 = arith.mulf %concatenate3A, %convert_element_type3A_1017 : vector<1x5120xf32>
    %iota3A_1019 = tpu.iota {dimensions = array<i32: 0>} : vector<512x1xi32>
    %iota3A_1020 = tpu.iota {dimensions = array<i32: 1>} : vector<1x512xi32>
    %lt3A_1021 = vector.broadcast %iota3A_1019 : vector<512x1xi32> to vector<512x512xi32>
    %lt3A_1022 = vector.broadcast %iota3A_1020 : vector<1x512xi32> to vector<512x512xi32>
    %lt3A_1023 = arith.cmpi slt, %lt3A_1021, %lt3A_1022 : vector<512x512xi32>
    %convert_element_type3A_1024 = arith.extui %lt3A_1023 : vector<512x512xi1> to vector<512x512xi32>
    %convert_element_type3A_1025 = arith.sitofp %convert_element_type3A_1024 : vector<512x512xi32> to vector<512x512xf32>
    %broadcast_in_dim3A_1026 = arith.constant 0.000000e+00 : f32
    %broadcast_in_dim3A_1027 = vector.broadcast %broadcast_in_dim3A_1026 : f32 to vector<1x1xf32>
    %slice3A_1028 = vector.extract_strided_slice %mul3A_1018 {offsets = [0, 0], sizes = [1, 512], strides = [1, 1]} : vector<1x5120xf32> to vector<1x512xf32>
    %dot_general3A_1029 = arith.constant dense<0.000000e+00> : vector<1x512xf32>
    %dot_general3A_1030 = tpu.matmul %slice3A_1028, %convert_element_type3A_1025, %dot_general3A_1029 {dimension_numbers = #tpu.dot_dimension_numbers<[1], [0], [0], [1], [0, 0, 1, 1], [], []>, transpose_lhs_hint = false} : vector<1x512xf32>, vector<512x512xf32>, vector<1x512xf32> -> vector<1x512xf32>
    %add3A_1031 = vector.broadcast %broadcast_in_dim3A_1027 : vector<1x1xf32> to vector<1x512xf32>
    %add3A_1032 = arith.addf %dot_general3A_1030, %add3A_1031 : vector<1x512xf32>
    %reduce_sum3A = vector.shape_cast %slice3A_1028 : vector<1x512xf32> to vector<1x1x512xf32>
    %reduce_sum3A_1033 = arith.constant dense<0.000000e+00> : vector<1xf32>
    %reduce_sum3A_1034 = vector.multi_reduction <add>, %reduce_sum3A, %reduce_sum3A_1033 [1, 2] : vector<1x1x512xf32> to vector<1xf32>
    %reduce_sum3A_1035 = vector.shape_cast %reduce_sum3A_1034 : vector<1xf32> to vector<1x1x1xf32>
    %reduce_sum3A_1036 = vector.extract %reduce_sum3A_1035[0, 0, 0] : f32 from vector<1x1x1xf32>
    %broadcast_in_dim3A_1037 = vector.broadcast %reduce_sum3A_1036 : f32 to vector<1x1xf32>
    %add3A_1038 = arith.addf %broadcast_in_dim3A_1027, %broadcast_in_dim3A_1037 : vector<1x1xf32>
    %slice3A_1039 = vector.extract_strided_slice %mul3A_1018 {offsets = [0, 512], sizes = [1, 512], strides = [1, 1]} : vector<1x5120xf32> to vector<1x512xf32>
    %dot_general3A_1040 = arith.constant dense<0.000000e+00> : vector<1x512xf32>
    %dot_general3A_1041 = tpu.matmul %slice3A_1039, %convert_element_type3A_1025, %dot_general3A_1040 {dimension_numbers = #tpu.dot_dimension_numbers<[1], [0], [0], [1], [0, 0, 1, 1], [], []>, transpose_lhs_hint = false} : vector<1x512xf32>, vector<512x512xf32>, vector<1x512xf32> -> vector<1x512xf32>
    %add3A_1042 = vector.broadcast %add3A_1038 : vector<1x1xf32> to vector<1x512xf32>
    %add3A_1043 = arith.addf %dot_general3A_1041, %add3A_1042 : vector<1x512xf32>
    %reduce_sum3A_1044 = vector.shape_cast %slice3A_1039 : vector<1x512xf32> to vector<1x1x512xf32>
    %reduce_sum3A_1045 = arith.constant dense<0.000000e+00> : vector<1xf32>
    %reduce_sum3A_1046 = vector.multi_reduction <add>, %reduce_sum3A_1044, %reduce_sum3A_1045 [1, 2] : vector<1x1x512xf32> to vector<1xf32>
    %reduce_sum3A_1047 = vector.shape_cast %reduce_sum3A_1046 : vector<1xf32> to vector<1x1x1xf32>
    %reduce_sum3A_1048 = vector.extract %reduce_sum3A_1047[0, 0, 0] : f32 from vector<1x1x1xf32>
    %broadcast_in_dim3A_1049 = vector.broadcast %reduce_sum3A_1048 : f32 to vector<1x1xf32>
    %add3A_1050 = arith.addf %add3A_1038, %broadcast_in_dim3A_1049 : vector<1x1xf32>
    %slice3A_1051 = vector.extract_strided_slice %mul3A_1018 {offsets = [0, 1024], sizes = [1, 512], strides = [1, 1]} : vector<1x5120xf32> to vector<1x512xf32>
    %dot_general3A_1052 = arith.constant dense<0.000000e+00> : vector<1x512xf32>
    %dot_general3A_1053 = tpu.matmul %slice3A_1051, %convert_element_type3A_1025, %dot_general3A_1052 {dimension_numbers = #tpu.dot_dimension_numbers<[1], [0], [0], [1], [0, 0, 1, 1], [], []>, transpose_lhs_hint = false} : vector<1x512xf32>, vector<512x512xf32>, vector<1x512xf32> -> vector<1x512xf32>
    %add3A_1054 = vector.broadcast %add3A_1050 : vector<1x1xf32> to vector<1x512xf32>
    %add3A_1055 = arith.addf %dot_general3A_1053, %add3A_1054 : vector<1x512xf32>
    %reduce_sum3A_1056 = vector.shape_cast %slice3A_1051 : vector<1x512xf32> to vector<1x1x512xf32>
    %reduce_sum3A_1057 = arith.constant dense<0.000000e+00> : vector<1xf32>
    %reduce_sum3A_1058 = vector.multi_reduction <add>, %reduce_sum3A_1056, %reduce_sum3A_1057 [1, 2] : vector<1x1x512xf32> to vector<1xf32>
    %reduce_sum3A_1059 = vector.shape_cast %reduce_sum3A_1058 : vector<1xf32> to vector<1x1x1xf32>
    %reduce_sum3A_1060 = vector.extract %reduce_sum3A_1059[0, 0, 0] : f32 from vector<1x1x1xf32>
    %broadcast_in_dim3A_1061 = vector.broadcast %reduce_sum3A_1060 : f32 to vector<1x1xf32>
    %add3A_1062 = arith.addf %add3A_1050, %broadcast_in_dim3A_1061 : vector<1x1xf32>
    %slice3A_1063 = vector.extract_strided_slice %mul3A_1018 {offsets = [0, 1536], sizes = [1, 512], strides = [1, 1]} : vector<1x5120xf32> to vector<1x512xf32>
    %dot_general3A_1064 = arith.constant dense<0.000000e+00> : vector<1x512xf32>
    %dot_general3A_1065 = tpu.matmul %slice3A_1063, %convert_element_type3A_1025, %dot_general3A_1064 {dimension_numbers = #tpu.dot_dimension_numbers<[1], [0], [0], [1], [0, 0, 1, 1], [], []>, transpose_lhs_hint = false} : vector<1x512xf32>, vector<512x512xf32>, vector<1x512xf32> -> vector<1x512xf32>
    %add3A_1066 = vector.broadcast %add3A_1062 : vector<1x1xf32> to vector<1x512xf32>
    %add3A_1067 = arith.addf %dot_general3A_1065, %add3A_1066 : vector<1x512xf32>
    %reduce_sum3A_1068 = vector.shape_cast %slice3A_1063 : vector<1x512xf32> to vector<1x1x512xf32>
    %reduce_sum3A_1069 = arith.constant dense<0.000000e+00> : vector<1xf32>
    %reduce_sum3A_1070 = vector.multi_reduction <add>, %reduce_sum3A_1068, %reduce_sum3A_1069 [1, 2] : vector<1x1x512xf32> to vector<1xf32>
    %reduce_sum3A_1071 = vector.shape_cast %reduce_sum3A_1070 : vector<1xf32> to vector<1x1x1xf32>
    %reduce_sum3A_1072 = vector.extract %reduce_sum3A_1071[0, 0, 0] : f32 from vector<1x1x1xf32>
    %broadcast_in_dim3A_1073 = vector.broadcast %reduce_sum3A_1072 : f32 to vector<1x1xf32>
    %add3A_1074 = arith.addf %add3A_1062, %broadcast_in_dim3A_1073 : vector<1x1xf32>
    %slice3A_1075 = vector.extract_strided_slice %mul3A_1018 {offsets = [0, 2048], sizes = [1, 512], strides = [1, 1]} : vector<1x5120xf32> to vector<1x512xf32>
    %dot_general3A_1076 = arith.constant dense<0.000000e+00> : vector<1x512xf32>
    %dot_general3A_1077 = tpu.matmul %slice3A_1075, %convert_element_type3A_1025, %dot_general3A_1076 {dimension_numbers = #tpu.dot_dimension_numbers<[1], [0], [0], [1], [0, 0, 1, 1], [], []>, transpose_lhs_hint = false} : vector<1x512xf32>, vector<512x512xf32>, vector<1x512xf32> -> vector<1x512xf32>
    %add3A_1078 = vector.broadcast %add3A_1074 : vector<1x1xf32> to vector<1x512xf32>
    %add3A_1079 = arith.addf %dot_general3A_1077, %add3A_1078 : vector<1x512xf32>
    %reduce_sum3A_1080 = vector.shape_cast %slice3A_1075 : vector<1x512xf32> to vector<1x1x512xf32>
    %reduce_sum3A_1081 = arith.constant dense<0.000000e+00> : vector<1xf32>
    %reduce_sum3A_1082 = vector.multi_reduction <add>, %reduce_sum3A_1080, %reduce_sum3A_1081 [1, 2] : vector<1x1x512xf32> to vector<1xf32>
    %reduce_sum3A_1083 = vector.shape_cast %reduce_sum3A_1082 : vector<1xf32> to vector<1x1x1xf32>
    %reduce_sum3A_1084 = vector.extract %reduce_sum3A_1083[0, 0, 0] : f32 from vector<1x1x1xf32>
    %broadcast_in_dim3A_1085 = vector.broadcast %reduce_sum3A_1084 : f32 to vector<1x1xf32>
    %add3A_1086 = arith.addf %add3A_1074, %broadcast_in_dim3A_1085 : vector<1x1xf32>
    %slice3A_1087 = vector.extract_strided_slice %mul3A_1018 {offsets = [0, 2560], sizes = [1, 512], strides = [1, 1]} : vector<1x5120xf32> to vector<1x512xf32>
    %dot_general3A_1088 = arith.constant dense<0.000000e+00> : vector<1x512xf32>
    %dot_general3A_1089 = tpu.matmul %slice3A_1087, %convert_element_type3A_1025, %dot_general3A_1088 {dimension_numbers = #tpu.dot_dimension_numbers<[1], [0], [0], [1], [0, 0, 1, 1], [], []>, transpose_lhs_hint = false} : vector<1x512xf32>, vector<512x512xf32>, vector<1x512xf32> -> vector<1x512xf32>
    %add3A_1090 = vector.broadcast %add3A_1086 : vector<1x1xf32> to vector<1x512xf32>
    %add3A_1091 = arith.addf %dot_general3A_1089, %add3A_1090 : vector<1x512xf32>
    %reduce_sum3A_1092 = vector.shape_cast %slice3A_1087 : vector<1x512xf32> to vector<1x1x512xf32>
    %reduce_sum3A_1093 = arith.constant dense<0.000000e+00> : vector<1xf32>
    %reduce_sum3A_1094 = vector.multi_reduction <add>, %reduce_sum3A_1092, %reduce_sum3A_1093 [1, 2] : vector<1x1x512xf32> to vector<1xf32>
    %reduce_sum3A_1095 = vector.shape_cast %reduce_sum3A_1094 : vector<1xf32> to vector<1x1x1xf32>
    %reduce_sum3A_1096 = vector.extract %reduce_sum3A_1095[0, 0, 0] : f32 from vector<1x1x1xf32>
    %broadcast_in_dim3A_1097 = vector.broadcast %reduce_sum3A_1096 : f32 to vector<1x1xf32>
    %add3A_1098 = arith.addf %add3A_1086, %broadcast_in_dim3A_1097 : vector<1x1xf32>
    %slice3A_1099 = vector.extract_strided_slice %mul3A_1018 {offsets = [0, 3072], sizes = [1, 512], strides = [1, 1]} : vector<1x5120xf32> to vector<1x512xf32>
    %dot_general3A_1100 = arith.constant dense<0.000000e+00> : vector<1x512xf32>
    %dot_general3A_1101 = tpu.matmul %slice3A_1099, %convert_element_type3A_1025, %dot_general3A_1100 {dimension_numbers = #tpu.dot_dimension_numbers<[1], [0], [0], [1], [0, 0, 1, 1], [], []>, transpose_lhs_hint = false} : vector<1x512xf32>, vector<512x512xf32>, vector<1x512xf32> -> vector<1x512xf32>
    %add3A_1102 = vector.broadcast %add3A_1098 : vector<1x1xf32> to vector<1x512xf32>
    %add3A_1103 = arith.addf %dot_general3A_1101, %add3A_1102 : vector<1x512xf32>
    %reduce_sum3A_1104 = vector.shape_cast %slice3A_1099 : vector<1x512xf32> to vector<1x1x512xf32>
    %reduce_sum3A_1105 = arith.constant dense<0.000000e+00> : vector<1xf32>
    %reduce_sum3A_1106 = vector.multi_reduction <add>, %reduce_sum3A_1104, %reduce_sum3A_1105 [1, 2] : vector<1x1x512xf32> to vector<1xf32>
    %reduce_sum3A_1107 = vector.shape_cast %reduce_sum3A_1106 : vector<1xf32> to vector<1x1x1xf32>
    %reduce_sum3A_1108 = vector.extract %reduce_sum3A_1107[0, 0, 0] : f32 from vector<1x1x1xf32>
    %broadcast_in_dim3A_1109 = vector.broadcast %reduce_sum3A_1108 : f32 to vector<1x1xf32>
    %add3A_1110 = arith.addf %add3A_1098, %broadcast_in_dim3A_1109 : vector<1x1xf32>
    %slice3A_1111 = vector.extract_strided_slice %mul3A_1018 {offsets = [0, 3584], sizes = [1, 512], strides = [1, 1]} : vector<1x5120xf32> to vector<1x512xf32>
    %dot_general3A_1112 = arith.constant dense<0.000000e+00> : vector<1x512xf32>
    %dot_general3A_1113 = tpu.matmul %slice3A_1111, %convert_element_type3A_1025, %dot_general3A_1112 {dimension_numbers = #tpu.dot_dimension_numbers<[1], [0], [0], [1], [0, 0, 1, 1], [], []>, transpose_lhs_hint = false} : vector<1x512xf32>, vector<512x512xf32>, vector<1x512xf32> -> vector<1x512xf32>
    %add3A_1114 = vector.broadcast %add3A_1110 : vector<1x1xf32> to vector<1x512xf32>
    %add3A_1115 = arith.addf %dot_general3A_1113, %add3A_1114 : vector<1x512xf32>
    %reduce_sum3A_1116 = vector.shape_cast %slice3A_1111 : vector<1x512xf32> to vector<1x1x512xf32>
    %reduce_sum3A_1117 = arith.constant dense<0.000000e+00> : vector<1xf32>
    %reduce_sum3A_1118 = vector.multi_reduction <add>, %reduce_sum3A_1116, %reduce_sum3A_1117 [1, 2] : vector<1x1x512xf32> to vector<1xf32>
    %reduce_sum3A_1119 = vector.shape_cast %reduce_sum3A_1118 : vector<1xf32> to vector<1x1x1xf32>
    %reduce_sum3A_1120 = vector.extract %reduce_sum3A_1119[0, 0, 0] : f32 from vector<1x1x1xf32>
    %broadcast_in_dim3A_1121 = vector.broadcast %reduce_sum3A_1120 : f32 to vector<1x1xf32>
    %add3A_1122 = arith.addf %add3A_1110, %broadcast_in_dim3A_1121 : vector<1x1xf32>
    %slice3A_1123 = vector.extract_strided_slice %mul3A_1018 {offsets = [0, 4096], sizes = [1, 512], strides = [1, 1]} : vector<1x5120xf32> to vector<1x512xf32>
    %dot_general3A_1124 = arith.constant dense<0.000000e+00> : vector<1x512xf32>
    %dot_general3A_1125 = tpu.matmul %slice3A_1123, %convert_element_type3A_1025, %dot_general3A_1124 {dimension_numbers = #tpu.dot_dimension_numbers<[1], [0], [0], [1], [0, 0, 1, 1], [], []>, transpose_lhs_hint = false} : vector<1x512xf32>, vector<512x512xf32>, vector<1x512xf32> -> vector<1x512xf32>
    %add3A_1126 = vector.broadcast %add3A_1122 : vector<1x1xf32> to vector<1x512xf32>
    %add3A_1127 = arith.addf %dot_general3A_1125, %add3A_1126 : vector<1x512xf32>
    %reduce_sum3A_1128 = vector.shape_cast %slice3A_1123 : vector<1x512xf32> to vector<1x1x512xf32>
    %reduce_sum3A_1129 = arith.constant dense<0.000000e+00> : vector<1xf32>
    %reduce_sum3A_1130 = vector.multi_reduction <add>, %reduce_sum3A_1128, %reduce_sum3A_1129 [1, 2] : vector<1x1x512xf32> to vector<1xf32>
    %reduce_sum3A_1131 = vector.shape_cast %reduce_sum3A_1130 : vector<1xf32> to vector<1x1x1xf32>
    %reduce_sum3A_1132 = vector.extract %reduce_sum3A_1131[0, 0, 0] : f32 from vector<1x1x1xf32>
    %broadcast_in_dim3A_1133 = vector.broadcast %reduce_sum3A_1132 : f32 to vector<1x1xf32>
    %add3A_1134 = arith.addf %add3A_1122, %broadcast_in_dim3A_1133 : vector<1x1xf32>
    %slice3A_1135 = vector.extract_strided_slice %mul3A_1018 {offsets = [0, 4608], sizes = [1, 512], strides = [1, 1]} : vector<1x5120xf32> to vector<1x512xf32>
    %dot_general3A_1136 = arith.constant dense<0.000000e+00> : vector<1x512xf32>
    %dot_general3A_1137 = tpu.matmul %slice3A_1135, %convert_element_type3A_1025, %dot_general3A_1136 {dimension_numbers = #tpu.dot_dimension_numbers<[1], [0], [0], [1], [0, 0, 1, 1], [], []>, transpose_lhs_hint = false} : vector<1x512xf32>, vector<512x512xf32>, vector<1x512xf32> -> vector<1x512xf32>
    %add3A_1138 = vector.broadcast %add3A_1134 : vector<1x1xf32> to vector<1x512xf32>
    %add3A_1139 = arith.addf %dot_general3A_1137, %add3A_1138 : vector<1x512xf32>
    %reduce_sum3A_1140 = vector.shape_cast %slice3A_1135 : vector<1x512xf32> to vector<1x1x512xf32>
    %reduce_sum3A_1141 = arith.constant dense<0.000000e+00> : vector<1xf32>
    %reduce_sum3A_1142 = vector.multi_reduction <add>, %reduce_sum3A_1140, %reduce_sum3A_1141 [1, 2] : vector<1x1x512xf32> to vector<1xf32>
    %reduce_sum3A_1143 = vector.shape_cast %reduce_sum3A_1142 : vector<1xf32> to vector<1x1x1xf32>
    %reduce_sum3A_1144 = vector.extract %reduce_sum3A_1143[0, 0, 0] : f32 from vector<1x1x1xf32>
    %broadcast_in_dim3A_1145 = vector.broadcast %reduce_sum3A_1144 : f32 to vector<1x1xf32>
    %add3A_1146 = arith.addf %add3A_1134, %broadcast_in_dim3A_1145 : vector<1x1xf32>
    %concatenate3A_1147 = tpu.concatenate %add3A_1032, %add3A_1043, %add3A_1055, %add3A_1067, %add3A_1079, %add3A_1091, %add3A_1103, %add3A_1115, %add3A_1127, %add3A_1139 in 1 : vector<1x512xf32>, vector<1x512xf32>, vector<1x512xf32>, vector<1x512xf32>, vector<1x512xf32>, vector<1x512xf32>, vector<1x512xf32>, vector<1x512xf32>, vector<1x512xf32>, vector<1x512xf32> -> vector<1x5120xf32>
    %min3A_1148 = arith.constant 5.000000e+03 : f32
    %min3A_1149 = vector.broadcast %min3A_1148 : f32 to vector<1x5120xf32>
    %min3A_1150 = arith.minimumf %convert_element_type3A_1012, %min3A_1149 : vector<1x5120xf32>
    %sub3A_1151 = arith.subf %min3A_1150, %concatenate3A_1147 : vector<1x5120xf32>
    %gt3A_1152 = arith.constant 0.000000e+00 : f32
    %gt3A_1153 = vector.broadcast %gt3A_1152 : f32 to vector<1x5120xf32>
    %gt3A_1154 = arith.cmpf ogt, %mul3A_1018, %gt3A_1153 : vector<1x5120xf32>
    %add3A_1155 = vector.broadcast %add3A_1146 : vector<1x1xf32> to vector<1x5120xf32>
    %add3A_1156 = arith.addf %add3A_1155, %sub3A_1151 : vector<1x5120xf32>
    %select_n3A = arith.select %gt3A_1154, %concatenate3A_1147, %add3A_1156 : vector<1x5120xi1>, vector<1x5120xf32>
    %gt3A_1157 = arith.constant 0.000000e+00 : f32
    %gt3A_1158 = vector.broadcast %gt3A_1157 : f32 to vector<1x5120xf32>
    %gt3A_1159 = arith.cmpf ogt, %convert_element_type3A_1017, %gt3A_1158 : vector<1x5120xf32>
    %jit3A = arith.constant 1.024000e+04 : f32
    %broadcast_in_dim3A_1160 = vector.broadcast %jit3A : f32 to vector<1x5120xf32>
    %select_n3A_1161 = arith.select %gt3A_1159, %select_n3A, %broadcast_in_dim3A_1160 : vector<1x5120xi1>, vector<1x5120xf32>
    %convert_element_type3A_1162 = arith.truncf %get3A_1 : vector<5120x8xf32> to vector<5120x8xbf16>
    %convert_element_type3A_1163 = arith.extf %convert_element_type3A_1162 : vector<5120x8xbf16> to vector<5120x8xf32>
    %sub3A_1164 = arith.subf %get3A_1, %convert_element_type3A_1163 : vector<5120x8xf32>
    %convert_element_type3A_1165 = arith.truncf %sub3A_1164 : vector<5120x8xf32> to vector<5120x8xbf16>
    %convert_element_type3A_1166 = arith.extf %convert_element_type3A_1165 : vector<5120x8xbf16> to vector<5120x8xf32>
    %sub3A_1167 = arith.subf %sub3A_1164, %convert_element_type3A_1166 : vector<5120x8xf32>
    %convert_element_type3A_1168 = arith.truncf %sub3A_1167 : vector<5120x8xf32> to vector<5120x8xbf16>
    %concatenate3A_1169 = tpu.concatenate %convert_element_type3A_1162, %convert_element_type3A_1165, %convert_element_type3A_1168 in 1 : vector<5120x8xbf16>, vector<5120x8xbf16>, vector<5120x8xbf16> -> vector<5120x24xbf16>
    %iota3A_1170 = tpu.iota {dimensions = array<i32: 0>} : vector<304x1xi32>
    %convert_element_type3A_1171 = arith.sitofp %iota3A_1170 : vector<304x1xi32> to vector<304x1xf32>
    %eq3A_1172 = vector.broadcast %select_n3A_1161 : vector<1x5120xf32> to vector<304x5120xf32>
    %eq3A_1173 = vector.broadcast %convert_element_type3A_1171 : vector<304x1xf32> to vector<304x5120xf32>
    %eq3A_1174 = arith.cmpf oeq, %eq3A_1172, %eq3A_1173 : vector<304x5120xf32>
    %convert_element_type3A_1175 = arith.extui %eq3A_1174 : vector<304x5120xi1> to vector<304x5120xi32>
    %convert_element_type3A_1176 = arith.sitofp %convert_element_type3A_1175 : vector<304x5120xi32> to vector<304x5120xf32>
    %convert_element_type3A_1177 = arith.truncf %convert_element_type3A_1176 : vector<304x5120xf32> to vector<304x5120xbf16>
    %dot_general3A_1178 = arith.constant dense<0.000000e+00> : vector<304x24xf32>
    %dot_general3A_1179 = tpu.matmul %convert_element_type3A_1177, %concatenate3A_1169, %dot_general3A_1178 {dimension_numbers = #tpu.dot_dimension_numbers<[1], [0], [0], [1], [0, 0, 1, 1], [], []>, transpose_lhs_hint = false} : vector<304x5120xbf16>, vector<5120x24xbf16>, vector<304x24xf32> -> vector<304x24xf32>
    %slice3A_1180 = vector.extract_strided_slice %dot_general3A_1179 {offsets = [0, 0], sizes = [304, 8], strides = [1, 1]} : vector<304x24xf32> to vector<304x8xf32>
    %slice3A_1181 = vector.extract_strided_slice %dot_general3A_1179 {offsets = [0, 8], sizes = [304, 8], strides = [1, 1]} : vector<304x24xf32> to vector<304x8xf32>
    %add3A_1182 = arith.addf %slice3A_1180, %slice3A_1181 : vector<304x8xf32>
    %slice3A_1183 = vector.extract_strided_slice %dot_general3A_1179 {offsets = [0, 16], sizes = [304, 8], strides = [1, 1]} : vector<304x24xf32> to vector<304x8xf32>
    %add3A_1184 = arith.addf %add3A_1182, %slice3A_1183 : vector<304x8xf32>
    %swap3A = arith.constant 0 : index
    %swap3A_1185 = arith.constant 0 : index
    %swap3A_1186 = vector.load %arg1[%swap3A, %swap3A_1185] : memref<304x8xf32, #tpu.memory_space<vmem>>, vector<304x8xf32>
    tpu.vector_store %arg1[%swap3A, %swap3A_1185], %add3A_1184 {strides = array<i32>} : memref<304x8xf32, #tpu.memory_space<vmem>>, vector<304x8xf32>,
    return
  }
}

</mosaic_0001>

<sc_bundles>
// kernel: kernel.5.cloned.1.call-start
scs
__scs_entry_jumppad:
0x0: {  	(pc) =	sbr.rel $0x88, $3  }
0x1: {  	(tag) =	ssettag $0x0;
	lr =	simm.s32 $0x1  }
0x2: {  	[smem:$0x3F9F] =	sst lr;
	_ =	strace $0xD0000000  }
0x3: {  	_ = 	snop  }
0x4: {  	_ = 	snop  }
0x5: {  	_ = 	snop  }
0x6: {  	_ = 	snop  }
0x7: {  	_ = 	snop  }
__scs_overlays_trampoline_lowered:
0x8: {  	[smem:$0x3FAE] =	sst s0  }
0x9: {  	[smem:$0x3FAF] =	sst s1  }
0xa: {  	[smem:$0x3FB0] =	sst s2  }
0xb: {  	[smem:$0x3FB1] =	sst s3  }
0xc: {  	[smem:$0x3FB2] =	sst s4  }
0xd: {  	[smem:$0x3FB3] =	sst s5  }
0xe: {  	[smem:$0x3FB4] =	sst s6  }
0xf: {  	[smem:$0x3FB5] =	sst s7  }
0x10: {  	[smem:$0x3FB6] =	sst s8  }
0x11: {  	[smem:$0x3FB7] =	sst s9;
	s0 =	simm.s32 @!p0 $0x0  }
0x12: {  	s1 =	sld [smem:$0x3F9D];
	s0 =	simm.s32 @p0 $0x1  }
0x13: {  	[smem:$0x3FB8] =	sst s0;
	s0 =	simm.s32 @!p1 $0x0  }
0x14: {  	s2 =	sld [smem:$0x3F9C];
	s0 =	simm.s32 @p1 $0x1  }
0x15: {  	[smem:$0x3FB9] =	sst s0;
	s0 =	simm.s32 @!p2 $0x0  }
0x16: {  	s3 =	sld [smem:$0x3FDB];
	s0 =	simm.s32 @p2 $0x1  }
0x17: {  	s4 =	simm.s32 $0x1BF5;
	[smem:$0x3FBB] =	sst s0  }
0x18: {  	s0 =	sld [smem:$0x3F9E];
	_ =	swait.ge [sflag:s4], $0x0  }
0x19: {  	s7 =	sld [smem:$0x3F9F]  }
0x1a: {  	s8 =	sadd.s32 $0xFFFFE003, lr  }
0x1b: {  	s9 =	sadd.s32 $0xFFFFFEF7, lr;
	s5 =	simm.s32 $0xFFFFFFFF;
	p2 =	slt.u32 s8, $0xFFFFF086  }
0x1c: {  	p1 =	slt.u32 s9, $0xF7A;
	s5 =	simm.s32 @!p2 $0x0  }
0x1d: {  	s5 =	simm.s32 @p1 $0x1;
	p0 =	seq.s32 s7, s2  }
0x1e: {  	s7 =	smul.u32 @!p0 $0xF7A, s2;
	p2 =	seq.s32 @!p0 s5, $0x0  }
0x1f: {  	s9 =	smul.u32 $0xF7A, s1;
	s8 =	simm.s32 @!p0 $0x1BF5;
	p2 =	por !p2, p0  }
0x20: {  	[sflag:s8] =	ssyncset.s32 @!p0 $0xFFFFF086;
	s6 =	sadd.s32 @!p0 s3, s7;
	s7 =	simm.s32 @!p0 $0x108  }
0x21: {  	s3 =	sadd.s32 s3, s9;
	s6 =	sadd.s32 @!p0 $0x88, s6;
	s7 =	simm.s32 @p2 $0x1082  }
0x22: {  	[simem:s7], [sflag:s8] =	dma.local @!p0 [hbm:s6], $0xF7A  }
0x23: {  	s9 =	sor.u32 $0xD0000000, s2;
	s6 =	simm.s32 $0x108;
	_ =	swait.ge @!p0 [sflag:s8], $0x0  }
0x24: {  	s3 =	sadd.s32 $0x88, s3;
	s6 =	simm.s32 @!p1 $0x1082;
	[sflag:s4] =	ssyncset.s32 $0xFFFFF086  }
0x25: {  	[simem:s6], [sflag:s4] =	dma.local [hbm:s3], $0xF7A  }
0x26: {  	[smem:$0x3F9F] =	sst s1;
	(tag) =	ssettag s2;
	_ =	strace s9  }
0x27: {  	s1 =	sld [smem:$0x3FAF]  }
0x28: {  	s2 =	sld [smem:$0x3FB0]  }
0x29: {  	s4 =	sld [smem:$0x3FB2]  }
0x2a: {  	p0 =	seq.s32 s5, $0x0;
	s5 =	sld [smem:$0x3FB3]  }
0x2b: {  	s6 =	sld [smem:$0x3FB4]  }
0x2c: {  	s7 =	sld [smem:$0x3FB5]  }
0x2d: {  	s3 =	simm.s32 $0x108;
	s8 =	sld [smem:$0x3FB6]  }
0x2e: {  	s3 =	simm.s32 @!p0 $0x1082;
	s9 =	sld [smem:$0x3FB7]  }
0x2f: {  	lr =	sadd.s32 s0, s3;
	s0 =	sld [smem:$0x3FAE]  }
0x30: {  	s3 =	sld [smem:$0x3FB1]  }
0x31: {  	[smem:$0x3FBA] =	sst s10  }
0x32: {  	s10 =	sld [smem:$0x3FB8];
	_ =	sdelay $0x3  }
0x33: {  	p0 =	seq.s32 s10, $0x1;
	s10 =	sld [smem:$0x3FBA];
	_ =	sdelay $0x3  }
0x34: {  	[smem:$0x3FBA] =	sst s10  }
0x35: {  	s10 =	sld [smem:$0x3FB9];
	_ =	sdelay $0x3  }
0x36: {  	p1 =	seq.s32 s10, $0x1;
	s10 =	sld [smem:$0x3FBA];
	_ =	sdelay $0x3  }
0x37: {  	[smem:$0x3FBA] =	sst s10  }
0x38: {  	s10 =	sld [smem:$0x3FBB]  }
0x39: {  	_ = 	snop;
	(pc) =	sbr.ind lr, $3  }
0x3a: {  	_ = 	snop  }
0x3b: {  	_ = 	snop  }
0x3c: {  	p2 =	seq.s32 s10, $0x1;
	s10 =	sld [smem:$0x3FBA]  }
0x3d: {  	_ =	shalt  }
0x3e: {  	_ =	shalt  }
0x3f: {  	_ =	shalt  }
0x40: {  	_ =	shalt  }
0x41: {  	_ =	shalt  }
0x42: {  	_ =	shalt  }
0x43: {  	_ =	shalt  }
0x44: {  	_ =	shalt  }
0x45: {  	_ =	shalt  }
0x46: {  	_ =	shalt  }
0x47: {  	_ =	shalt  }
0x48: {  	_ =	shalt  }
0x49: {  	_ =	shalt  }
0x4a: {  	_ =	shalt  }
0x4b: {  	_ =	shalt  }
0x4c: {  	_ =	shalt  }
0x4d: {  	_ =	shalt  }
0x4e: {  	_ =	shalt  }
0x4f: {  	_ =	shalt  }
0x50: {  	_ =	shalt  }
0x51: {  	_ =	shalt  }
0x52: {  	_ =	shalt  }
0x53: {  	_ =	shalt  }
0x54: {  	_ =	shalt  }
0x55: {  	_ =	shalt  }
0x56: {  	_ =	shalt  }
0x57: {  	_ =	shalt  }
0x58: {  	_ =	shalt  }
0x59: {  	_ =	shalt  }
0x5a: {  	_ =	shalt  }
0x5b: {  	_ =	shalt  }
0x5c: {  	_ =	shalt  }
0x5d: {  	_ =	shalt  }
0x5e: {  	_ =	shalt  }
0x5f: {  	_ =	shalt  }
0x60: {  	_ =	shalt  }
0x61: {  	_ =	shalt  }
0x62: {  	_ =	shalt  }
0x63: {  	_ =	shalt  }
0x64: {  	_ =	shalt  }
0x65: {  	_ =	shalt  }
0x66: {  	_ =	shalt  }
0x67: {  	_ =	shalt  }
0x68: {  	_ =	shalt  }
0x69: {  	_ =	shalt  }
0x6a: {  	_ =	shalt  }
0x6b: {  	_ =	shalt  }
0x6c: {  	_ =	shalt  }
0x6d: {  	_ =	shalt  }
0x6e: {  	_ =	shalt  }
0x6f: {  	_ =	shalt  }
0x70: {  	_ =	shalt  }
0x71: {  	_ =	shalt  }
0x72: {  	_ =	shalt  }
0x73: {  	_ =	shalt  }
0x74: {  	_ =	shalt  }
0x75: {  	_ =	shalt  }
0x76: {  	_ =	shalt  }
0x77: {  	_ =	shalt  }
0x78: {  	_ =	shalt  }
0x79: {  	_ =	shalt  }
0x7a: {  	_ =	shalt  }
0x7b: {  	_ =	shalt  }
0x7c: {  	_ =	shalt  }
0x7d: {  	_ =	shalt  }
0x7e: {  	_ =	shalt  }
0x7f: {  	_ =	shalt  }
0x80: {  	_ =	shalt  }
0x81: {  	_ =	shalt  }
0x82: {  	_ =	shalt  }
0x83: {  	_ =	shalt  }
0x84: {  	_ =	shalt  }
0x85: {  	_ =	shalt  }
0x86: {  	_ =	shalt  }
0x87: {  	_ =	shalt  }
.Lfunc_end0:
.L_simem_size_0:
called_computation_lowered:
.L_overlay_start_0:
0x88: {  	s2 =	sld [smem:$0x3FD9]  }
0x89: {  	s3 =	sld [smem:$0x3FFE];
	_ =	sdelay $0x1  }
0x8a: {  	s1 =	srdreg.scid  }
0x8b: {  	s0 =	sand.u32 $0x1, s1  }
0x8c: {  	s16 =	sshll.u32 s0, $0xA;
	s2 =	sadd.s32 s3, s2  }
0x8d: {  	s2 =	sadd.s32 s2, s16  }
0x8e: {  	[smem:$0x3FC6] =	sst s2  }
0x8f: {  	_ = 	snop  }
0x90: {  	(tm) =	ssettm $0x1  }
0x91: {  	s17 =	sld [smem:$0x3FFB];
	_ =	sdelay $0x3  }
0x92: {  	_ =	strace s17  }
0x93: {  	s2 =	sld [smem:$0x3FFC];
	_ =	sdelay $0x3  }
0x94: {  	_ =	strace s2  }
0x95: {  	s2 =	sld [smem:$0x3FFD];
	_ =	sdelay $0x3  }
0x96: {  	_ =	strace s2  }
0x97: {  	_ =	strace $0x8FFFFFFF  }
0x98: {  	s18 =	sld [smem:$0x3FDB];
	_ =	sdelay $0x1  }
0x99: {  	s19 =	simm.s32 $_scs_section_size  }
0x9a: {  	s4 =	simm.s32 $_size__tile_overlayer_lowered;
	s5 =	simm.s32 $_tile_overlayer_lowered  }
0x9b: {  	s22 =	simm.s32 $0x1BFF;
	s21 =	sshll.u32 s5, $0x1;
	s2 =	sadd.s32 s19, s18  }
0x9c: {  	s6 =	simm.s32 $0x0;
	s20 =	sshll.u32 s4, $0x1;
	s4 =	sadd.s32 s21, s2  }
0x9d: {  	[timem:s6], [sflag:s22] =	dma.local [hbm:s4], s20  }
0x9e: {  	_ =	swait.ge [sflag:s22], s20  }
0x9f: {  	s3 =	ssub.s32 $0x0, s20;
	[sflag:s22] =	ssyncset.done $0x0  }
0xa0: {  	[sflag:s22] =	ssyncadd.s32 s3;
	_ =	sdelay $0x1  }
0xa1: {  	s23 =	simm.s32 $0x1B8B  }
0xa2: {  	_ =	swait.ge [sflag:s23], $0x1  }
0xa3: {  	[sflag:s23] =	ssyncset.done $0x0  }
0xa4: {  	s25 =	simm.s32 $0x1B8E;
	s24 =	sld [smem:$0x3FFE];
	[sflag:s23] =	ssyncadd.s32 $0xFFFFFFFF  }
0xa5: {  	s26 =	simm.s32 $execute0_lowered;
	[smem:$0x3FD2] =	sst s25  }
0xa6: {  	s4 =	sshll.u32 s26, $0x1;
	_ =	strace $0x80000046;
	[dreg:$0x1] =	wrdreg $0xFFFFFFFF  }
0xa7: {  	s28 =	simm.s32 $_size_execute0_lowered;
	s2 =	sadd.s32 s2, s4;
	[dreg:$0x0] =	wrdreg $0x0  }
0xa8: {  	s4 =	sshll.u32 s28, $0x1;
	[dreg:$0x2] =	wrdreg s2  }
0xa9: {  	[dreg:$0x3] =	wrdreg s4  }
0xaa: {  	[dreg:$0x4] =	wrdreg $0xC0  }
0xab: {  	_ =	task [dreg:s6], $0x5FFFF  }
0xac: {  	[dreg:$0x1] =	wrdreg $0xFFFFFFFF  }
0xad: {  	[dreg:$0x0] =	wrdreg $0x60  }
0xae: {  	[dreg:$0x2] =	wrdreg s24  }
0xaf: {  	[dreg:$0x3] =	wrdreg $0x9  }
0xb0: {  	_ =	task.clear_ibuf [dreg:s6], $0x4FFFF;
	_ =	strace $0x90000046  }
0xb1: {  	s29 =	simm.s32 $0x9;
	_ =	strace $0x80000048  }
0xb2: {  	_ =	swait.ge [sflag:s29], $0x1  }
0xb3: {  	[sflag:s29] =	ssyncadd.s32 $0xFFFFFFFF  }
0xb4: {  	_ =	strace $0x90000048  }
0xb5: {  	_ =	sfence  }
0xb6: {  	s30 =	sld [smem:$0x0];
	_ =	sdelay $0x2  }
0xb7: {  	s31 =	sshll.u32 s1, $0xD;
	s1 =	sshrl.u32 s1, $0x2  }
0xb8: {  	s3 =	sand.u32 $0x4000, s31;
	s1 =	sadd.s32 s1, s30  }
0xb9: {  	s0 =	sor.u32 s3, s0;
	s1 =	sshll.u32 s1, $0x11  }
0xba: {  	s0 =	sor.u32 s1, s0  }
0xbb: {  	s0 =	sadd.s32 $0x8F2B, s0  }
0xbc: {  	[sflag:s0] =	ssyncadd.remote.s32 $0x1  }
0xbd: {  	_ =	sfence.sel $0xFFFF  }
0xbe: {  	[dreg:$0x0] =	wrdreg $0xFFFFFFFF;
	(pc) =	sbr.abs _section_cstart, $3  }
0xbf: {  	[dreg:$0x1] =	wrdreg $0xFFFFFFFF  }
0xc0: {  	_ =	task.clear_ibuf [dreg:s6], $0x2FFFF;
	_ =	strace $0x9FFFFFFF  }
0xc1: {  	(tm) =	ssettm $0x7FFFFFFF  }
tec
execute0_lowered:
.L_overlay_start_1:
0x0: {  	(tag) =	ssettag $0x1  }
0x1: {  	s1 =	srdreg.scid;
	s0 =	stileid.u32  }
0x2: {  	s13 =	sand.u32 $0x1, s1;
	s3 =	sshll.u32 s0, $0x1  }
0x3: {  	s11 =	rddreg [dreg:$0x0];
	s5 =	sor.u32 s13, s3  }
0x4: {  	s2 =	simm.s32 $0x0;
	s1 =	rddreg [dreg:$0x1];
	s3 =	smul.u32 $0xA0, s5  }
0x5: {  	[smem:$0x7FF] =	sst s2;
	s4 =	sadd.s32 $0xA00, s11  }
0x6: {  	s8 =	sadd.s32 $0xE00, s11;
	s6 =	sshrl.u32 s3, $0x3;
	s7 =	sadd.s32 $0x50, s3  }
0x7: {  	_ =	strace $0x80000047;
	s3 =	sadd.s32 s4, s6;
	s30 =	sshrl.u32 s7, $0x3  }
0x8: {  	[tilespmem:s2], [sflag:$0x1] =	stream.linear.gather [hbm4b:s3+s2], $0x50, $0x38;
	[tilespmem:$0x5100] =	vst v63  }
0x9: {  	s31 =	smul.u32 $0xA00, s5;
	s5 =	simm.s32 $0x80;
	s4 =	sadd.s32 s4, s30  }
0xa: {  	[tilespmem:s5], [sflag:$0x1] =	stream.linear.gather [hbm4b:s4+s2], $0x50, $0x38;
	[tilespmem:$0x5100] =	vst v63  }
0xb: {  	s6 =	sadd.s32 s8, s31;
	s9 =	sshll.u32 s7, $0x4;
	s7 =	simm.s32 $0x100  }
0xc: {  	[tilespmem:s7], [sflag:$0x1] =	stream.linear.gather [hbm4b:s6+s2], $0x2800, $0x38;
	[tilespmem:$0x5100] =	vst v63  }
0xd: {  	s10 =	simm.s32 $0x1;
	s8 =	sadd.s32 s8, s9;
	s9 =	simm.s32 $0x2900  }
0xe: {  	[tilespmem:s9], [sflag:$0x1] =	stream.linear.gather [hbm4b:s8+s2], $0x2800, $0x38;
	[tilespmem:$0x5100] =	vst v63  }
0xf: {  	_ =	swait.ge [sflag:s10], $0x50  }
0x10: {  	[sflag:s10] =	ssyncset.done $0x0  }
0x11: {  	[sflag:s10] =	ssyncadd.s32 $0xFFFFFFB0  }
0x12: {  	_ =	swait.ge [sflag:s10], $0x50  }
0x13: {  	[sflag:s10] =	ssyncset.done $0x0  }
0x14: {  	[sflag:s10] =	ssyncadd.s32 $0xFFFFFFB0  }
0x15: {  	_ =	swait.ge [sflag:s10], $0x2800  }
0x16: {  	[sflag:s10] =	ssyncset.done $0x0  }
0x17: {  	s14 =	ssub.s32 $0x2, s13;
	[sflag:s10] =	ssyncadd.s32 $0xFFFFD800  }
0x18: {  	s15 =	sshrl.u32 s14, $0x1;
	_ =	swait.ge [sflag:s10], $0x2800  }
0x19: {  	s12 =	simm.s32 $0x50;
	s14 =	ssub.s32 s14, s15;
	[sflag:s10] =	ssyncset.done $0x0  }
0x1a: {  	s11 =	sadd.s32 $0x14E00, s11;
	s14 =	smax.u32 s14, $0x1;
	[sflag:s10] =	ssyncadd.s32 $0xFFFFD800  }
0x1b: {  	[hbm4b:s11+s12] =	stream.indirect.scatter [tilespmem:s7], [sflag:$0x2], $0x80, s2, s12, $0xb8;
	[tilespmem:$0x5100] =	vst v63  }
0x1c: {  	s13 =	simm.s32 $0x2;
	p0 =	sne.s32 s14, $0x1  }
0x1d: {  	[hbm4b:s11+s12] =	stream.indirect.scatter [tilespmem:s9], [sflag:$0x2], $0x80, s5, s12, $0xb8;
	[tilespmem:$0x5100] =	vst v63  }
.Ltmp0:
0x1e: {  	_ =	swait.ge [sflag:s13], $0x2800;
	(pc) =	sbr.rel @!p0 .LBB2_2-.Ltmp0, $4  }
0x1f: {  	[sflag:s13] =	ssyncset.done $0x0  }
0x20: {  	[sflag:s13] =	ssyncadd.s32 $0xFFFFD800  }
0x21: {  	_ =	swait.ge [sflag:s13], $0x2800  }
0x22: {  	s14 =	sadd.s32 $0xFFFFFFFF, s14;
	[sflag:s13] =	ssyncset.done $0x0  }
.LBB2_1:
0x23: {  	p0 =	sne.s32 s14, $0x1;
	s14 =	sadd.s32 $0xFFFFFFFF, s14;
	[sflag:s13] =	ssyncadd.s32 $0xFFFFD800  }
0x24: {  	[tilespmem:s2], [sflag:$0x1] =	stream.linear.gather [hbm4b:s3+s2], $0x50, $0x38;
	[tilespmem:$0x5100] =	vst v63  }
0x25: {  	_ = 	snop  }
0x26: {  	[tilespmem:s5], [sflag:$0x1] =	stream.linear.gather [hbm4b:s4+s2], $0x50, $0x38;
	[tilespmem:$0x5100] =	vst v63  }
0x27: {  	_ = 	snop  }
0x28: {  	[tilespmem:s7], [sflag:$0x1] =	stream.linear.gather [hbm4b:s6+s2], $0x2800, $0x38;
	[tilespmem:$0x5100] =	vst v63  }
0x29: {  	_ = 	snop  }
0x2a: {  	[tilespmem:s9], [sflag:$0x1] =	stream.linear.gather [hbm4b:s8+s2], $0x2800, $0x38;
	[tilespmem:$0x5100] =	vst v63  }
0x2b: {  	_ =	swait.ge [sflag:s10], $0x50  }
0x2c: {  	[sflag:s10] =	ssyncset.done $0x0  }
0x2d: {  	[sflag:s10] =	ssyncadd.s32 $0xFFFFFFB0  }
0x2e: {  	_ =	swait.ge [sflag:s10], $0x50  }
0x2f: {  	[sflag:s10] =	ssyncset.done $0x0  }
0x30: {  	[sflag:s10] =	ssyncadd.s32 $0xFFFFFFB0  }
0x31: {  	_ =	swait.ge [sflag:s10], $0x2800  }
0x32: {  	[sflag:s10] =	ssyncset.done $0x0  }
0x33: {  	[sflag:s10] =	ssyncadd.s32 $0xFFFFD800  }
0x34: {  	_ =	swait.ge [sflag:s10], $0x2800  }
0x35: {  	[sflag:s10] =	ssyncset.done $0x0  }
0x36: {  	[sflag:s10] =	ssyncadd.s32 $0xFFFFD800  }
0x37: {  	[hbm4b:s11+s12] =	stream.indirect.scatter [tilespmem:s7], [sflag:$0x2], $0x80, s2, s12, $0xb8;
	[tilespmem:$0x5100] =	vst v63  }
0x38: {  	_ = 	snop  }
0x39: {  	[hbm4b:s11+s12] =	stream.indirect.scatter [tilespmem:s9], [sflag:$0x2], $0x80, s5, s12, $0xb8;
	[tilespmem:$0x5100] =	vst v63  }
.Ltmp1:
0x3a: {  	_ =	swait.ge [sflag:s13], $0x2800;
	(pc) =	sbr.rel @p0 .LBB2_1-.Ltmp1, $4  }
0x3b: {  	[sflag:s13] =	ssyncset.done $0x0  }
0x3c: {  	[sflag:s13] =	ssyncadd.s32 $0xFFFFD800  }
0x3d: {  	_ =	swait.ge [sflag:s13], $0x2800  }
0x3e: {  	[sflag:s13] =	ssyncset.done $0x0  }
.LBB2_2:
0x3f: {  	[sflag:s13] =	ssyncadd.s32 $0xFFFFD800  }
0x40: {  	_ =	sfence.sel $0x180000  }
0x41: {  	[bflag:$0x0] =	sbarrier.arrive $0xFFFF  }
0x42: {  	p0 =	sne.s32 s0, $0x0;
	_ =	strace $0x90000047  }
0x43: {  	s0 =	sadd.s32 @!p0 $0x100000, s1;
	[bflag:$0x2] =	sbarrier.arrive $0xFFFF  }
0x44: {  	[sflag:s0] =	ssyncadd.tile.s32 @!p0 $0x1;
	_ =	shalt  }
.Lfunc_end2:
_tile_overlayer_lowered:
.L_overlay_start_2:
0x45: {  	(tag) =	ssettag $0x2  }
0x46: {  	s0 =	rddreg [dreg:$0x0];
	s2 =	stileid.u32  }
0x47: {  	s1 =	rddreg [dreg:$0x1];
	p0 =	sne.s32 s2, $0x0  }
0x48: {  	s3 =	rddreg [dreg:$0x2];
	[bflag:$0x3] =	sbarrier.arrive $0xFFFF;
	s2 =	simm.s32 @!p0 $0x1C03  }
0x49: {  	[timem:s3], [sflag:s2] =	dma.local @!p0 [hbm:s0], s1  }
0x4a: {  	s0 =	simm.s32 @!p0 $0x3  }
0x4b: {  	_ =	swait.ge @!p0 [sflag:s0], s1  }
0x4c: {  	s1 =	ssub.s32 @!p0 $0x0, s1;
	[sflag:s0] =	ssyncset.done @!p0 $0x0  }
0x4d: {  	[sflag:s0] =	ssyncadd.s32 @!p0 s1  }
0x4e: {  	[bflag:$0x3] =	sbarrier.arrive $0xFFFF  }
0x4f: {  	_ =	shalt  }

</sc_bundles>
